<compile_context>
chip_gen: v7x
topology: tpu7x:2x2x1
jax: 0.10.2.dev20260603
libtpu: 0.0.44.dev20260713+nightly
codegen_flags: <defaults>
</compile_context>

<pallas_src>
import functools

import jax
import jax.numpy as jnp
from jax import lax
from jax.experimental import pallas as pl
from jax.experimental.pallas import tpu as pltpu
from jax.experimental.pallas import tpu_sc as plsc
import numpy as np

B, H, W = 4, 480, 640
NUM_CATS = 16
VR = 100
G = VR * VR
SLOT = G + 16
NSLOTS = 10
ROWS_PER_BAND = H // 4
TILE_ROWS = 4
TILE_PIX = TILE_ROWS * W
NTILES = ROWS_PER_BAND // TILE_ROWS
NGROUPS = TILE_PIX // 16

F = W / 2.0 / np.tan(np.deg2rad(79.0 / 2.0))
INV_F = np.float32(1.0 / F)
CX = np.float32(W / 2.0)
CY = np.float32(H / 2.0)
INV_RES = np.float32(1.0 / 5.0)
CAT_SCALE = np.float32(1.0 / 5.0)


def _sc_body(depth_hbm, sem_hbm, out_hbm, part_hbm, grid, dbuf, sbuf, idxb,
             sem_d, sem_s0, sem_s1, sem_s2, sem_s3):
    sem_s = (sem_s0, sem_s1, sem_s2, sem_s3)
    c = lax.axis_index("c")
    s = lax.axis_index("s")
    pair = s // 2
    role = s % 2
    b_local = pair // 4
    band = pair % 4
    b = 2 * c + b_local
    row_base = band * ROWS_PER_BAND

    lane_i = lax.iota(jnp.int32, 16)
    lane_f = lane_i.astype(jnp.float32)
    ones_v = jnp.ones((16,), jnp.float32)
    zeros_v = jnp.zeros((16,), jnp.float32)
    trash = G + lane_i

    @plsc.parallel_loop(0, (NSLOTS * SLOT) // 16, unroll=8)
    def _zero(i):
        grid[pl.ds(i * 16, 16)] = zeros_v

    def _depth_copy(t, buf):
        return pltpu.make_async_copy(
            depth_hbm.at[b, pl.ds(row_base + t * TILE_ROWS, TILE_ROWS), :],
            dbuf.at[buf], sem_d)

    def _sem_copy(t, kk, buf):
        return pltpu.make_async_copy(
            sem_hbm.at[b, pl.ds(role * 8 + kk * 2, 2),
                       pl.ds(row_base + t * TILE_ROWS, TILE_ROWS), :],
            sbuf.at[buf], sem_s[kk])

    _depth_copy(0, 0).start()
    for kk in range(4):
        _sem_copy(0, kk, kk).start()

    def _tile(t, carry):
        tb = t % 2
        _depth_copy(t, tb).wait()

        @pl.when(t + 1 < NTILES)
        def _prefetch_depth():
            _depth_copy(t + 1, (t + 1) % 2).start()

        def _pass1_row(r, carry):
            row = row_base + t * TILE_ROWS + r
            ys = (row.astype(jnp.float32) - CY) * INV_F
            rbase = r * W

            @plsc.parallel_loop(0, W // 16, unroll=4)
            def _grp(j):
                base = rbase + j * 16
                d = dbuf[tb, r, pl.ds(j * 16, 16)]
                depth_cm = d * 450.0 + 50.0
                col0 = j * 16
                xs = (col0.astype(jnp.float32) + lane_f - CX) * INV_F
                xx = depth_cm * xs * INV_RES + (VR / 2.0)
                yy = depth_cm * INV_RES
                zz = (128.0 - depth_cm * ys) * INV_RES
                valid = ((xx >= 0.0) & (xx < 100.0) & (yy < 100.0)
                         & (zz >= 0.0) & (zz < 80.0))
                agent = valid & (zz >= 5.0) & (zz < 25.0)
                gidx = xx.astype(jnp.int32) * VR + yy.astype(jnp.int32)
                idx_agent = jnp.where(agent, gidx, trash)
                idxb[pl.ds(base, 16)] = idx_agent

                @pl.when(role == 0)
                def _counts():
                    idx_all = jnp.where(valid, gidx, trash)
                    plsc.addupdate_scatter(grid, [idx_agent], ones_v)
                    plsc.addupdate_scatter(grid, [idx_all + SLOT], ones_v)
            return carry
        lax.fori_loop(0, TILE_ROWS, _pass1_row, 0)

        for g2 in range(2):
            for kk in (2 * g2, 2 * g2 + 1):
                _sem_copy(t, kk, kk).wait()

            @plsc.parallel_loop(0, NGROUPS, unroll=2)
            def _chan(u):
                base = u * 16
                r = u // (W // 16)
                cb = (u % (W // 16)) * 16
                gi = idxb[pl.ds(base, 16)]
                for kk in (2 * g2, 2 * g2 + 1):
                    for half in range(2):
                        k = kk * 2 + half
                        off = (k + 2 * (1 - role)) * SLOT
                        v = sbuf[kk, half, r, pl.ds(cb, 16)]
                        plsc.addupdate_scatter(
                            grid.at[pl.ds(off, SLOT)], [gi], v)

            for kk in (2 * g2, 2 * g2 + 1):
                @pl.when(t + 1 < NTILES)
                def _refill():
                    _sem_copy(t + 1, kk, kk).start()
        return carry
    lax.fori_loop(0, NTILES, _tile, 0)

    QTR = (NSLOTS * SLOT) // 4
    for q in range(4):
        pltpu.make_async_copy(
            grid.at[pl.ds(q * QTR, QTR)],
            part_hbm.at[16 * c + s, pl.ds(q * QTR, QTR)], sem_d).start()
    for q in range(4):
        pltpu.make_async_copy(
            grid.at[pl.ds(q * QTR, QTR)],
            part_hbm.at[16 * c + s, pl.ds(q * QTR, QTR)], sem_d).wait()
    plsc.subcore_barrier()

    for m in range(3):
        rowid = s + 16 * m

        @pl.when(rowid < 36)
        def _reduce():
            b_l = rowid // 18
            ch = rowid % 18
            role_src = jnp.where(ch >= 10, 1, 0)
            slot = ch - 10 * role_src
            for q in range(4):
                s_src = (b_l * 4 + q) * 2 + role_src
                pltpu.make_async_copy(
                    part_hbm.at[16 * c + s_src, pl.ds(slot * SLOT, G)],
                    grid.at[pl.ds(q * G, G)], sem_s[q]).start()
            for q in range(4):
                s_src = (b_l * 4 + q) * 2 + role_src
                pltpu.make_async_copy(
                    part_hbm.at[16 * c + s_src, pl.ds(slot * SLOT, G)],
                    grid.at[pl.ds(q * G, G)], sem_s[q]).wait()
            scale = jnp.where(ch >= 2, CAT_SCALE, np.float32(1.0))

            @plsc.parallel_loop(0, G // 16, unroll=4)
            def _red(u):
                base = u * 16
                a = (grid[pl.ds(base, 16)]
                     + grid[pl.ds(G + base, 16)]
                     + grid[pl.ds(2 * G + base, 16)]
                     + grid[pl.ds(3 * G + base, 16)])
                grid[pl.ds(4 * G + base, 16)] = jnp.minimum(a * scale, 1.0)
            pltpu.sync_copy(grid.at[pl.ds(4 * G, G)],
                            out_hbm.at[2 * c + b_l, ch])


@functools.partial(jax.jit, static_argnums=())
def kernel(depth, sem):
    mesh = plsc.VectorSubcoreMesh(core_axis_name="c", subcore_axis_name="s")
    run = pl.kernel(
        _sc_body,
        mesh=mesh,
        compiler_params=pltpu.CompilerParams(
            needs_layout_passes=False, use_tc_tiling_on_sc=False),
        out_type=(
            jax.ShapeDtypeStruct((B, 18, G), jnp.float32),
            jax.ShapeDtypeStruct((32, NSLOTS * SLOT), jnp.float32),
        ),
        scratch_types=[
            pltpu.VMEM((NSLOTS * SLOT,), jnp.float32),
            pltpu.VMEM((2, TILE_ROWS, W), jnp.float32),
            pltpu.VMEM((4, 2, TILE_ROWS, W), jnp.float32),
            pltpu.VMEM((TILE_PIX,), jnp.int32),
            pltpu.SemaphoreType.DMA,
            pltpu.SemaphoreType.DMA,
            pltpu.SemaphoreType.DMA,
            pltpu.SemaphoreType.DMA,
            pltpu.SemaphoreType.DMA,
        ],
    )
    out, _ = run(depth, sem)
    return out.reshape(B, 18, VR, VR)

# --- scband reference (transcript-rebuilt; emitter-appended) ---
"""Pipeline reference for scband-semantic-mapping-7052336300215 (READ-ONLY COPY).

The authoritative reference and input builder live on the scoring server;
editing this copy changes nothing except your own understanding.
"""

import jax, jax.numpy as jnp
import numpy as np

B, H, W = 4, 480, 640
NUM_CATS = 16
VR = 100
RES = 5.0
Z_RES = 5.0
NZ = 80  # (360 - (-40)) / 5
MIN_H_CM = -40.0
FOV = 79.0
AGENT_HEIGHT_CM = 88.0
MIN_Z_BIN = int(25 / Z_RES)
MAX_Z_BIN = int((AGENT_HEIGHT_CM + 1 - MIN_H_CM) / Z_RES)
MAP_PRED_T = 1.0
EXP_PRED_T = 1.0
CAT_PRED_T = 5.0


def setup_inputs(seed: int = 0):
    key = jax.random.key(seed)
    k1, k2 = jax.random.split(key)
    depth = jax.random.uniform(k1, (B, H, W), dtype=jnp.float32)
    sem = jax.random.uniform(k2, (B, NUM_CATS, H, W), dtype=jnp.float32)
    return {"depth": depth, "sem": sem}


def reference(depth, sem):
    # 1. depth observation -> point cloud (pinhole camera model)
    depth_cm = depth * 450.0 + 50.0
    f = W / 2.0 / np.tan(np.deg2rad(FOV / 2.0))
    cx, cy = W / 2.0, H / 2.0
    xs = (jnp.arange(W, dtype=jnp.float32) - cx) / f
    ys = (jnp.arange(H, dtype=jnp.float32) - cy) / f
    X = depth_cm * xs[None, None, :]
    Y = depth_cm * ys[None, :, None]
    Z = depth_cm
    # 2/3. bin points into voxel grid coordinates (histogram binning)
    XX = X / RES + VR / 2.0
    YY = Z / RES
    ZZ = (AGENT_HEIGHT_CM - Y - MIN_H_CM) / Z_RES
    xi = jnp.floor(XX).astype(jnp.int32)
    yi = jnp.floor(YY).astype(jnp.int32)
    zi = jnp.floor(ZZ).astype(jnp.int32)
    valid = ((xi >= 0) & (xi < VR) & (yi >= 0) & (yi < VR) & (zi >= 0) & (zi < NZ))
    xi = jnp.clip(xi, 0, VR - 1)
    yi = jnp.clip(yi, 0, VR - 1)
    zi = jnp.clip(zi, 0, NZ - 1)
    flat_idx = ((xi * VR + yi) * NZ + zi).reshape(B, H * W)
    validf = valid.reshape(B, H * W).astype(jnp.float32)
    # associate predicted semantic categories (+ occupancy ones) with each point
    ones_feat = jnp.ones((B, 1, H * W), dtype=jnp.float32)
    feat = jnp.concatenate([ones_feat, sem.reshape(B, NUM_CATS, H * W)], axis=1)
    feat = feat * validf[:, None, :]

    def splat(feat_b, idx_b):
        grid = jnp.zeros((1 + NUM_CATS, VR * VR * NZ), dtype=jnp.float32)
        return grid.at[:, idx_b].add(feat_b)

    voxels = jax.vmap(splat)(feat, flat_idx)
    voxels = voxels.reshape(B, 1 + NUM_CATS, VR, VR, NZ)
    # 4. sum over height dimension and threshold
    agent_height_proj = voxels[..., MIN_Z_BIN:MAX_Z_BIN].sum(-1)
    all_height_proj = voxels.sum(-1)
    fp_map = jnp.clip(agent_height_proj[:, 0:1] / MAP_PRED_T, 0.0, 1.0)
    fp_exp = jnp.clip(all_height_proj[:, 0:1] / EXP_PRED_T, 0.0, 1.0)
    sem_map = jnp.clip(agent_height_proj[:, 1:] / CAT_PRED_T, 0.0, 1.0)
    return jnp.concatenate([fp_map, fp_exp, sem_map], axis=1)

if __name__ == "__main__":
    import jax
    _d = setup_inputs()
    print(jax.jit(kernel)(*tuple(_d.values())))

</pallas_src>

<mosaic_0001>
#map = affine_map<(d0, d1) -> (0, 0, 0)>
#map1 = affine_map<(d0, d1) -> (0, 0, 0, 0)>
#map2 = affine_map<(d0, d1) -> (0, 0)>
module attributes {stable_mosaic.version = 14 : i64} {
  func.func @_sc_body(%arg0: i32, %arg1: i32, %arg2: memref<4x480x640xf32, #tpu.memory_space<hbm>>, %arg3: memref<4x16x480x640xf32, #tpu.memory_space<hbm>>, %arg4: memref<4x18x10000xf32, #tpu.memory_space<hbm>>, %arg5: memref<32x100160xf32, #tpu.memory_space<hbm>>, %arg6: memref<100160xf32, #tpu.memory_space<vmem>>, %arg7: memref<2x4x640xf32, #tpu.memory_space<vmem>>, %arg8: memref<4x2x4x640xf32, #tpu.memory_space<vmem>>, %arg9: memref<2560xi32, #tpu.memory_space<vmem>>, %arg10: memref<!tpu.dma_semaphore, #tpu.memory_space<semaphore_mem>>, %arg11: memref<!tpu.dma_semaphore, #tpu.memory_space<semaphore_mem>>, %arg12: memref<!tpu.dma_semaphore, #tpu.memory_space<semaphore_mem>>, %arg13: memref<!tpu.dma_semaphore, #tpu.memory_space<semaphore_mem>>, %arg14: memref<!tpu.dma_semaphore, #tpu.memory_space<semaphore_mem>>) attributes {dimension_semantics = [#tpu.dimension_semantics<core_parallel>, #tpu.dimension_semantics<subcore_parallel>], iteration_bounds = array<i64: 2, 16>, scalar_prefetch = 0 : i64, scratch_operands = 9 : i64, tpu.core_type = #tpu.core_type<sc_vector_subcore>, window_params = [{transform_indices = #map}, {transform_indices = #map1}, {transform_indices = #map}, {transform_indices = #map2}]} {
    %jit3A = arith.constant 2 : i32
    %div3A = arith.divsi %arg1, %jit3A : i32
    %sign3A = arith.constant 0 : i32
    %sign3A_0 = arith.cmpi sgt, %arg1, %sign3A : i32
    %sign3A_1 = arith.extui %sign3A_0 : i1 to i32
    %sign3A_2 = arith.constant 0 : i32
    %sign3A_3 = arith.cmpi slt, %arg1, %sign3A_2 : i32
    %sign3A_4 = arith.extui %sign3A_3 : i1 to i32
    %sign3A_5 = arith.subi %sign3A_1, %sign3A_4 : i32
    %sign3A_6 = arith.constant 0 : i32
    %sign3A_7 = arith.cmpi sgt, %jit3A, %sign3A_6 : i32
    %sign3A_8 = arith.extui %sign3A_7 : i1 to i32
    %sign3A_9 = arith.constant 0 : i32
    %sign3A_10 = arith.cmpi slt, %jit3A, %sign3A_9 : i32
    %sign3A_11 = arith.extui %sign3A_10 : i1 to i32
    %sign3A_12 = arith.subi %sign3A_8, %sign3A_11 : i32
    %ne3A = arith.cmpi ne, %sign3A_5, %sign3A_12 : i32
    %rem3A = arith.remsi %arg1, %jit3A : i32
    %ne3A_13 = arith.constant 0 : i32
    %ne3A_14 = arith.cmpi ne, %rem3A, %ne3A_13 : i32
    %and3A = arith.andi %ne3A, %ne3A_14 : i1
    %sub3A = arith.constant 1 : i32
    %sub3A_15 = arith.subi %div3A, %sub3A : i32
    %select_n3A = arith.select %and3A, %sub3A_15, %div3A : i32
    %jit3A_16 = arith.constant 2 : i32
    %eq3A = arith.constant 0 : i32
    %eq3A_17 = arith.cmpi eq, %jit3A_16, %eq3A : i32
    %jit3A_18 = arith.constant 1 : i32
    %select_n3A_19 = arith.select %eq3A_17, %jit3A_18, %jit3A_16 : i32
    %rem3A_20 = arith.remsi %arg1, %select_n3A_19 : i32
    %ne3A_21 = arith.constant 0 : i32
    %ne3A_22 = arith.cmpi ne, %rem3A_20, %ne3A_21 : i32
    %lt3A = arith.constant 0 : i32
    %lt3A_23 = arith.cmpi slt, %rem3A_20, %lt3A : i32
    %lt3A_24 = arith.constant 0 : i32
    %lt3A_25 = arith.cmpi slt, %select_n3A_19, %lt3A_24 : i32
    %ne3A_26 = arith.xori %lt3A_23, %lt3A_25 : i1
    %and3A_27 = arith.andi %ne3A_26, %ne3A_22 : i1
    %add3A = arith.addi %rem3A_20, %select_n3A_19 : i32
    %select_n3A_28 = arith.select %and3A_27, %add3A, %rem3A_20 : i32
    %jit3A_29 = arith.constant 4 : i32
    %div3A_30 = arith.divsi %select_n3A, %jit3A_29 : i32
    %sign3A_31 = arith.constant 0 : i32
    %sign3A_32 = arith.cmpi sgt, %select_n3A, %sign3A_31 : i32
    %sign3A_33 = arith.extui %sign3A_32 : i1 to i32
    %sign3A_34 = arith.constant 0 : i32
    %sign3A_35 = arith.cmpi slt, %select_n3A, %sign3A_34 : i32
    %sign3A_36 = arith.extui %sign3A_35 : i1 to i32
    %sign3A_37 = arith.subi %sign3A_33, %sign3A_36 : i32
    %sign3A_38 = arith.constant 0 : i32
    %sign3A_39 = arith.cmpi sgt, %jit3A_29, %sign3A_38 : i32
    %sign3A_40 = arith.extui %sign3A_39 : i1 to i32
    %sign3A_41 = arith.constant 0 : i32
    %sign3A_42 = arith.cmpi slt, %jit3A_29, %sign3A_41 : i32
    %sign3A_43 = arith.extui %sign3A_42 : i1 to i32
    %sign3A_44 = arith.subi %sign3A_40, %sign3A_43 : i32
    %ne3A_45 = arith.cmpi ne, %sign3A_37, %sign3A_44 : i32
    %rem3A_46 = arith.remsi %select_n3A, %jit3A_29 : i32
    %ne3A_47 = arith.constant 0 : i32
    %ne3A_48 = arith.cmpi ne, %rem3A_46, %ne3A_47 : i32
    %and3A_49 = arith.andi %ne3A_45, %ne3A_48 : i1
    %sub3A_50 = arith.constant 1 : i32
    %sub3A_51 = arith.subi %div3A_30, %sub3A_50 : i32
    %select_n3A_52 = arith.select %and3A_49, %sub3A_51, %div3A_30 : i32
    %jit3A_53 = arith.constant 4 : i32
    %eq3A_54 = arith.constant 0 : i32
    %eq3A_55 = arith.cmpi eq, %jit3A_53, %eq3A_54 : i32
    %jit3A_56 = arith.constant 1 : i32
    %select_n3A_57 = arith.select %eq3A_55, %jit3A_56, %jit3A_53 : i32
    %rem3A_58 = arith.remsi %select_n3A, %select_n3A_57 : i32
    %ne3A_59 = arith.constant 0 : i32
    %ne3A_60 = arith.cmpi ne, %rem3A_58, %ne3A_59 : i32
    %lt3A_61 = arith.constant 0 : i32
    %lt3A_62 = arith.cmpi slt, %rem3A_58, %lt3A_61 : i32
    %lt3A_63 = arith.constant 0 : i32
    %lt3A_64 = arith.cmpi slt, %select_n3A_57, %lt3A_63 : i32
    %ne3A_65 = arith.xori %lt3A_62, %lt3A_64 : i1
    %and3A_66 = arith.andi %ne3A_65, %ne3A_60 : i1
    %add3A_67 = arith.addi %rem3A_58, %select_n3A_57 : i32
    %select_n3A_68 = arith.select %and3A_66, %add3A_67, %rem3A_58 : i32
    %mul3A = arith.constant 2 : i32
    %mul3A_69 = arith.muli %mul3A, %arg0 : i32
    %add3A_70 = arith.addi %mul3A_69, %select_n3A_52 : i32
    %mul3A_71 = arith.constant 120 : i32
    %mul3A_72 = arith.muli %select_n3A_68, %mul3A_71 : i32
    %iota3A = tpu.iota {dimensions = array<i32: 0>} : vector<16xi32>
    %convert_element_type3A = arith.sitofp %iota3A : vector<16xi32> to vector<16xf32>
    %broadcast_in_dim3A = arith.constant 1.000000e+00 : f32
    %broadcast_in_dim3A_73 = vector.broadcast %broadcast_in_dim3A : f32 to vector<16xf32>
    %broadcast_in_dim3A_74 = arith.constant 0.000000e+00 : f32
    %broadcast_in_dim3A_75 = vector.broadcast %broadcast_in_dim3A_74 : f32 to vector<16xf32>
    %add3A_76 = arith.constant 10000 : i32
    %add3A_77 = vector.broadcast %add3A_76 : i32 to vector<16xi32>
    %add3A_78 = arith.addi %add3A_77, %iota3A : vector<16xi32>
    %parallel_loop3A = arith.constant 0 : i32
    %parallel_loop3A_79 = arith.constant 6260 : i32
    %parallel_loop3A_80 = arith.constant 1 : i32
    scf.for %parallel_loop3A_317 = %parallel_loop3A to %parallel_loop3A_79 step %parallel_loop3A_80  : i32 {
      %parallel_loop3A_318 = arith.constant 16 : i32
      %parallel_loop3A_319 = arith.muli %parallel_loop3A_317, %parallel_loop3A_318 : i32
      %parallel_loop3A_320 = arith.index_cast %parallel_loop3A_319 : i32 to index
      %parallel_loop3A_321 = tpu.vector_load %arg6[%parallel_loop3A_320] {strides = array<i32>} : memref<100160xf32, #tpu.memory_space<vmem>>, vector<16xf32>,
      tpu.vector_store %arg6[%parallel_loop3A_320], %broadcast_in_dim3A_75 {strides = array<i32>} : memref<100160xf32, #tpu.memory_space<vmem>>, vector<16xf32>,
    } {sc.loop_unroll_factor = 8 : i64, sc.parallel_access}
    %add3A_81 = arith.constant 0 : i32
    %add3A_82 = arith.addi %mul3A_72, %add3A_81 : i32
    %dma_start3A = arith.constant 0 : i32
    %dma_start3A_83 = arith.constant 0 : i32
    %dma_start3A_84 = arith.constant 0 : i32
    %dma_start3A_85 = tpu.memref_slice %arg7[%dma_start3A, %dma_start3A_83, %dma_start3A_84] : memref<2x4x640xf32, #tpu.memory_space<vmem>> -> memref<1x4x640xf32, #tpu.memory_space<vmem>>
    %dma_start3A_86 = tpu.memref_squeeze %dma_start3A_85 : memref<1x4x640xf32, #tpu.memory_space<vmem>> -> memref<4x640xf32, #tpu.memory_space<vmem>>
    %dma_start3A_87 = arith.constant 0 : i32
    %dma_start3A_88 = tpu.memref_slice %arg2[%add3A_70, %add3A_82, %dma_start3A_87] : memref<4x480x640xf32, #tpu.memory_space<hbm>> -> memref<1x4x640xf32, #tpu.memory_space<hbm>>
    %dma_start3A_89 = tpu.memref_squeeze %dma_start3A_88 : memref<1x4x640xf32, #tpu.memory_space<hbm>> -> memref<4x640xf32, #tpu.memory_space<hbm>>
    %dma_start3A_90 = arith.constant 0 : i32
    %dma_start3A_91 = arith.constant 0 : i32
    %dma_start3A_92 = tpu.memref_slice %arg7[%dma_start3A, %dma_start3A_90, %dma_start3A_91] : memref<2x4x640xf32, #tpu.memory_space<vmem>> -> memref<1x4x640xf32, #tpu.memory_space<vmem>>
    %dma_start3A_93 = tpu.memref_squeeze %dma_start3A_92 : memref<1x4x640xf32, #tpu.memory_space<vmem>> -> memref<4x640xf32, #tpu.memory_space<vmem>>
    %dma_start3A_94 = arith.constant 0 : i32
    %dma_start3A_95 = tpu.memref_slice %arg2[%add3A_70, %add3A_82, %dma_start3A_94] : memref<4x480x640xf32, #tpu.memory_space<hbm>> -> memref<1x4x640xf32, #tpu.memory_space<hbm>>
    %dma_start3A_96 = tpu.memref_squeeze %dma_start3A_95 : memref<1x4x640xf32, #tpu.memory_space<hbm>> -> memref<4x640xf32, #tpu.memory_space<hbm>>
    tpu.enqueue_dma source(%dma_start3A_96 : memref<4x640xf32, #tpu.memory_space<hbm>>) target(%dma_start3A_93 : memref<4x640xf32, #tpu.memory_space<vmem>>) target_semaphore(%arg10 : memref<!tpu.dma_semaphore, #tpu.memory_space<semaphore_mem>>)
    %mul3A_97 = arith.constant 8 : i32
    %mul3A_98 = arith.muli %select_n3A_28, %mul3A_97 : i32
    %add3A_99 = arith.constant 0 : i32
    %add3A_100 = arith.addi %mul3A_98, %add3A_99 : i32
    %add3A_101 = arith.constant 0 : i32
    %add3A_102 = arith.addi %mul3A_72, %add3A_101 : i32
    %dma_start3A_103 = arith.constant 0 : i32
    %dma_start3A_104 = arith.constant 0 : i32
    %dma_start3A_105 = arith.constant 0 : i32
    %dma_start3A_106 = arith.constant 0 : i32
    %dma_start3A_107 = tpu.memref_slice %arg8[%dma_start3A_103, %dma_start3A_104, %dma_start3A_105, %dma_start3A_106] : memref<4x2x4x640xf32, #tpu.memory_space<vmem>> -> memref<1x2x4x640xf32, #tpu.memory_space<vmem>>
    %dma_start3A_108 = tpu.memref_squeeze %dma_start3A_107 : memref<1x2x4x640xf32, #tpu.memory_space<vmem>> -> memref<2x4x640xf32, #tpu.memory_space<vmem>>
    %dma_start3A_109 = arith.constant 0 : i32
    %dma_start3A_110 = tpu.memref_slice %arg3[%add3A_70, %add3A_100, %add3A_102, %dma_start3A_109] : memref<4x16x480x640xf32, #tpu.memory_space<hbm>> -> memref<1x2x4x640xf32, #tpu.memory_space<hbm>>
    %dma_start3A_111 = tpu.memref_squeeze %dma_start3A_110 : memref<1x2x4x640xf32, #tpu.memory_space<hbm>> -> memref<2x4x640xf32, #tpu.memory_space<hbm>>
    %dma_start3A_112 = arith.constant 0 : i32
    %dma_start3A_113 = arith.constant 0 : i32
    %dma_start3A_114 = arith.constant 0 : i32
    %dma_start3A_115 = tpu.memref_slice %arg8[%dma_start3A_103, %dma_start3A_112, %dma_start3A_113, %dma_start3A_114] : memref<4x2x4x640xf32, #tpu.memory_space<vmem>> -> memref<1x2x4x640xf32, #tpu.memory_space<vmem>>
    %dma_start3A_116 = tpu.memref_squeeze %dma_start3A_115 : memref<1x2x4x640xf32, #tpu.memory_space<vmem>> -> memref<2x4x640xf32, #tpu.memory_space<vmem>>
    %dma_start3A_117 = arith.constant 0 : i32
    %dma_start3A_118 = tpu.memref_slice %arg3[%add3A_70, %add3A_100, %add3A_102, %dma_start3A_117] : memref<4x16x480x640xf32, #tpu.memory_space<hbm>> -> memref<1x2x4x640xf32, #tpu.memory_space<hbm>>
    %dma_start3A_119 = tpu.memref_squeeze %dma_start3A_118 : memref<1x2x4x640xf32, #tpu.memory_space<hbm>> -> memref<2x4x640xf32, #tpu.memory_space<hbm>>
    tpu.enqueue_dma source(%dma_start3A_119 : memref<2x4x640xf32, #tpu.memory_space<hbm>>) target(%dma_start3A_116 : memref<2x4x640xf32, #tpu.memory_space<vmem>>) target_semaphore(%arg11 : memref<!tpu.dma_semaphore, #tpu.memory_space<semaphore_mem>>)
    %mul3A_120 = arith.constant 8 : i32
    %mul3A_121 = arith.muli %select_n3A_28, %mul3A_120 : i32
    %add3A_122 = arith.constant 2 : i32
    %add3A_123 = arith.addi %mul3A_121, %add3A_122 : i32
    %add3A_124 = arith.constant 0 : i32
    %add3A_125 = arith.addi %mul3A_72, %add3A_124 : i32
    %dma_start3A_126 = arith.constant 1 : i32
    %dma_start3A_127 = arith.constant 0 : i32
    %dma_start3A_128 = arith.constant 0 : i32
    %dma_start3A_129 = arith.constant 0 : i32
    %dma_start3A_130 = tpu.memref_slice %arg8[%dma_start3A_126, %dma_start3A_127, %dma_start3A_128, %dma_start3A_129] : memref<4x2x4x640xf32, #tpu.memory_space<vmem>> -> memref<1x2x4x640xf32, #tpu.memory_space<vmem>>
    %dma_start3A_131 = tpu.memref_squeeze %dma_start3A_130 : memref<1x2x4x640xf32, #tpu.memory_space<vmem>> -> memref<2x4x640xf32, #tpu.memory_space<vmem>>
    %dma_start3A_132 = arith.constant 0 : i32
    %dma_start3A_133 = tpu.memref_slice %arg3[%add3A_70, %add3A_123, %add3A_125, %dma_start3A_132] : memref<4x16x480x640xf32, #tpu.memory_space<hbm>> -> memref<1x2x4x640xf32, #tpu.memory_space<hbm>>
    %dma_start3A_134 = tpu.memref_squeeze %dma_start3A_133 : memref<1x2x4x640xf32, #tpu.memory_space<hbm>> -> memref<2x4x640xf32, #tpu.memory_space<hbm>>
    %dma_start3A_135 = arith.constant 0 : i32
    %dma_start3A_136 = arith.constant 0 : i32
    %dma_start3A_137 = arith.constant 0 : i32
    %dma_start3A_138 = tpu.memref_slice %arg8[%dma_start3A_126, %dma_start3A_135, %dma_start3A_136, %dma_start3A_137] : memref<4x2x4x640xf32, #tpu.memory_space<vmem>> -> memref<1x2x4x640xf32, #tpu.memory_space<vmem>>
    %dma_start3A_139 = tpu.memref_squeeze %dma_start3A_138 : memref<1x2x4x640xf32, #tpu.memory_space<vmem>> -> memref<2x4x640xf32, #tpu.memory_space<vmem>>
    %dma_start3A_140 = arith.constant 0 : i32
    %dma_start3A_141 = tpu.memref_slice %arg3[%add3A_70, %add3A_123, %add3A_125, %dma_start3A_140] : memref<4x16x480x640xf32, #tpu.memory_space<hbm>> -> memref<1x2x4x640xf32, #tpu.memory_space<hbm>>
    %dma_start3A_142 = tpu.memref_squeeze %dma_start3A_141 : memref<1x2x4x640xf32, #tpu.memory_space<hbm>> -> memref<2x4x640xf32, #tpu.memory_space<hbm>>
    tpu.enqueue_dma source(%dma_start3A_142 : memref<2x4x640xf32, #tpu.memory_space<hbm>>) target(%dma_start3A_139 : memref<2x4x640xf32, #tpu.memory_space<vmem>>) target_semaphore(%arg12 : memref<!tpu.dma_semaphore, #tpu.memory_space<semaphore_mem>>)
    %mul3A_143 = arith.constant 8 : i32
    %mul3A_144 = arith.muli %select_n3A_28, %mul3A_143 : i32
    %add3A_145 = arith.constant 4 : i32
    %add3A_146 = arith.addi %mul3A_144, %add3A_145 : i32
    %add3A_147 = arith.constant 0 : i32
    %add3A_148 = arith.addi %mul3A_72, %add3A_147 : i32
    %dma_start3A_149 = arith.constant 2 : i32
    %dma_start3A_150 = arith.constant 0 : i32
    %dma_start3A_151 = arith.constant 0 : i32
    %dma_start3A_152 = arith.constant 0 : i32
    %dma_start3A_153 = tpu.memref_slice %arg8[%dma_start3A_149, %dma_start3A_150, %dma_start3A_151, %dma_start3A_152] : memref<4x2x4x640xf32, #tpu.memory_space<vmem>> -> memref<1x2x4x640xf32, #tpu.memory_space<vmem>>
    %dma_start3A_154 = tpu.memref_squeeze %dma_start3A_153 : memref<1x2x4x640xf32, #tpu.memory_space<vmem>> -> memref<2x4x640xf32, #tpu.memory_space<vmem>>
    %dma_start3A_155 = arith.constant 0 : i32
    %dma_start3A_156 = tpu.memref_slice %arg3[%add3A_70, %add3A_146, %add3A_148, %dma_start3A_155] : memref<4x16x480x640xf32, #tpu.memory_space<hbm>> -> memref<1x2x4x640xf32, #tpu.memory_space<hbm>>
    %dma_start3A_157 = tpu.memref_squeeze %dma_start3A_156 : memref<1x2x4x640xf32, #tpu.memory_space<hbm>> -> memref<2x4x640xf32, #tpu.memory_space<hbm>>
    %dma_start3A_158 = arith.constant 0 : i32
    %dma_start3A_159 = arith.constant 0 : i32
    %dma_start3A_160 = arith.constant 0 : i32
    %dma_start3A_161 = tpu.memref_slice %arg8[%dma_start3A_149, %dma_start3A_158, %dma_start3A_159, %dma_start3A_160] : memref<4x2x4x640xf32, #tpu.memory_space<vmem>> -> memref<1x2x4x640xf32, #tpu.memory_space<vmem>>
    %dma_start3A_162 = tpu.memref_squeeze %dma_start3A_161 : memref<1x2x4x640xf32, #tpu.memory_space<vmem>> -> memref<2x4x640xf32, #tpu.memory_space<vmem>>
    %dma_start3A_163 = arith.constant 0 : i32
    %dma_start3A_164 = tpu.memref_slice %arg3[%add3A_70, %add3A_146, %add3A_148, %dma_start3A_163] : memref<4x16x480x640xf32, #tpu.memory_space<hbm>> -> memref<1x2x4x640xf32, #tpu.memory_space<hbm>>
    %dma_start3A_165 = tpu.memref_squeeze %dma_start3A_164 : memref<1x2x4x640xf32, #tpu.memory_space<hbm>> -> memref<2x4x640xf32, #tpu.memory_space<hbm>>
    tpu.enqueue_dma source(%dma_start3A_165 : memref<2x4x640xf32, #tpu.memory_space<hbm>>) target(%dma_start3A_162 : memref<2x4x640xf32, #tpu.memory_space<vmem>>) target_semaphore(%arg13 : memref<!tpu.dma_semaphore, #tpu.memory_space<semaphore_mem>>)
    %mul3A_166 = arith.constant 8 : i32
    %mul3A_167 = arith.muli %select_n3A_28, %mul3A_166 : i32
    %add3A_168 = arith.constant 6 : i32
    %add3A_169 = arith.addi %mul3A_167, %add3A_168 : i32
    %add3A_170 = arith.constant 0 : i32
    %add3A_171 = arith.addi %mul3A_72, %add3A_170 : i32
    %dma_start3A_172 = arith.constant 3 : i32
    %dma_start3A_173 = arith.constant 0 : i32
    %dma_start3A_174 = arith.constant 0 : i32
    %dma_start3A_175 = arith.constant 0 : i32
    %dma_start3A_176 = tpu.memref_slice %arg8[%dma_start3A_172, %dma_start3A_173, %dma_start3A_174, %dma_start3A_175] : memref<4x2x4x640xf32, #tpu.memory_space<vmem>> -> memref<1x2x4x640xf32, #tpu.memory_space<vmem>>
    %dma_start3A_177 = tpu.memref_squeeze %dma_start3A_176 : memref<1x2x4x640xf32, #tpu.memory_space<vmem>> -> memref<2x4x640xf32, #tpu.memory_space<vmem>>
    %dma_start3A_178 = arith.constant 0 : i32
    %dma_start3A_179 = tpu.memref_slice %arg3[%add3A_70, %add3A_169, %add3A_171, %dma_start3A_178] : memref<4x16x480x640xf32, #tpu.memory_space<hbm>> -> memref<1x2x4x640xf32, #tpu.memory_space<hbm>>
    %dma_start3A_180 = tpu.memref_squeeze %dma_start3A_179 : memref<1x2x4x640xf32, #tpu.memory_space<hbm>> -> memref<2x4x640xf32, #tpu.memory_space<hbm>>
    %dma_start3A_181 = arith.constant 0 : i32
    %dma_start3A_182 = arith.constant 0 : i32
    %dma_start3A_183 = arith.constant 0 : i32
    %dma_start3A_184 = tpu.memref_slice %arg8[%dma_start3A_172, %dma_start3A_181, %dma_start3A_182, %dma_start3A_183] : memref<4x2x4x640xf32, #tpu.memory_space<vmem>> -> memref<1x2x4x640xf32, #tpu.memory_space<vmem>>
    %dma_start3A_185 = tpu.memref_squeeze %dma_start3A_184 : memref<1x2x4x640xf32, #tpu.memory_space<vmem>> -> memref<2x4x640xf32, #tpu.memory_space<vmem>>
    %dma_start3A_186 = arith.constant 0 : i32
    %dma_start3A_187 = tpu.memref_slice %arg3[%add3A_70, %add3A_169, %add3A_171, %dma_start3A_186] : memref<4x16x480x640xf32, #tpu.memory_space<hbm>> -> memref<1x2x4x640xf32, #tpu.memory_space<hbm>>
    %dma_start3A_188 = tpu.memref_squeeze %dma_start3A_187 : memref<1x2x4x640xf32, #tpu.memory_space<hbm>> -> memref<2x4x640xf32, #tpu.memory_space<hbm>>
    tpu.enqueue_dma source(%dma_start3A_188 : memref<2x4x640xf32, #tpu.memory_space<hbm>>) target(%dma_start3A_185 : memref<2x4x640xf32, #tpu.memory_space<vmem>>) target_semaphore(%arg14 : memref<!tpu.dma_semaphore, #tpu.memory_space<semaphore_mem>>)
    %scan3A = arith.constant 0 : i32
    %scan3A_189 = arith.constant 0 : i32
    %scan3A_190 = arith.constant 30 : i32
    %scan3A_191 = arith.addi %scan3A_189, %scan3A_190 : i32
    %scan3A_192 = arith.constant 1 : i32
    scf.for %scan3A_317 = %scan3A_189 to %scan3A_191 step %scan3A_192  : i32 {
      %jit3A_318 = arith.constant 2 : i32
      %eq3A_319 = arith.constant 0 : i32
      %eq3A_320 = arith.cmpi eq, %jit3A_318, %eq3A_319 : i32
      %jit3A_321 = arith.constant 1 : i32
      %select_n3A_322 = arith.select %eq3A_320, %jit3A_321, %jit3A_318 : i32
      %rem3A_323 = arith.remsi %scan3A_317, %select_n3A_322 : i32
      %ne3A_324 = arith.constant 0 : i32
      %ne3A_325 = arith.cmpi ne, %rem3A_323, %ne3A_324 : i32
      %lt3A_326 = arith.constant 0 : i32
      %lt3A_327 = arith.cmpi slt, %rem3A_323, %lt3A_326 : i32
      %lt3A_328 = arith.constant 0 : i32
      %lt3A_329 = arith.cmpi slt, %select_n3A_322, %lt3A_328 : i32
      %ne3A_330 = arith.xori %lt3A_327, %lt3A_329 : i1
      %and3A_331 = arith.andi %ne3A_330, %ne3A_325 : i1
      %add3A_332 = arith.addi %rem3A_323, %select_n3A_322 : i32
      %select_n3A_333 = arith.select %and3A_331, %add3A_332, %rem3A_323 : i32
      %mul3A_334 = arith.constant 4 : i32
      %mul3A_335 = arith.muli %scan3A_317, %mul3A_334 : i32
      %add3A_336 = arith.addi %mul3A_72, %mul3A_335 : i32
      %dma_wait3A_337 = arith.constant 0 : i32
      %dma_wait3A_338 = arith.constant 0 : i32
      %dma_wait3A_339 = tpu.memref_slice %arg7[%select_n3A_333, %dma_wait3A_337, %dma_wait3A_338] : memref<2x4x640xf32, #tpu.memory_space<vmem>> -> memref<1x4x640xf32, #tpu.memory_space<vmem>>
      %dma_wait3A_340 = tpu.memref_squeeze %dma_wait3A_339 : memref<1x4x640xf32, #tpu.memory_space<vmem>> -> memref<4x640xf32, #tpu.memory_space<vmem>>
      %dma_wait3A_341 = arith.constant 0 : i32
      %dma_wait3A_342 = tpu.memref_slice %arg2[%add3A_70, %add3A_336, %dma_wait3A_341] : memref<4x480x640xf32, #tpu.memory_space<hbm>> -> memref<1x4x640xf32, #tpu.memory_space<hbm>>
      %dma_wait3A_343 = tpu.memref_squeeze %dma_wait3A_342 : memref<1x4x640xf32, #tpu.memory_space<hbm>> -> memref<4x640xf32, #tpu.memory_space<hbm>>
      %dma_wait3A_344 = arith.constant 0 : i32
      %dma_wait3A_345 = arith.constant 0 : i32
      %dma_wait3A_346 = tpu.memref_slice %arg7[%select_n3A_333, %dma_wait3A_344, %dma_wait3A_345] : memref<2x4x640xf32, #tpu.memory_space<vmem>> -> memref<1x4x640xf32, #tpu.memory_space<vmem>>
      %dma_wait3A_347 = tpu.memref_squeeze %dma_wait3A_346 : memref<1x4x640xf32, #tpu.memory_space<vmem>> -> memref<4x640xf32, #tpu.memory_space<vmem>>
      %dma_wait3A_348 = arith.constant 0 : i32
      %dma_wait3A_349 = tpu.memref_slice %arg2[%add3A_70, %add3A_336, %dma_wait3A_348] : memref<4x480x640xf32, #tpu.memory_space<hbm>> -> memref<1x4x640xf32, #tpu.memory_space<hbm>>
      %dma_wait3A_350 = tpu.memref_squeeze %dma_wait3A_349 : memref<1x4x640xf32, #tpu.memory_space<hbm>> -> memref<4x640xf32, #tpu.memory_space<hbm>>
      tpu.wait_dma2 semaphore(%arg10 : memref<!tpu.dma_semaphore, #tpu.memory_space<semaphore_mem>>) src(%dma_wait3A_350 : memref<4x640xf32, #tpu.memory_space<hbm>>) dst(%dma_wait3A_347 : memref<4x640xf32, #tpu.memory_space<vmem>>)
      %add3A_351 = arith.constant 1 : i32
      %add3A_352 = arith.addi %scan3A_317, %add3A_351 : i32
      %lt3A_353 = arith.constant 30 : i32
      %lt3A_354 = arith.cmpi slt, %add3A_352, %lt3A_353 : i32
      %convert_element_type3A_355 = arith.extui %lt3A_354 : i1 to i32
      %cond3A_356 = arith.constant 0 : i32
      %cond3A_357 = arith.cmpi ne, %convert_element_type3A_355, %cond3A_356 : i32
      scf.if %cond3A_357 {
        %add3A_494 = arith.constant 1 : i32
        %add3A_495 = arith.addi %scan3A_317, %add3A_494 : i32
        %add3A_496 = arith.constant 1 : i32
        %add3A_497 = arith.addi %scan3A_317, %add3A_496 : i32
        %jit3A_498 = arith.constant 2 : i32
        %eq3A_499 = arith.constant 0 : i32
        %eq3A_500 = arith.cmpi eq, %jit3A_498, %eq3A_499 : i32
        %jit3A_501 = arith.constant 1 : i32
        %select_n3A_502 = arith.select %eq3A_500, %jit3A_501, %jit3A_498 : i32
        %rem3A_503 = arith.remsi %add3A_497, %select_n3A_502 : i32
        %ne3A_504 = arith.constant 0 : i32
        %ne3A_505 = arith.cmpi ne, %rem3A_503, %ne3A_504 : i32
        %lt3A_506 = arith.constant 0 : i32
        %lt3A_507 = arith.cmpi slt, %rem3A_503, %lt3A_506 : i32
        %lt3A_508 = arith.constant 0 : i32
        %lt3A_509 = arith.cmpi slt, %select_n3A_502, %lt3A_508 : i32
        %ne3A_510 = arith.xori %lt3A_507, %lt3A_509 : i1
        %and3A_511 = arith.andi %ne3A_510, %ne3A_505 : i1
        %add3A_512 = arith.addi %rem3A_503, %select_n3A_502 : i32
        %select_n3A_513 = arith.select %and3A_511, %add3A_512, %rem3A_503 : i32
        %mul3A_514 = arith.constant 4 : i32
        %mul3A_515 = arith.muli %add3A_495, %mul3A_514 : i32
        %add3A_516 = arith.addi %mul3A_72, %mul3A_515 : i32
        %dma_start3A_517 = arith.constant 0 : i32
        %dma_start3A_518 = arith.constant 0 : i32
        %dma_start3A_519 = tpu.memref_slice %arg7[%select_n3A_513, %dma_start3A_517, %dma_start3A_518] : memref<2x4x640xf32, #tpu.memory_space<vmem>> -> memref<1x4x640xf32, #tpu.memory_space<vmem>>
        %dma_start3A_520 = tpu.memref_squeeze %dma_start3A_519 : memref<1x4x640xf32, #tpu.memory_space<vmem>> -> memref<4x640xf32, #tpu.memory_space<vmem>>
        %dma_start3A_521 = arith.constant 0 : i32
        %dma_start3A_522 = tpu.memref_slice %arg2[%add3A_70, %add3A_516, %dma_start3A_521] : memref<4x480x640xf32, #tpu.memory_space<hbm>> -> memref<1x4x640xf32, #tpu.memory_space<hbm>>
        %dma_start3A_523 = tpu.memref_squeeze %dma_start3A_522 : memref<1x4x640xf32, #tpu.memory_space<hbm>> -> memref<4x640xf32, #tpu.memory_space<hbm>>
        %dma_start3A_524 = arith.constant 0 : i32
        %dma_start3A_525 = arith.constant 0 : i32
        %dma_start3A_526 = tpu.memref_slice %arg7[%select_n3A_513, %dma_start3A_524, %dma_start3A_525] : memref<2x4x640xf32, #tpu.memory_space<vmem>> -> memref<1x4x640xf32, #tpu.memory_space<vmem>>
        %dma_start3A_527 = tpu.memref_squeeze %dma_start3A_526 : memref<1x4x640xf32, #tpu.memory_space<vmem>> -> memref<4x640xf32, #tpu.memory_space<vmem>>
        %dma_start3A_528 = arith.constant 0 : i32
        %dma_start3A_529 = tpu.memref_slice %arg2[%add3A_70, %add3A_516, %dma_start3A_528] : memref<4x480x640xf32, #tpu.memory_space<hbm>> -> memref<1x4x640xf32, #tpu.memory_space<hbm>>
        %dma_start3A_530 = tpu.memref_squeeze %dma_start3A_529 : memref<1x4x640xf32, #tpu.memory_space<hbm>> -> memref<4x640xf32, #tpu.memory_space<hbm>>
        tpu.enqueue_dma source(%dma_start3A_530 : memref<4x640xf32, #tpu.memory_space<hbm>>) target(%dma_start3A_527 : memref<4x640xf32, #tpu.memory_space<vmem>>) target_semaphore(%arg10 : memref<!tpu.dma_semaphore, #tpu.memory_space<semaphore_mem>>)
      } else {
      }
      %scan3A_358 = arith.constant 0 : i32
      %scan3A_359 = arith.constant 0 : i32
      %scan3A_360 = arith.constant 4 : i32
      %scan3A_361 = arith.addi %scan3A_359, %scan3A_360 : i32
      %scan3A_362 = arith.constant 1 : i32
      scf.for %scan3A_494 = %scan3A_359 to %scan3A_361 step %scan3A_362  : i32 {
        %mul3A_495 = arith.constant 4 : i32
        %mul3A_496 = arith.muli %scan3A_317, %mul3A_495 : i32
        %add3A_497 = arith.addi %mul3A_72, %mul3A_496 : i32
        %add3A_498 = arith.addi %add3A_497, %scan3A_494 : i32
        %convert_element_type3A_499 = arith.sitofp %add3A_498 : i32 to f32
        %sub3A_500 = arith.constant 2.400000e+02 : f32
        %sub3A_501 = arith.subf %convert_element_type3A_499, %sub3A_500 : f32
        %mul3A_502 = arith.constant 0.00257605128 : f32
        %mul3A_503 = arith.mulf %sub3A_501, %mul3A_502 : f32
        %mul3A_504 = arith.constant 640 : i32
        %mul3A_505 = arith.muli %scan3A_494, %mul3A_504 : i32
        %parallel_loop3A_506 = arith.constant 0 : i32
        %parallel_loop3A_507 = arith.constant 40 : i32
        %parallel_loop3A_508 = arith.constant 1 : i32
        scf.for %parallel_loop3A_509 = %parallel_loop3A_506 to %parallel_loop3A_507 step %parallel_loop3A_508  : i32 {
          %parallel_loop3A_510 = arith.constant 16 : i32
          %parallel_loop3A_511 = arith.muli %parallel_loop3A_509, %parallel_loop3A_510 : i32
          %parallel_loop3A_512 = arith.addi %mul3A_505, %parallel_loop3A_511 : i32
          %parallel_loop3A_513 = arith.constant 16 : i32
          %parallel_loop3A_514 = arith.muli %parallel_loop3A_509, %parallel_loop3A_513 : i32
          %parallel_loop3A_515 = arith.index_cast %select_n3A_333 : i32 to index
          %parallel_loop3A_516 = arith.index_cast %scan3A_494 : i32 to index
          %parallel_loop3A_517 = arith.index_cast %parallel_loop3A_514 : i32 to index
          %parallel_loop3A_518 = tpu.vector_load %arg7[%parallel_loop3A_515, %parallel_loop3A_516, %parallel_loop3A_517] {strides = array<i32>} : memref<2x4x640xf32, #tpu.memory_space<vmem>>, vector<16xf32>,
          %parallel_loop3A_519 = arith.constant 4.500000e+02 : f32
          %parallel_loop3A_520 = vector.broadcast %parallel_loop3A_519 : f32 to vector<16xf32>
          %parallel_loop3A_521 = arith.mulf %parallel_loop3A_518, %parallel_loop3A_520 : vector<16xf32>
          %parallel_loop3A_522 = arith.constant 5.000000e+01 : f32
          %parallel_loop3A_523 = vector.broadcast %parallel_loop3A_522 : f32 to vector<16xf32>
          %parallel_loop3A_524 = arith.addf %parallel_loop3A_521, %parallel_loop3A_523 : vector<16xf32>
          %parallel_loop3A_525 = arith.constant 16 : i32
          %parallel_loop3A_526 = arith.muli %parallel_loop3A_509, %parallel_loop3A_525 : i32
          %parallel_loop3A_527 = arith.sitofp %parallel_loop3A_526 : i32 to f32
          %parallel_loop3A_528 = vector.broadcast %parallel_loop3A_527 : f32 to vector<16xf32>
          %parallel_loop3A_529 = arith.addf %parallel_loop3A_528, %convert_element_type3A : vector<16xf32>
          %parallel_loop3A_530 = arith.constant 3.200000e+02 : f32
          %parallel_loop3A_531 = vector.broadcast %parallel_loop3A_530 : f32 to vector<16xf32>
          %parallel_loop3A_532 = arith.subf %parallel_loop3A_529, %parallel_loop3A_531 : vector<16xf32>
          %parallel_loop3A_533 = arith.constant 0.00257605128 : f32
          %parallel_loop3A_534 = vector.broadcast %parallel_loop3A_533 : f32 to vector<16xf32>
          %parallel_loop3A_535 = arith.mulf %parallel_loop3A_532, %parallel_loop3A_534 : vector<16xf32>
          %parallel_loop3A_536 = arith.mulf %parallel_loop3A_524, %parallel_loop3A_535 : vector<16xf32>
          %parallel_loop3A_537 = arith.constant 2.000000e-01 : f32
          %parallel_loop3A_538 = vector.broadcast %parallel_loop3A_537 : f32 to vector<16xf32>
          %parallel_loop3A_539 = arith.mulf %parallel_loop3A_536, %parallel_loop3A_538 : vector<16xf32>
          %parallel_loop3A_540 = arith.constant 5.000000e+01 : f32
          %parallel_loop3A_541 = vector.broadcast %parallel_loop3A_540 : f32 to vector<16xf32>
          %parallel_loop3A_542 = arith.addf %parallel_loop3A_539, %parallel_loop3A_541 : vector<16xf32>
          %parallel_loop3A_543 = arith.constant 2.000000e-01 : f32
          %parallel_loop3A_544 = vector.broadcast %parallel_loop3A_543 : f32 to vector<16xf32>
          %parallel_loop3A_545 = arith.mulf %parallel_loop3A_524, %parallel_loop3A_544 : vector<16xf32>
          %parallel_loop3A_546 = vector.broadcast %mul3A_503 : f32 to vector<16xf32>
          %parallel_loop3A_547 = arith.mulf %parallel_loop3A_524, %parallel_loop3A_546 : vector<16xf32>
          %parallel_loop3A_548 = arith.constant 1.280000e+02 : f32
          %parallel_loop3A_549 = vector.broadcast %parallel_loop3A_548 : f32 to vector<16xf32>
          %parallel_loop3A_550 = arith.subf %parallel_loop3A_549, %parallel_loop3A_547 : vector<16xf32>
          %parallel_loop3A_551 = arith.constant 2.000000e-01 : f32
          %parallel_loop3A_552 = vector.broadcast %parallel_loop3A_551 : f32 to vector<16xf32>
          %parallel_loop3A_553 = arith.mulf %parallel_loop3A_550, %parallel_loop3A_552 : vector<16xf32>
          %parallel_loop3A_554 = arith.constant 0.000000e+00 : f32
          %parallel_loop3A_555 = vector.broadcast %parallel_loop3A_554 : f32 to vector<16xf32>
          %parallel_loop3A_556 = arith.cmpf oge, %parallel_loop3A_542, %parallel_loop3A_555 : vector<16xf32>
          %parallel_loop3A_557 = arith.constant 1.000000e+02 : f32
          %parallel_loop3A_558 = vector.broadcast %parallel_loop3A_557 : f32 to vector<16xf32>
          %parallel_loop3A_559 = arith.cmpf olt, %parallel_loop3A_542, %parallel_loop3A_558 : vector<16xf32>
          %parallel_loop3A_560 = arith.andi %parallel_loop3A_556, %parallel_loop3A_559 : vector<16xi1>
          %parallel_loop3A_561 = arith.constant 1.000000e+02 : f32
          %parallel_loop3A_562 = vector.broadcast %parallel_loop3A_561 : f32 to vector<16xf32>
          %parallel_loop3A_563 = arith.cmpf olt, %parallel_loop3A_545, %parallel_loop3A_562 : vector<16xf32>
          %parallel_loop3A_564 = arith.andi %parallel_loop3A_560, %parallel_loop3A_563 : vector<16xi1>
          %parallel_loop3A_565 = arith.constant 0.000000e+00 : f32
          %parallel_loop3A_566 = vector.broadcast %parallel_loop3A_565 : f32 to vector<16xf32>
          %parallel_loop3A_567 = arith.cmpf oge, %parallel_loop3A_553, %parallel_loop3A_566 : vector<16xf32>
          %parallel_loop3A_568 = arith.andi %parallel_loop3A_564, %parallel_loop3A_567 : vector<16xi1>
          %parallel_loop3A_569 = arith.constant 8.000000e+01 : f32
          %parallel_loop3A_570 = vector.broadcast %parallel_loop3A_569 : f32 to vector<16xf32>
          %parallel_loop3A_571 = arith.cmpf olt, %parallel_loop3A_553, %parallel_loop3A_570 : vector<16xf32>
          %parallel_loop3A_572 = arith.andi %parallel_loop3A_568, %parallel_loop3A_571 : vector<16xi1>
          %parallel_loop3A_573 = arith.constant 5.000000e+00 : f32
          %parallel_loop3A_574 = vector.broadcast %parallel_loop3A_573 : f32 to vector<16xf32>
          %parallel_loop3A_575 = arith.cmpf oge, %parallel_loop3A_553, %parallel_loop3A_574 : vector<16xf32>
          %parallel_loop3A_576 = arith.andi %parallel_loop3A_572, %parallel_loop3A_575 : vector<16xi1>
          %parallel_loop3A_577 = arith.constant 2.500000e+01 : f32
          %parallel_loop3A_578 = vector.broadcast %parallel_loop3A_577 : f32 to vector<16xf32>
          %parallel_loop3A_579 = arith.cmpf olt, %parallel_loop3A_553, %parallel_loop3A_578 : vector<16xf32>
          %parallel_loop3A_580 = arith.andi %parallel_loop3A_576, %parallel_loop3A_579 : vector<16xi1>
          %parallel_loop3A_581 = arith.fptosi %parallel_loop3A_542 : vector<16xf32> to vector<16xi32>
          %parallel_loop3A_582 = arith.constant 100 : i32
          %parallel_loop3A_583 = vector.broadcast %parallel_loop3A_582 : i32 to vector<16xi32>
          %parallel_loop3A_584 = arith.muli %parallel_loop3A_581, %parallel_loop3A_583 : vector<16xi32>
          %parallel_loop3A_585 = arith.fptosi %parallel_loop3A_545 : vector<16xf32> to vector<16xi32>
          %parallel_loop3A_586 = arith.addi %parallel_loop3A_584, %parallel_loop3A_585 : vector<16xi32>
          %parallel_loop3A_587 = arith.select %parallel_loop3A_580, %parallel_loop3A_586, %add3A_78 : vector<16xi1>, vector<16xi32>
          %parallel_loop3A_588 = arith.index_cast %parallel_loop3A_512 : i32 to index
          %parallel_loop3A_589 = tpu.vector_load %arg9[%parallel_loop3A_588] {strides = array<i32>} : memref<2560xi32, #tpu.memory_space<vmem>>, vector<16xi32>,
          tpu.vector_store %arg9[%parallel_loop3A_588], %parallel_loop3A_587 {strides = array<i32>} : memref<2560xi32, #tpu.memory_space<vmem>>, vector<16xi32>,
          %parallel_loop3A_590 = arith.constant 0 : i32
          %parallel_loop3A_591 = arith.cmpi eq, %select_n3A_28, %parallel_loop3A_590 : i32
          %parallel_loop3A_592 = arith.extui %parallel_loop3A_591 : i1 to i32
          %parallel_loop3A_593 = arith.constant 0 : i32
          %parallel_loop3A_594 = arith.cmpi ne, %parallel_loop3A_592, %parallel_loop3A_593 : i32
          scf.if %parallel_loop3A_594 {
            %parallel_loop3A_595 = arith.select %parallel_loop3A_572, %parallel_loop3A_586, %add3A_78 : vector<16xi1>, vector<16xi32>
            tpu.vector_store_idx %arg6[%parallel_loop3A_587], %broadcast_in_dim3A_73 {add = true} : memref<100160xf32, #tpu.memory_space<vmem>>[vector<16xi32>], vector<16xf32>,
            %parallel_loop3A_596 = arith.constant 10016 : i32
            %parallel_loop3A_597 = vector.broadcast %parallel_loop3A_596 : i32 to vector<16xi32>
            %parallel_loop3A_598 = arith.addi %parallel_loop3A_595, %parallel_loop3A_597 : vector<16xi32>
            tpu.vector_store_idx %arg6[%parallel_loop3A_598], %broadcast_in_dim3A_73 {add = true} : memref<100160xf32, #tpu.memory_space<vmem>>[vector<16xi32>], vector<16xf32>,
          } else {
          }
        } {sc.loop_unroll_factor = 4 : i64, sc.parallel_access}
      }
      %scan3A_363 = arith.constant 4 : i32
      %mul3A_364 = arith.constant 8 : i32
      %mul3A_365 = arith.muli %select_n3A_28, %mul3A_364 : i32
      %add3A_366 = arith.constant 0 : i32
      %add3A_367 = arith.addi %mul3A_365, %add3A_366 : i32
      %mul3A_368 = arith.constant 4 : i32
      %mul3A_369 = arith.muli %scan3A_317, %mul3A_368 : i32
      %add3A_370 = arith.addi %mul3A_72, %mul3A_369 : i32
      %dma_wait3A_371 = arith.constant 0 : i32
      %dma_wait3A_372 = arith.constant 0 : i32
      %dma_wait3A_373 = arith.constant 0 : i32
      %dma_wait3A_374 = arith.constant 0 : i32
      %dma_wait3A_375 = tpu.memref_slice %arg8[%dma_wait3A_371, %dma_wait3A_372, %dma_wait3A_373, %dma_wait3A_374] : memref<4x2x4x640xf32, #tpu.memory_space<vmem>> -> memref<1x2x4x640xf32, #tpu.memory_space<vmem>>
      %dma_wait3A_376 = tpu.memref_squeeze %dma_wait3A_375 : memref<1x2x4x640xf32, #tpu.memory_space<vmem>> -> memref<2x4x640xf32, #tpu.memory_space<vmem>>
      %dma_wait3A_377 = arith.constant 0 : i32
      %dma_wait3A_378 = tpu.memref_slice %arg3[%add3A_70, %add3A_367, %add3A_370, %dma_wait3A_377] : memref<4x16x480x640xf32, #tpu.memory_space<hbm>> -> memref<1x2x4x640xf32, #tpu.memory_space<hbm>>
      %dma_wait3A_379 = tpu.memref_squeeze %dma_wait3A_378 : memref<1x2x4x640xf32, #tpu.memory_space<hbm>> -> memref<2x4x640xf32, #tpu.memory_space<hbm>>
      %dma_wait3A_380 = arith.constant 0 : i32
      %dma_wait3A_381 = arith.constant 0 : i32
      %dma_wait3A_382 = arith.constant 0 : i32
      %dma_wait3A_383 = tpu.memref_slice %arg8[%dma_wait3A_371, %dma_wait3A_380, %dma_wait3A_381, %dma_wait3A_382] : memref<4x2x4x640xf32, #tpu.memory_space<vmem>> -> memref<1x2x4x640xf32, #tpu.memory_space<vmem>>
      %dma_wait3A_384 = tpu.memref_squeeze %dma_wait3A_383 : memref<1x2x4x640xf32, #tpu.memory_space<vmem>> -> memref<2x4x640xf32, #tpu.memory_space<vmem>>
      %dma_wait3A_385 = arith.constant 0 : i32
      %dma_wait3A_386 = tpu.memref_slice %arg3[%add3A_70, %add3A_367, %add3A_370, %dma_wait3A_385] : memref<4x16x480x640xf32, #tpu.memory_space<hbm>> -> memref<1x2x4x640xf32, #tpu.memory_space<hbm>>
      %dma_wait3A_387 = tpu.memref_squeeze %dma_wait3A_386 : memref<1x2x4x640xf32, #tpu.memory_space<hbm>> -> memref<2x4x640xf32, #tpu.memory_space<hbm>>
      tpu.wait_dma2 semaphore(%arg11 : memref<!tpu.dma_semaphore, #tpu.memory_space<semaphore_mem>>) src(%dma_wait3A_387 : memref<2x4x640xf32, #tpu.memory_space<hbm>>) dst(%dma_wait3A_384 : memref<2x4x640xf32, #tpu.memory_space<vmem>>)
      %mul3A_388 = arith.constant 8 : i32
      %mul3A_389 = arith.muli %select_n3A_28, %mul3A_388 : i32
      %add3A_390 = arith.constant 2 : i32
      %add3A_391 = arith.addi %mul3A_389, %add3A_390 : i32
      %mul3A_392 = arith.constant 4 : i32
      %mul3A_393 = arith.muli %scan3A_317, %mul3A_392 : i32
      %add3A_394 = arith.addi %mul3A_72, %mul3A_393 : i32
      %dma_wait3A_395 = arith.constant 1 : i32
      %dma_wait3A_396 = arith.constant 0 : i32
      %dma_wait3A_397 = arith.constant 0 : i32
      %dma_wait3A_398 = arith.constant 0 : i32
      %dma_wait3A_399 = tpu.memref_slice %arg8[%dma_wait3A_395, %dma_wait3A_396, %dma_wait3A_397, %dma_wait3A_398] : memref<4x2x4x640xf32, #tpu.memory_space<vmem>> -> memref<1x2x4x640xf32, #tpu.memory_space<vmem>>
      %dma_wait3A_400 = tpu.memref_squeeze %dma_wait3A_399 : memref<1x2x4x640xf32, #tpu.memory_space<vmem>> -> memref<2x4x640xf32, #tpu.memory_space<vmem>>
      %dma_wait3A_401 = arith.constant 0 : i32
      %dma_wait3A_402 = tpu.memref_slice %arg3[%add3A_70, %add3A_391, %add3A_394, %dma_wait3A_401] : memref<4x16x480x640xf32, #tpu.memory_space<hbm>> -> memref<1x2x4x640xf32, #tpu.memory_space<hbm>>
      %dma_wait3A_403 = tpu.memref_squeeze %dma_wait3A_402 : memref<1x2x4x640xf32, #tpu.memory_space<hbm>> -> memref<2x4x640xf32, #tpu.memory_space<hbm>>
      %dma_wait3A_404 = arith.constant 0 : i32
      %dma_wait3A_405 = arith.constant 0 : i32
      %dma_wait3A_406 = arith.constant 0 : i32
      %dma_wait3A_407 = tpu.memref_slice %arg8[%dma_wait3A_395, %dma_wait3A_404, %dma_wait3A_405, %dma_wait3A_406] : memref<4x2x4x640xf32, #tpu.memory_space<vmem>> -> memref<1x2x4x640xf32, #tpu.memory_space<vmem>>
      %dma_wait3A_408 = tpu.memref_squeeze %dma_wait3A_407 : memref<1x2x4x640xf32, #tpu.memory_space<vmem>> -> memref<2x4x640xf32, #tpu.memory_space<vmem>>
      %dma_wait3A_409 = arith.constant 0 : i32
      %dma_wait3A_410 = tpu.memref_slice %arg3[%add3A_70, %add3A_391, %add3A_394, %dma_wait3A_409] : memref<4x16x480x640xf32, #tpu.memory_space<hbm>> -> memref<1x2x4x640xf32, #tpu.memory_space<hbm>>
      %dma_wait3A_411 = tpu.memref_squeeze %dma_wait3A_410 : memref<1x2x4x640xf32, #tpu.memory_space<hbm>> -> memref<2x4x640xf32, #tpu.memory_space<hbm>>
      tpu.wait_dma2 semaphore(%arg12 : memref<!tpu.dma_semaphore, #tpu.memory_space<semaphore_mem>>) src(%dma_wait3A_411 : memref<2x4x640xf32, #tpu.memory_space<hbm>>) dst(%dma_wait3A_408 : memref<2x4x640xf32, #tpu.memory_space<vmem>>)
      %parallel_loop3A_412 = arith.constant 0 : i32
      %parallel_loop3A_413 = arith.constant 160 : i32
      %parallel_loop3A_414 = arith.constant 1 : i32
      scf.for %parallel_loop3A_494 = %parallel_loop3A_412 to %parallel_loop3A_413 step %parallel_loop3A_414  : i32 {
        %parallel_loop3A_495 = arith.constant 16 : i32
        %parallel_loop3A_496 = arith.muli %parallel_loop3A_494, %parallel_loop3A_495 : i32
        %parallel_loop3A_497 = arith.constant 40 : i32
        %parallel_loop3A_498 = arith.divsi %parallel_loop3A_494, %parallel_loop3A_497 : i32
        %parallel_loop3A_499 = arith.constant 0 : i32
        %parallel_loop3A_500 = arith.cmpi sgt, %parallel_loop3A_494, %parallel_loop3A_499 : i32
        %parallel_loop3A_501 = arith.extui %parallel_loop3A_500 : i1 to i32
        %parallel_loop3A_502 = arith.constant 0 : i32
        %parallel_loop3A_503 = arith.cmpi slt, %parallel_loop3A_494, %parallel_loop3A_502 : i32
        %parallel_loop3A_504 = arith.extui %parallel_loop3A_503 : i1 to i32
        %parallel_loop3A_505 = arith.subi %parallel_loop3A_501, %parallel_loop3A_504 : i32
        %parallel_loop3A_506 = arith.constant 0 : i32
        %parallel_loop3A_507 = arith.cmpi sgt, %parallel_loop3A_497, %parallel_loop3A_506 : i32
        %parallel_loop3A_508 = arith.extui %parallel_loop3A_507 : i1 to i32
        %parallel_loop3A_509 = arith.constant 0 : i32
        %parallel_loop3A_510 = arith.cmpi slt, %parallel_loop3A_497, %parallel_loop3A_509 : i32
        %parallel_loop3A_511 = arith.extui %parallel_loop3A_510 : i1 to i32
        %parallel_loop3A_512 = arith.subi %parallel_loop3A_508, %parallel_loop3A_511 : i32
        %parallel_loop3A_513 = arith.cmpi ne, %parallel_loop3A_505, %parallel_loop3A_512 : i32
        %parallel_loop3A_514 = arith.remsi %parallel_loop3A_494, %parallel_loop3A_497 : i32
        %parallel_loop3A_515 = arith.constant 0 : i32
        %parallel_loop3A_516 = arith.cmpi ne, %parallel_loop3A_514, %parallel_loop3A_515 : i32
        %parallel_loop3A_517 = arith.andi %parallel_loop3A_513, %parallel_loop3A_516 : i1
        %parallel_loop3A_518 = arith.constant 1 : i32
        %parallel_loop3A_519 = arith.subi %parallel_loop3A_498, %parallel_loop3A_518 : i32
        %parallel_loop3A_520 = arith.select %parallel_loop3A_517, %parallel_loop3A_519, %parallel_loop3A_498 : i32
        %parallel_loop3A_521 = arith.constant 40 : i32
        %parallel_loop3A_522 = arith.constant 0 : i32
        %parallel_loop3A_523 = arith.cmpi eq, %parallel_loop3A_521, %parallel_loop3A_522 : i32
        %parallel_loop3A_524 = arith.constant 1 : i32
        %parallel_loop3A_525 = arith.select %parallel_loop3A_523, %parallel_loop3A_524, %parallel_loop3A_521 : i32
        %parallel_loop3A_526 = arith.remsi %parallel_loop3A_494, %parallel_loop3A_525 : i32
        %parallel_loop3A_527 = arith.constant 0 : i32
        %parallel_loop3A_528 = arith.cmpi ne, %parallel_loop3A_526, %parallel_loop3A_527 : i32
        %parallel_loop3A_529 = arith.constant 0 : i32
        %parallel_loop3A_530 = arith.cmpi slt, %parallel_loop3A_526, %parallel_loop3A_529 : i32
        %parallel_loop3A_531 = arith.constant 0 : i32
        %parallel_loop3A_532 = arith.cmpi slt, %parallel_loop3A_525, %parallel_loop3A_531 : i32
        %parallel_loop3A_533 = arith.xori %parallel_loop3A_530, %parallel_loop3A_532 : i1
        %parallel_loop3A_534 = arith.andi %parallel_loop3A_533, %parallel_loop3A_528 : i1
        %parallel_loop3A_535 = arith.addi %parallel_loop3A_526, %parallel_loop3A_525 : i32
        %parallel_loop3A_536 = arith.select %parallel_loop3A_534, %parallel_loop3A_535, %parallel_loop3A_526 : i32
        %parallel_loop3A_537 = arith.constant 16 : i32
        %parallel_loop3A_538 = arith.muli %parallel_loop3A_536, %parallel_loop3A_537 : i32
        %parallel_loop3A_539 = arith.index_cast %parallel_loop3A_496 : i32 to index
        %parallel_loop3A_540 = tpu.vector_load %arg9[%parallel_loop3A_539] {strides = array<i32>} : memref<2560xi32, #tpu.memory_space<vmem>>, vector<16xi32>,
        %parallel_loop3A_541 = arith.constant 1 : i32
        %parallel_loop3A_542 = arith.subi %parallel_loop3A_541, %select_n3A_28 : i32
        %parallel_loop3A_543 = arith.constant 2 : i32
        %parallel_loop3A_544 = arith.muli %parallel_loop3A_543, %parallel_loop3A_542 : i32
        %parallel_loop3A_545 = arith.constant 0 : i32
        %parallel_loop3A_546 = arith.addi %parallel_loop3A_545, %parallel_loop3A_544 : i32
        %parallel_loop3A_547 = arith.constant 10016 : i32
        %parallel_loop3A_548 = arith.muli %parallel_loop3A_546, %parallel_loop3A_547 : i32
        %parallel_loop3A_549 = arith.constant 0 : i32
        %parallel_loop3A_550 = arith.constant 0 : i32
        %parallel_loop3A_551 = arith.index_cast %parallel_loop3A_549 : i32 to index
        %parallel_loop3A_552 = arith.index_cast %parallel_loop3A_550 : i32 to index
        %parallel_loop3A_553 = arith.index_cast %parallel_loop3A_520 : i32 to index
        %parallel_loop3A_554 = arith.index_cast %parallel_loop3A_538 : i32 to index
        %parallel_loop3A_555 = tpu.vector_load %arg8[%parallel_loop3A_551, %parallel_loop3A_552, %parallel_loop3A_553, %parallel_loop3A_554] {strides = array<i32>} : memref<4x2x4x640xf32, #tpu.memory_space<vmem>>, vector<16xf32>,
        %parallel_loop3A_556 = tpu.memref_slice %arg6[%parallel_loop3A_548] : memref<100160xf32, #tpu.memory_space<vmem>> -> memref<10016xf32, #tpu.memory_space<vmem>>
        tpu.vector_store_idx %parallel_loop3A_556[%parallel_loop3A_540], %parallel_loop3A_555 {add = true} : memref<10016xf32, #tpu.memory_space<vmem>>[vector<16xi32>], vector<16xf32>,
        %parallel_loop3A_557 = arith.constant 1 : i32
        %parallel_loop3A_558 = arith.subi %parallel_loop3A_557, %select_n3A_28 : i32
        %parallel_loop3A_559 = arith.constant 2 : i32
        %parallel_loop3A_560 = arith.muli %parallel_loop3A_559, %parallel_loop3A_558 : i32
        %parallel_loop3A_561 = arith.constant 1 : i32
        %parallel_loop3A_562 = arith.addi %parallel_loop3A_561, %parallel_loop3A_560 : i32
        %parallel_loop3A_563 = arith.constant 10016 : i32
        %parallel_loop3A_564 = arith.muli %parallel_loop3A_562, %parallel_loop3A_563 : i32
        %parallel_loop3A_565 = arith.constant 0 : i32
        %parallel_loop3A_566 = arith.constant 1 : i32
        %parallel_loop3A_567 = arith.index_cast %parallel_loop3A_565 : i32 to index
        %parallel_loop3A_568 = arith.index_cast %parallel_loop3A_566 : i32 to index
        %parallel_loop3A_569 = arith.index_cast %parallel_loop3A_520 : i32 to index
        %parallel_loop3A_570 = arith.index_cast %parallel_loop3A_538 : i32 to index
        %parallel_loop3A_571 = tpu.vector_load %arg8[%parallel_loop3A_567, %parallel_loop3A_568, %parallel_loop3A_569, %parallel_loop3A_570] {strides = array<i32>} : memref<4x2x4x640xf32, #tpu.memory_space<vmem>>, vector<16xf32>,
        %parallel_loop3A_572 = tpu.memref_slice %arg6[%parallel_loop3A_564] : memref<100160xf32, #tpu.memory_space<vmem>> -> memref<10016xf32, #tpu.memory_space<vmem>>
        tpu.vector_store_idx %parallel_loop3A_572[%parallel_loop3A_540], %parallel_loop3A_571 {add = true} : memref<10016xf32, #tpu.memory_space<vmem>>[vector<16xi32>], vector<16xf32>,
        %parallel_loop3A_573 = arith.constant 1 : i32
        %parallel_loop3A_574 = arith.subi %parallel_loop3A_573, %select_n3A_28 : i32
        %parallel_loop3A_575 = arith.constant 2 : i32
        %parallel_loop3A_576 = arith.muli %parallel_loop3A_575, %parallel_loop3A_574 : i32
        %parallel_loop3A_577 = arith.constant 2 : i32
        %parallel_loop3A_578 = arith.addi %parallel_loop3A_577, %parallel_loop3A_576 : i32
        %parallel_loop3A_579 = arith.constant 10016 : i32
        %parallel_loop3A_580 = arith.muli %parallel_loop3A_578, %parallel_loop3A_579 : i32
        %parallel_loop3A_581 = arith.constant 1 : i32
        %parallel_loop3A_582 = arith.constant 0 : i32
        %parallel_loop3A_583 = arith.index_cast %parallel_loop3A_581 : i32 to index
        %parallel_loop3A_584 = arith.index_cast %parallel_loop3A_582 : i32 to index
        %parallel_loop3A_585 = arith.index_cast %parallel_loop3A_520 : i32 to index
        %parallel_loop3A_586 = arith.index_cast %parallel_loop3A_538 : i32 to index
        %parallel_loop3A_587 = tpu.vector_load %arg8[%parallel_loop3A_583, %parallel_loop3A_584, %parallel_loop3A_585, %parallel_loop3A_586] {strides = array<i32>} : memref<4x2x4x640xf32, #tpu.memory_space<vmem>>, vector<16xf32>,
        %parallel_loop3A_588 = tpu.memref_slice %arg6[%parallel_loop3A_580] : memref<100160xf32, #tpu.memory_space<vmem>> -> memref<10016xf32, #tpu.memory_space<vmem>>
        tpu.vector_store_idx %parallel_loop3A_588[%parallel_loop3A_540], %parallel_loop3A_587 {add = true} : memref<10016xf32, #tpu.memory_space<vmem>>[vector<16xi32>], vector<16xf32>,
        %parallel_loop3A_589 = arith.constant 1 : i32
        %parallel_loop3A_590 = arith.subi %parallel_loop3A_589, %select_n3A_28 : i32
        %parallel_loop3A_591 = arith.constant 2 : i32
        %parallel_loop3A_592 = arith.muli %parallel_loop3A_591, %parallel_loop3A_590 : i32
        %parallel_loop3A_593 = arith.constant 3 : i32
        %parallel_loop3A_594 = arith.addi %parallel_loop3A_593, %parallel_loop3A_592 : i32
        %parallel_loop3A_595 = arith.constant 10016 : i32
        %parallel_loop3A_596 = arith.muli %parallel_loop3A_594, %parallel_loop3A_595 : i32
        %parallel_loop3A_597 = arith.constant 1 : i32
        %parallel_loop3A_598 = arith.constant 1 : i32
        %parallel_loop3A_599 = arith.index_cast %parallel_loop3A_597 : i32 to index
        %parallel_loop3A_600 = arith.index_cast %parallel_loop3A_598 : i32 to index
        %parallel_loop3A_601 = arith.index_cast %parallel_loop3A_520 : i32 to index
        %parallel_loop3A_602 = arith.index_cast %parallel_loop3A_538 : i32 to index
        %parallel_loop3A_603 = tpu.vector_load %arg8[%parallel_loop3A_599, %parallel_loop3A_600, %parallel_loop3A_601, %parallel_loop3A_602] {strides = array<i32>} : memref<4x2x4x640xf32, #tpu.memory_space<vmem>>, vector<16xf32>,
        %parallel_loop3A_604 = tpu.memref_slice %arg6[%parallel_loop3A_596] : memref<100160xf32, #tpu.memory_space<vmem>> -> memref<10016xf32, #tpu.memory_space<vmem>>
        tpu.vector_store_idx %parallel_loop3A_604[%parallel_loop3A_540], %parallel_loop3A_603 {add = true} : memref<10016xf32, #tpu.memory_space<vmem>>[vector<16xi32>], vector<16xf32>,
      } {sc.loop_unroll_factor = 2 : i64, sc.parallel_access}
      %add3A_415 = arith.constant 1 : i32
      %add3A_416 = arith.addi %scan3A_317, %add3A_415 : i32
      %lt3A_417 = arith.constant 30 : i32
      %lt3A_418 = arith.cmpi slt, %add3A_416, %lt3A_417 : i32
      %convert_element_type3A_419 = arith.extui %lt3A_418 : i1 to i32
      %cond3A_420 = arith.constant 0 : i32
      %cond3A_421 = arith.cmpi ne, %convert_element_type3A_419, %cond3A_420 : i32
      scf.if %cond3A_421 {
        %add3A_494 = arith.constant 1 : i32
        %add3A_495 = arith.addi %scan3A_317, %add3A_494 : i32
        %mul3A_496 = arith.constant 8 : i32
        %mul3A_497 = arith.muli %select_n3A_28, %mul3A_496 : i32
        %add3A_498 = arith.constant 0 : i32
        %add3A_499 = arith.addi %mul3A_497, %add3A_498 : i32
        %mul3A_500 = arith.constant 4 : i32
        %mul3A_501 = arith.muli %add3A_495, %mul3A_500 : i32
        %add3A_502 = arith.addi %mul3A_72, %mul3A_501 : i32
        %dma_start3A_503 = arith.constant 0 : i32
        %dma_start3A_504 = arith.constant 0 : i32
        %dma_start3A_505 = arith.constant 0 : i32
        %dma_start3A_506 = arith.constant 0 : i32
        %dma_start3A_507 = tpu.memref_slice %arg8[%dma_start3A_503, %dma_start3A_504, %dma_start3A_505, %dma_start3A_506] : memref<4x2x4x640xf32, #tpu.memory_space<vmem>> -> memref<1x2x4x640xf32, #tpu.memory_space<vmem>>
        %dma_start3A_508 = tpu.memref_squeeze %dma_start3A_507 : memref<1x2x4x640xf32, #tpu.memory_space<vmem>> -> memref<2x4x640xf32, #tpu.memory_space<vmem>>
        %dma_start3A_509 = arith.constant 0 : i32
        %dma_start3A_510 = tpu.memref_slice %arg3[%add3A_70, %add3A_499, %add3A_502, %dma_start3A_509] : memref<4x16x480x640xf32, #tpu.memory_space<hbm>> -> memref<1x2x4x640xf32, #tpu.memory_space<hbm>>
        %dma_start3A_511 = tpu.memref_squeeze %dma_start3A_510 : memref<1x2x4x640xf32, #tpu.memory_space<hbm>> -> memref<2x4x640xf32, #tpu.memory_space<hbm>>
        %dma_start3A_512 = arith.constant 0 : i32
        %dma_start3A_513 = arith.constant 0 : i32
        %dma_start3A_514 = arith.constant 0 : i32
        %dma_start3A_515 = tpu.memref_slice %arg8[%dma_start3A_503, %dma_start3A_512, %dma_start3A_513, %dma_start3A_514] : memref<4x2x4x640xf32, #tpu.memory_space<vmem>> -> memref<1x2x4x640xf32, #tpu.memory_space<vmem>>
        %dma_start3A_516 = tpu.memref_squeeze %dma_start3A_515 : memref<1x2x4x640xf32, #tpu.memory_space<vmem>> -> memref<2x4x640xf32, #tpu.memory_space<vmem>>
        %dma_start3A_517 = arith.constant 0 : i32
        %dma_start3A_518 = tpu.memref_slice %arg3[%add3A_70, %add3A_499, %add3A_502, %dma_start3A_517] : memref<4x16x480x640xf32, #tpu.memory_space<hbm>> -> memref<1x2x4x640xf32, #tpu.memory_space<hbm>>
        %dma_start3A_519 = tpu.memref_squeeze %dma_start3A_518 : memref<1x2x4x640xf32, #tpu.memory_space<hbm>> -> memref<2x4x640xf32, #tpu.memory_space<hbm>>
        tpu.enqueue_dma source(%dma_start3A_519 : memref<2x4x640xf32, #tpu.memory_space<hbm>>) target(%dma_start3A_516 : memref<2x4x640xf32, #tpu.memory_space<vmem>>) target_semaphore(%arg11 : memref<!tpu.dma_semaphore, #tpu.memory_space<semaphore_mem>>)
      } else {
      }
      %add3A_422 = arith.constant 1 : i32
      %add3A_423 = arith.addi %scan3A_317, %add3A_422 : i32
      %lt3A_424 = arith.constant 30 : i32
      %lt3A_425 = arith.cmpi slt, %add3A_423, %lt3A_424 : i32
      %convert_element_type3A_426 = arith.extui %lt3A_425 : i1 to i32
      %cond3A_427 = arith.constant 0 : i32
      %cond3A_428 = arith.cmpi ne, %convert_element_type3A_426, %cond3A_427 : i32
      scf.if %cond3A_428 {
        %add3A_494 = arith.constant 1 : i32
        %add3A_495 = arith.addi %scan3A_317, %add3A_494 : i32
        %mul3A_496 = arith.constant 8 : i32
        %mul3A_497 = arith.muli %select_n3A_28, %mul3A_496 : i32
        %add3A_498 = arith.constant 2 : i32
        %add3A_499 = arith.addi %mul3A_497, %add3A_498 : i32
        %mul3A_500 = arith.constant 4 : i32
        %mul3A_501 = arith.muli %add3A_495, %mul3A_500 : i32
        %add3A_502 = arith.addi %mul3A_72, %mul3A_501 : i32
        %dma_start3A_503 = arith.constant 1 : i32
        %dma_start3A_504 = arith.constant 0 : i32
        %dma_start3A_505 = arith.constant 0 : i32
        %dma_start3A_506 = arith.constant 0 : i32
        %dma_start3A_507 = tpu.memref_slice %arg8[%dma_start3A_503, %dma_start3A_504, %dma_start3A_505, %dma_start3A_506] : memref<4x2x4x640xf32, #tpu.memory_space<vmem>> -> memref<1x2x4x640xf32, #tpu.memory_space<vmem>>
        %dma_start3A_508 = tpu.memref_squeeze %dma_start3A_507 : memref<1x2x4x640xf32, #tpu.memory_space<vmem>> -> memref<2x4x640xf32, #tpu.memory_space<vmem>>
        %dma_start3A_509 = arith.constant 0 : i32
        %dma_start3A_510 = tpu.memref_slice %arg3[%add3A_70, %add3A_499, %add3A_502, %dma_start3A_509] : memref<4x16x480x640xf32, #tpu.memory_space<hbm>> -> memref<1x2x4x640xf32, #tpu.memory_space<hbm>>
        %dma_start3A_511 = tpu.memref_squeeze %dma_start3A_510 : memref<1x2x4x640xf32, #tpu.memory_space<hbm>> -> memref<2x4x640xf32, #tpu.memory_space<hbm>>
        %dma_start3A_512 = arith.constant 0 : i32
        %dma_start3A_513 = arith.constant 0 : i32
        %dma_start3A_514 = arith.constant 0 : i32
        %dma_start3A_515 = tpu.memref_slice %arg8[%dma_start3A_503, %dma_start3A_512, %dma_start3A_513, %dma_start3A_514] : memref<4x2x4x640xf32, #tpu.memory_space<vmem>> -> memref<1x2x4x640xf32, #tpu.memory_space<vmem>>
        %dma_start3A_516 = tpu.memref_squeeze %dma_start3A_515 : memref<1x2x4x640xf32, #tpu.memory_space<vmem>> -> memref<2x4x640xf32, #tpu.memory_space<vmem>>
        %dma_start3A_517 = arith.constant 0 : i32
        %dma_start3A_518 = tpu.memref_slice %arg3[%add3A_70, %add3A_499, %add3A_502, %dma_start3A_517] : memref<4x16x480x640xf32, #tpu.memory_space<hbm>> -> memref<1x2x4x640xf32, #tpu.memory_space<hbm>>
        %dma_start3A_519 = tpu.memref_squeeze %dma_start3A_518 : memref<1x2x4x640xf32, #tpu.memory_space<hbm>> -> memref<2x4x640xf32, #tpu.memory_space<hbm>>
        tpu.enqueue_dma source(%dma_start3A_519 : memref<2x4x640xf32, #tpu.memory_space<hbm>>) target(%dma_start3A_516 : memref<2x4x640xf32, #tpu.memory_space<vmem>>) target_semaphore(%arg12 : memref<!tpu.dma_semaphore, #tpu.memory_space<semaphore_mem>>)
      } else {
      }
      %mul3A_429 = arith.constant 8 : i32
      %mul3A_430 = arith.muli %select_n3A_28, %mul3A_429 : i32
      %add3A_431 = arith.constant 4 : i32
      %add3A_432 = arith.addi %mul3A_430, %add3A_431 : i32
      %mul3A_433 = arith.constant 4 : i32
      %mul3A_434 = arith.muli %scan3A_317, %mul3A_433 : i32
      %add3A_435 = arith.addi %mul3A_72, %mul3A_434 : i32
      %dma_wait3A_436 = arith.constant 2 : i32
      %dma_wait3A_437 = arith.constant 0 : i32
      %dma_wait3A_438 = arith.constant 0 : i32
      %dma_wait3A_439 = arith.constant 0 : i32
      %dma_wait3A_440 = tpu.memref_slice %arg8[%dma_wait3A_436, %dma_wait3A_437, %dma_wait3A_438, %dma_wait3A_439] : memref<4x2x4x640xf32, #tpu.memory_space<vmem>> -> memref<1x2x4x640xf32, #tpu.memory_space<vmem>>
      %dma_wait3A_441 = tpu.memref_squeeze %dma_wait3A_440 : memref<1x2x4x640xf32, #tpu.memory_space<vmem>> -> memref<2x4x640xf32, #tpu.memory_space<vmem>>
      %dma_wait3A_442 = arith.constant 0 : i32
      %dma_wait3A_443 = tpu.memref_slice %arg3[%add3A_70, %add3A_432, %add3A_435, %dma_wait3A_442] : memref<4x16x480x640xf32, #tpu.memory_space<hbm>> -> memref<1x2x4x640xf32, #tpu.memory_space<hbm>>
      %dma_wait3A_444 = tpu.memref_squeeze %dma_wait3A_443 : memref<1x2x4x640xf32, #tpu.memory_space<hbm>> -> memref<2x4x640xf32, #tpu.memory_space<hbm>>
      %dma_wait3A_445 = arith.constant 0 : i32
      %dma_wait3A_446 = arith.constant 0 : i32
      %dma_wait3A_447 = arith.constant 0 : i32
      %dma_wait3A_448 = tpu.memref_slice %arg8[%dma_wait3A_436, %dma_wait3A_445, %dma_wait3A_446, %dma_wait3A_447] : memref<4x2x4x640xf32, #tpu.memory_space<vmem>> -> memref<1x2x4x640xf32, #tpu.memory_space<vmem>>
      %dma_wait3A_449 = tpu.memref_squeeze %dma_wait3A_448 : memref<1x2x4x640xf32, #tpu.memory_space<vmem>> -> memref<2x4x640xf32, #tpu.memory_space<vmem>>
      %dma_wait3A_450 = arith.constant 0 : i32
      %dma_wait3A_451 = tpu.memref_slice %arg3[%add3A_70, %add3A_432, %add3A_435, %dma_wait3A_450] : memref<4x16x480x640xf32, #tpu.memory_space<hbm>> -> memref<1x2x4x640xf32, #tpu.memory_space<hbm>>
      %dma_wait3A_452 = tpu.memref_squeeze %dma_wait3A_451 : memref<1x2x4x640xf32, #tpu.memory_space<hbm>> -> memref<2x4x640xf32, #tpu.memory_space<hbm>>
      tpu.wait_dma2 semaphore(%arg13 : memref<!tpu.dma_semaphore, #tpu.memory_space<semaphore_mem>>) src(%dma_wait3A_452 : memref<2x4x640xf32, #tpu.memory_space<hbm>>) dst(%dma_wait3A_449 : memref<2x4x640xf32, #tpu.memory_space<vmem>>)
      %mul3A_453 = arith.constant 8 : i32
      %mul3A_454 = arith.muli %select_n3A_28, %mul3A_453 : i32
      %add3A_455 = arith.constant 6 : i32
      %add3A_456 = arith.addi %mul3A_454, %add3A_455 : i32
      %mul3A_457 = arith.constant 4 : i32
      %mul3A_458 = arith.muli %scan3A_317, %mul3A_457 : i32
      %add3A_459 = arith.addi %mul3A_72, %mul3A_458 : i32
      %dma_wait3A_460 = arith.constant 3 : i32
      %dma_wait3A_461 = arith.constant 0 : i32
      %dma_wait3A_462 = arith.constant 0 : i32
      %dma_wait3A_463 = arith.constant 0 : i32
      %dma_wait3A_464 = tpu.memref_slice %arg8[%dma_wait3A_460, %dma_wait3A_461, %dma_wait3A_462, %dma_wait3A_463] : memref<4x2x4x640xf32, #tpu.memory_space<vmem>> -> memref<1x2x4x640xf32, #tpu.memory_space<vmem>>
      %dma_wait3A_465 = tpu.memref_squeeze %dma_wait3A_464 : memref<1x2x4x640xf32, #tpu.memory_space<vmem>> -> memref<2x4x640xf32, #tpu.memory_space<vmem>>
      %dma_wait3A_466 = arith.constant 0 : i32
      %dma_wait3A_467 = tpu.memref_slice %arg3[%add3A_70, %add3A_456, %add3A_459, %dma_wait3A_466] : memref<4x16x480x640xf32, #tpu.memory_space<hbm>> -> memref<1x2x4x640xf32, #tpu.memory_space<hbm>>
      %dma_wait3A_468 = tpu.memref_squeeze %dma_wait3A_467 : memref<1x2x4x640xf32, #tpu.memory_space<hbm>> -> memref<2x4x640xf32, #tpu.memory_space<hbm>>
      %dma_wait3A_469 = arith.constant 0 : i32
      %dma_wait3A_470 = arith.constant 0 : i32
      %dma_wait3A_471 = arith.constant 0 : i32
      %dma_wait3A_472 = tpu.memref_slice %arg8[%dma_wait3A_460, %dma_wait3A_469, %dma_wait3A_470, %dma_wait3A_471] : memref<4x2x4x640xf32, #tpu.memory_space<vmem>> -> memref<1x2x4x640xf32, #tpu.memory_space<vmem>>
      %dma_wait3A_473 = tpu.memref_squeeze %dma_wait3A_472 : memref<1x2x4x640xf32, #tpu.memory_space<vmem>> -> memref<2x4x640xf32, #tpu.memory_space<vmem>>
      %dma_wait3A_474 = arith.constant 0 : i32
      %dma_wait3A_475 = tpu.memref_slice %arg3[%add3A_70, %add3A_456, %add3A_459, %dma_wait3A_474] : memref<4x16x480x640xf32, #tpu.memory_space<hbm>> -> memref<1x2x4x640xf32, #tpu.memory_space<hbm>>
      %dma_wait3A_476 = tpu.memref_squeeze %dma_wait3A_475 : memref<1x2x4x640xf32, #tpu.memory_space<hbm>> -> memref<2x4x640xf32, #tpu.memory_space<hbm>>
      tpu.wait_dma2 semaphore(%arg14 : memref<!tpu.dma_semaphore, #tpu.memory_space<semaphore_mem>>) src(%dma_wait3A_476 : memref<2x4x640xf32, #tpu.memory_space<hbm>>) dst(%dma_wait3A_473 : memref<2x4x640xf32, #tpu.memory_space<vmem>>)
      %parallel_loop3A_477 = arith.constant 0 : i32
      %parallel_loop3A_478 = arith.constant 160 : i32
      %parallel_loop3A_479 = arith.constant 1 : i32
      scf.for %parallel_loop3A_494 = %parallel_loop3A_477 to %parallel_loop3A_478 step %parallel_loop3A_479  : i32 {
        %parallel_loop3A_495 = arith.constant 16 : i32
        %parallel_loop3A_496 = arith.muli %parallel_loop3A_494, %parallel_loop3A_495 : i32
        %parallel_loop3A_497 = arith.constant 40 : i32
        %parallel_loop3A_498 = arith.divsi %parallel_loop3A_494, %parallel_loop3A_497 : i32
        %parallel_loop3A_499 = arith.constant 0 : i32
        %parallel_loop3A_500 = arith.cmpi sgt, %parallel_loop3A_494, %parallel_loop3A_499 : i32
        %parallel_loop3A_501 = arith.extui %parallel_loop3A_500 : i1 to i32
        %parallel_loop3A_502 = arith.constant 0 : i32
        %parallel_loop3A_503 = arith.cmpi slt, %parallel_loop3A_494, %parallel_loop3A_502 : i32
        %parallel_loop3A_504 = arith.extui %parallel_loop3A_503 : i1 to i32
        %parallel_loop3A_505 = arith.subi %parallel_loop3A_501, %parallel_loop3A_504 : i32
        %parallel_loop3A_506 = arith.constant 0 : i32
        %parallel_loop3A_507 = arith.cmpi sgt, %parallel_loop3A_497, %parallel_loop3A_506 : i32
        %parallel_loop3A_508 = arith.extui %parallel_loop3A_507 : i1 to i32
        %parallel_loop3A_509 = arith.constant 0 : i32
        %parallel_loop3A_510 = arith.cmpi slt, %parallel_loop3A_497, %parallel_loop3A_509 : i32
        %parallel_loop3A_511 = arith.extui %parallel_loop3A_510 : i1 to i32
        %parallel_loop3A_512 = arith.subi %parallel_loop3A_508, %parallel_loop3A_511 : i32
        %parallel_loop3A_513 = arith.cmpi ne, %parallel_loop3A_505, %parallel_loop3A_512 : i32
        %parallel_loop3A_514 = arith.remsi %parallel_loop3A_494, %parallel_loop3A_497 : i32
        %parallel_loop3A_515 = arith.constant 0 : i32
        %parallel_loop3A_516 = arith.cmpi ne, %parallel_loop3A_514, %parallel_loop3A_515 : i32
        %parallel_loop3A_517 = arith.andi %parallel_loop3A_513, %parallel_loop3A_516 : i1
        %parallel_loop3A_518 = arith.constant 1 : i32
        %parallel_loop3A_519 = arith.subi %parallel_loop3A_498, %parallel_loop3A_518 : i32
        %parallel_loop3A_520 = arith.select %parallel_loop3A_517, %parallel_loop3A_519, %parallel_loop3A_498 : i32
        %parallel_loop3A_521 = arith.constant 40 : i32
        %parallel_loop3A_522 = arith.constant 0 : i32
        %parallel_loop3A_523 = arith.cmpi eq, %parallel_loop3A_521, %parallel_loop3A_522 : i32
        %parallel_loop3A_524 = arith.constant 1 : i32
        %parallel_loop3A_525 = arith.select %parallel_loop3A_523, %parallel_loop3A_524, %parallel_loop3A_521 : i32
        %parallel_loop3A_526 = arith.remsi %parallel_loop3A_494, %parallel_loop3A_525 : i32
        %parallel_loop3A_527 = arith.constant 0 : i32
        %parallel_loop3A_528 = arith.cmpi ne, %parallel_loop3A_526, %parallel_loop3A_527 : i32
        %parallel_loop3A_529 = arith.constant 0 : i32
        %parallel_loop3A_530 = arith.cmpi slt, %parallel_loop3A_526, %parallel_loop3A_529 : i32
        %parallel_loop3A_531 = arith.constant 0 : i32
        %parallel_loop3A_532 = arith.cmpi slt, %parallel_loop3A_525, %parallel_loop3A_531 : i32
        %parallel_loop3A_533 = arith.xori %parallel_loop3A_530, %parallel_loop3A_532 : i1
        %parallel_loop3A_534 = arith.andi %parallel_loop3A_533, %parallel_loop3A_528 : i1
        %parallel_loop3A_535 = arith.addi %parallel_loop3A_526, %parallel_loop3A_525 : i32
        %parallel_loop3A_536 = arith.select %parallel_loop3A_534, %parallel_loop3A_535, %parallel_loop3A_526 : i32
        %parallel_loop3A_537 = arith.constant 16 : i32
        %parallel_loop3A_538 = arith.muli %parallel_loop3A_536, %parallel_loop3A_537 : i32
        %parallel_loop3A_539 = arith.index_cast %parallel_loop3A_496 : i32 to index
        %parallel_loop3A_540 = tpu.vector_load %arg9[%parallel_loop3A_539] {strides = array<i32>} : memref<2560xi32, #tpu.memory_space<vmem>>, vector<16xi32>,
        %parallel_loop3A_541 = arith.constant 1 : i32
        %parallel_loop3A_542 = arith.subi %parallel_loop3A_541, %select_n3A_28 : i32
        %parallel_loop3A_543 = arith.constant 2 : i32
        %parallel_loop3A_544 = arith.muli %parallel_loop3A_543, %parallel_loop3A_542 : i32
        %parallel_loop3A_545 = arith.constant 4 : i32
        %parallel_loop3A_546 = arith.addi %parallel_loop3A_545, %parallel_loop3A_544 : i32
        %parallel_loop3A_547 = arith.constant 10016 : i32
        %parallel_loop3A_548 = arith.muli %parallel_loop3A_546, %parallel_loop3A_547 : i32
        %parallel_loop3A_549 = arith.constant 2 : i32
        %parallel_loop3A_550 = arith.constant 0 : i32
        %parallel_loop3A_551 = arith.index_cast %parallel_loop3A_549 : i32 to index
        %parallel_loop3A_552 = arith.index_cast %parallel_loop3A_550 : i32 to index
        %parallel_loop3A_553 = arith.index_cast %parallel_loop3A_520 : i32 to index
        %parallel_loop3A_554 = arith.index_cast %parallel_loop3A_538 : i32 to index
        %parallel_loop3A_555 = tpu.vector_load %arg8[%parallel_loop3A_551, %parallel_loop3A_552, %parallel_loop3A_553, %parallel_loop3A_554] {strides = array<i32>} : memref<4x2x4x640xf32, #tpu.memory_space<vmem>>, vector<16xf32>,
        %parallel_loop3A_556 = tpu.memref_slice %arg6[%parallel_loop3A_548] : memref<100160xf32, #tpu.memory_space<vmem>> -> memref<10016xf32, #tpu.memory_space<vmem>>
        tpu.vector_store_idx %parallel_loop3A_556[%parallel_loop3A_540], %parallel_loop3A_555 {add = true} : memref<10016xf32, #tpu.memory_space<vmem>>[vector<16xi32>], vector<16xf32>,
        %parallel_loop3A_557 = arith.constant 1 : i32
        %parallel_loop3A_558 = arith.subi %parallel_loop3A_557, %select_n3A_28 : i32
        %parallel_loop3A_559 = arith.constant 2 : i32
        %parallel_loop3A_560 = arith.muli %parallel_loop3A_559, %parallel_loop3A_558 : i32
        %parallel_loop3A_561 = arith.constant 5 : i32
        %parallel_loop3A_562 = arith.addi %parallel_loop3A_561, %parallel_loop3A_560 : i32
        %parallel_loop3A_563 = arith.constant 10016 : i32
        %parallel_loop3A_564 = arith.muli %parallel_loop3A_562, %parallel_loop3A_563 : i32
        %parallel_loop3A_565 = arith.constant 2 : i32
        %parallel_loop3A_566 = arith.constant 1 : i32
        %parallel_loop3A_567 = arith.index_cast %parallel_loop3A_565 : i32 to index
        %parallel_loop3A_568 = arith.index_cast %parallel_loop3A_566 : i32 to index
        %parallel_loop3A_569 = arith.index_cast %parallel_loop3A_520 : i32 to index
        %parallel_loop3A_570 = arith.index_cast %parallel_loop3A_538 : i32 to index
        %parallel_loop3A_571 = tpu.vector_load %arg8[%parallel_loop3A_567, %parallel_loop3A_568, %parallel_loop3A_569, %parallel_loop3A_570] {strides = array<i32>} : memref<4x2x4x640xf32, #tpu.memory_space<vmem>>, vector<16xf32>,
        %parallel_loop3A_572 = tpu.memref_slice %arg6[%parallel_loop3A_564] : memref<100160xf32, #tpu.memory_space<vmem>> -> memref<10016xf32, #tpu.memory_space<vmem>>
        tpu.vector_store_idx %parallel_loop3A_572[%parallel_loop3A_540], %parallel_loop3A_571 {add = true} : memref<10016xf32, #tpu.memory_space<vmem>>[vector<16xi32>], vector<16xf32>,
        %parallel_loop3A_573 = arith.constant 1 : i32
        %parallel_loop3A_574 = arith.subi %parallel_loop3A_573, %select_n3A_28 : i32
        %parallel_loop3A_575 = arith.constant 2 : i32
        %parallel_loop3A_576 = arith.muli %parallel_loop3A_575, %parallel_loop3A_574 : i32
        %parallel_loop3A_577 = arith.constant 6 : i32
        %parallel_loop3A_578 = arith.addi %parallel_loop3A_577, %parallel_loop3A_576 : i32
        %parallel_loop3A_579 = arith.constant 10016 : i32
        %parallel_loop3A_580 = arith.muli %parallel_loop3A_578, %parallel_loop3A_579 : i32
        %parallel_loop3A_581 = arith.constant 3 : i32
        %parallel_loop3A_582 = arith.constant 0 : i32
        %parallel_loop3A_583 = arith.index_cast %parallel_loop3A_581 : i32 to index
        %parallel_loop3A_584 = arith.index_cast %parallel_loop3A_582 : i32 to index
        %parallel_loop3A_585 = arith.index_cast %parallel_loop3A_520 : i32 to index
        %parallel_loop3A_586 = arith.index_cast %parallel_loop3A_538 : i32 to index
        %parallel_loop3A_587 = tpu.vector_load %arg8[%parallel_loop3A_583, %parallel_loop3A_584, %parallel_loop3A_585, %parallel_loop3A_586] {strides = array<i32>} : memref<4x2x4x640xf32, #tpu.memory_space<vmem>>, vector<16xf32>,
        %parallel_loop3A_588 = tpu.memref_slice %arg6[%parallel_loop3A_580] : memref<100160xf32, #tpu.memory_space<vmem>> -> memref<10016xf32, #tpu.memory_space<vmem>>
        tpu.vector_store_idx %parallel_loop3A_588[%parallel_loop3A_540], %parallel_loop3A_587 {add = true} : memref<10016xf32, #tpu.memory_space<vmem>>[vector<16xi32>], vector<16xf32>,
        %parallel_loop3A_589 = arith.constant 1 : i32
        %parallel_loop3A_590 = arith.subi %parallel_loop3A_589, %select_n3A_28 : i32
        %parallel_loop3A_591 = arith.constant 2 : i32
        %parallel_loop3A_592 = arith.muli %parallel_loop3A_591, %parallel_loop3A_590 : i32
        %parallel_loop3A_593 = arith.constant 7 : i32
        %parallel_loop3A_594 = arith.addi %parallel_loop3A_593, %parallel_loop3A_592 : i32
        %parallel_loop3A_595 = arith.constant 10016 : i32
        %parallel_loop3A_596 = arith.muli %parallel_loop3A_594, %parallel_loop3A_595 : i32
        %parallel_loop3A_597 = arith.constant 3 : i32
        %parallel_loop3A_598 = arith.constant 1 : i32
        %parallel_loop3A_599 = arith.index_cast %parallel_loop3A_597 : i32 to index
        %parallel_loop3A_600 = arith.index_cast %parallel_loop3A_598 : i32 to index
        %parallel_loop3A_601 = arith.index_cast %parallel_loop3A_520 : i32 to index
        %parallel_loop3A_602 = arith.index_cast %parallel_loop3A_538 : i32 to index
        %parallel_loop3A_603 = tpu.vector_load %arg8[%parallel_loop3A_599, %parallel_loop3A_600, %parallel_loop3A_601, %parallel_loop3A_602] {strides = array<i32>} : memref<4x2x4x640xf32, #tpu.memory_space<vmem>>, vector<16xf32>,
        %parallel_loop3A_604 = tpu.memref_slice %arg6[%parallel_loop3A_596] : memref<100160xf32, #tpu.memory_space<vmem>> -> memref<10016xf32, #tpu.memory_space<vmem>>
        tpu.vector_store_idx %parallel_loop3A_604[%parallel_loop3A_540], %parallel_loop3A_603 {add = true} : memref<10016xf32, #tpu.memory_space<vmem>>[vector<16xi32>], vector<16xf32>,
      } {sc.loop_unroll_factor = 2 : i64, sc.parallel_access}
      %add3A_480 = arith.constant 1 : i32
      %add3A_481 = arith.addi %scan3A_317, %add3A_480 : i32
      %lt3A_482 = arith.constant 30 : i32
      %lt3A_483 = arith.cmpi slt, %add3A_481, %lt3A_482 : i32
      %convert_element_type3A_484 = arith.extui %lt3A_483 : i1 to i32
      %cond3A_485 = arith.constant 0 : i32
      %cond3A_486 = arith.cmpi ne, %convert_element_type3A_484, %cond3A_485 : i32
      scf.if %cond3A_486 {
        %add3A_494 = arith.constant 1 : i32
        %add3A_495 = arith.addi %scan3A_317, %add3A_494 : i32
        %mul3A_496 = arith.constant 8 : i32
        %mul3A_497 = arith.muli %select_n3A_28, %mul3A_496 : i32
        %add3A_498 = arith.constant 4 : i32
        %add3A_499 = arith.addi %mul3A_497, %add3A_498 : i32
        %mul3A_500 = arith.constant 4 : i32
        %mul3A_501 = arith.muli %add3A_495, %mul3A_500 : i32
        %add3A_502 = arith.addi %mul3A_72, %mul3A_501 : i32
        %dma_start3A_503 = arith.constant 2 : i32
        %dma_start3A_504 = arith.constant 0 : i32
        %dma_start3A_505 = arith.constant 0 : i32
        %dma_start3A_506 = arith.constant 0 : i32
        %dma_start3A_507 = tpu.memref_slice %arg8[%dma_start3A_503, %dma_start3A_504, %dma_start3A_505, %dma_start3A_506] : memref<4x2x4x640xf32, #tpu.memory_space<vmem>> -> memref<1x2x4x640xf32, #tpu.memory_space<vmem>>
        %dma_start3A_508 = tpu.memref_squeeze %dma_start3A_507 : memref<1x2x4x640xf32, #tpu.memory_space<vmem>> -> memref<2x4x640xf32, #tpu.memory_space<vmem>>
        %dma_start3A_509 = arith.constant 0 : i32
        %dma_start3A_510 = tpu.memref_slice %arg3[%add3A_70, %add3A_499, %add3A_502, %dma_start3A_509] : memref<4x16x480x640xf32, #tpu.memory_space<hbm>> -> memref<1x2x4x640xf32, #tpu.memory_space<hbm>>
        %dma_start3A_511 = tpu.memref_squeeze %dma_start3A_510 : memref<1x2x4x640xf32, #tpu.memory_space<hbm>> -> memref<2x4x640xf32, #tpu.memory_space<hbm>>
        %dma_start3A_512 = arith.constant 0 : i32
        %dma_start3A_513 = arith.constant 0 : i32
        %dma_start3A_514 = arith.constant 0 : i32
        %dma_start3A_515 = tpu.memref_slice %arg8[%dma_start3A_503, %dma_start3A_512, %dma_start3A_513, %dma_start3A_514] : memref<4x2x4x640xf32, #tpu.memory_space<vmem>> -> memref<1x2x4x640xf32, #tpu.memory_space<vmem>>
        %dma_start3A_516 = tpu.memref_squeeze %dma_start3A_515 : memref<1x2x4x640xf32, #tpu.memory_space<vmem>> -> memref<2x4x640xf32, #tpu.memory_space<vmem>>
        %dma_start3A_517 = arith.constant 0 : i32
        %dma_start3A_518 = tpu.memref_slice %arg3[%add3A_70, %add3A_499, %add3A_502, %dma_start3A_517] : memref<4x16x480x640xf32, #tpu.memory_space<hbm>> -> memref<1x2x4x640xf32, #tpu.memory_space<hbm>>
        %dma_start3A_519 = tpu.memref_squeeze %dma_start3A_518 : memref<1x2x4x640xf32, #tpu.memory_space<hbm>> -> memref<2x4x640xf32, #tpu.memory_space<hbm>>
        tpu.enqueue_dma source(%dma_start3A_519 : memref<2x4x640xf32, #tpu.memory_space<hbm>>) target(%dma_start3A_516 : memref<2x4x640xf32, #tpu.memory_space<vmem>>) target_semaphore(%arg13 : memref<!tpu.dma_semaphore, #tpu.memory_space<semaphore_mem>>)
      } else {
      }
      %add3A_487 = arith.constant 1 : i32
      %add3A_488 = arith.addi %scan3A_317, %add3A_487 : i32
      %lt3A_489 = arith.constant 30 : i32
      %lt3A_490 = arith.cmpi slt, %add3A_488, %lt3A_489 : i32
      %convert_element_type3A_491 = arith.extui %lt3A_490 : i1 to i32
      %cond3A_492 = arith.constant 0 : i32
      %cond3A_493 = arith.cmpi ne, %convert_element_type3A_491, %cond3A_492 : i32
      scf.if %cond3A_493 {
        %add3A_494 = arith.constant 1 : i32
        %add3A_495 = arith.addi %scan3A_317, %add3A_494 : i32
        %mul3A_496 = arith.constant 8 : i32
        %mul3A_497 = arith.muli %select_n3A_28, %mul3A_496 : i32
        %add3A_498 = arith.constant 6 : i32
        %add3A_499 = arith.addi %mul3A_497, %add3A_498 : i32
        %mul3A_500 = arith.constant 4 : i32
        %mul3A_501 = arith.muli %add3A_495, %mul3A_500 : i32
        %add3A_502 = arith.addi %mul3A_72, %mul3A_501 : i32
        %dma_start3A_503 = arith.constant 3 : i32
        %dma_start3A_504 = arith.constant 0 : i32
        %dma_start3A_505 = arith.constant 0 : i32
        %dma_start3A_506 = arith.constant 0 : i32
        %dma_start3A_507 = tpu.memref_slice %arg8[%dma_start3A_503, %dma_start3A_504, %dma_start3A_505, %dma_start3A_506] : memref<4x2x4x640xf32, #tpu.memory_space<vmem>> -> memref<1x2x4x640xf32, #tpu.memory_space<vmem>>
        %dma_start3A_508 = tpu.memref_squeeze %dma_start3A_507 : memref<1x2x4x640xf32, #tpu.memory_space<vmem>> -> memref<2x4x640xf32, #tpu.memory_space<vmem>>
        %dma_start3A_509 = arith.constant 0 : i32
        %dma_start3A_510 = tpu.memref_slice %arg3[%add3A_70, %add3A_499, %add3A_502, %dma_start3A_509] : memref<4x16x480x640xf32, #tpu.memory_space<hbm>> -> memref<1x2x4x640xf32, #tpu.memory_space<hbm>>
        %dma_start3A_511 = tpu.memref_squeeze %dma_start3A_510 : memref<1x2x4x640xf32, #tpu.memory_space<hbm>> -> memref<2x4x640xf32, #tpu.memory_space<hbm>>
        %dma_start3A_512 = arith.constant 0 : i32
        %dma_start3A_513 = arith.constant 0 : i32
        %dma_start3A_514 = arith.constant 0 : i32
        %dma_start3A_515 = tpu.memref_slice %arg8[%dma_start3A_503, %dma_start3A_512, %dma_start3A_513, %dma_start3A_514] : memref<4x2x4x640xf32, #tpu.memory_space<vmem>> -> memref<1x2x4x640xf32, #tpu.memory_space<vmem>>
        %dma_start3A_516 = tpu.memref_squeeze %dma_start3A_515 : memref<1x2x4x640xf32, #tpu.memory_space<vmem>> -> memref<2x4x640xf32, #tpu.memory_space<vmem>>
        %dma_start3A_517 = arith.constant 0 : i32
        %dma_start3A_518 = tpu.memref_slice %arg3[%add3A_70, %add3A_499, %add3A_502, %dma_start3A_517] : memref<4x16x480x640xf32, #tpu.memory_space<hbm>> -> memref<1x2x4x640xf32, #tpu.memory_space<hbm>>
        %dma_start3A_519 = tpu.memref_squeeze %dma_start3A_518 : memref<1x2x4x640xf32, #tpu.memory_space<hbm>> -> memref<2x4x640xf32, #tpu.memory_space<hbm>>
        tpu.enqueue_dma source(%dma_start3A_519 : memref<2x4x640xf32, #tpu.memory_space<hbm>>) target(%dma_start3A_516 : memref<2x4x640xf32, #tpu.memory_space<vmem>>) target_semaphore(%arg14 : memref<!tpu.dma_semaphore, #tpu.memory_space<semaphore_mem>>)
      } else {
      }
    }
    %scan3A_193 = arith.constant 30 : i32
    %mul3A_194 = arith.constant 16 : i32
    %mul3A_195 = arith.muli %mul3A_194, %arg0 : i32
    %add3A_196 = arith.addi %mul3A_195, %arg1 : i32
    %dma_start3A_197 = arith.constant 0 : i32
    %dma_start3A_198 = tpu.memref_slice %arg6[%dma_start3A_197] : memref<100160xf32, #tpu.memory_space<vmem>> -> memref<25040xf32, #tpu.memory_space<vmem>>
    %dma_start3A_199 = arith.constant 0 : i32
    %dma_start3A_200 = tpu.memref_slice %arg5[%add3A_196, %dma_start3A_199] : memref<32x100160xf32, #tpu.memory_space<hbm>> -> memref<1x25040xf32, #tpu.memory_space<hbm>>
    %dma_start3A_201 = tpu.memref_squeeze %dma_start3A_200 : memref<1x25040xf32, #tpu.memory_space<hbm>> -> memref<25040xf32, #tpu.memory_space<hbm>>
    %dma_start3A_202 = arith.constant 0 : i32
    %dma_start3A_203 = tpu.memref_slice %arg5[%add3A_196, %dma_start3A_202] : memref<32x100160xf32, #tpu.memory_space<hbm>> -> memref<1x25040xf32, #tpu.memory_space<hbm>>
    %dma_start3A_204 = tpu.memref_squeeze %dma_start3A_203 : memref<1x25040xf32, #tpu.memory_space<hbm>> -> memref<25040xf32, #tpu.memory_space<hbm>>
    %dma_start3A_205 = arith.constant 0 : i32
    %dma_start3A_206 = tpu.memref_slice %arg6[%dma_start3A_205] : memref<100160xf32, #tpu.memory_space<vmem>> -> memref<25040xf32, #tpu.memory_space<vmem>>
    tpu.enqueue_dma source(%dma_start3A_206 : memref<25040xf32, #tpu.memory_space<vmem>>) target(%dma_start3A_204 : memref<25040xf32, #tpu.memory_space<hbm>>) target_semaphore(%arg10 : memref<!tpu.dma_semaphore, #tpu.memory_space<semaphore_mem>>)
    %mul3A_207 = arith.constant 16 : i32
    %mul3A_208 = arith.muli %mul3A_207, %arg0 : i32
    %add3A_209 = arith.addi %mul3A_208, %arg1 : i32
    %dma_start3A_210 = arith.constant 25040 : i32
    %dma_start3A_211 = tpu.memref_slice %arg6[%dma_start3A_210] : memref<100160xf32, #tpu.memory_space<vmem>> -> memref<25040xf32, #tpu.memory_space<vmem>>
    %dma_start3A_212 = arith.constant 25040 : i32
    %dma_start3A_213 = tpu.memref_slice %arg5[%add3A_209, %dma_start3A_212] : memref<32x100160xf32, #tpu.memory_space<hbm>> -> memref<1x25040xf32, #tpu.memory_space<hbm>>
    %dma_start3A_214 = tpu.memref_squeeze %dma_start3A_213 : memref<1x25040xf32, #tpu.memory_space<hbm>> -> memref<25040xf32, #tpu.memory_space<hbm>>
    %dma_start3A_215 = arith.constant 25040 : i32
    %dma_start3A_216 = tpu.memref_slice %arg5[%add3A_209, %dma_start3A_215] : memref<32x100160xf32, #tpu.memory_space<hbm>> -> memref<1x25040xf32, #tpu.memory_space<hbm>>
    %dma_start3A_217 = tpu.memref_squeeze %dma_start3A_216 : memref<1x25040xf32, #tpu.memory_space<hbm>> -> memref<25040xf32, #tpu.memory_space<hbm>>
    %dma_start3A_218 = arith.constant 25040 : i32
    %dma_start3A_219 = tpu.memref_slice %arg6[%dma_start3A_218] : memref<100160xf32, #tpu.memory_space<vmem>> -> memref<25040xf32, #tpu.memory_space<vmem>>
    tpu.enqueue_dma source(%dma_start3A_219 : memref<25040xf32, #tpu.memory_space<vmem>>) target(%dma_start3A_217 : memref<25040xf32, #tpu.memory_space<hbm>>) target_semaphore(%arg10 : memref<!tpu.dma_semaphore, #tpu.memory_space<semaphore_mem>>)
    %mul3A_220 = arith.constant 16 : i32
    %mul3A_221 = arith.muli %mul3A_220, %arg0 : i32
    %add3A_222 = arith.addi %mul3A_221, %arg1 : i32
    %dma_start3A_223 = arith.constant 50080 : i32
    %dma_start3A_224 = tpu.memref_slice %arg6[%dma_start3A_223] : memref<100160xf32, #tpu.memory_space<vmem>> -> memref<25040xf32, #tpu.memory_space<vmem>>
    %dma_start3A_225 = arith.constant 50080 : i32
    %dma_start3A_226 = tpu.memref_slice %arg5[%add3A_222, %dma_start3A_225] : memref<32x100160xf32, #tpu.memory_space<hbm>> -> memref<1x25040xf32, #tpu.memory_space<hbm>>
    %dma_start3A_227 = tpu.memref_squeeze %dma_start3A_226 : memref<1x25040xf32, #tpu.memory_space<hbm>> -> memref<25040xf32, #tpu.memory_space<hbm>>
    %dma_start3A_228 = arith.constant 50080 : i32
    %dma_start3A_229 = tpu.memref_slice %arg5[%add3A_222, %dma_start3A_228] : memref<32x100160xf32, #tpu.memory_space<hbm>> -> memref<1x25040xf32, #tpu.memory_space<hbm>>
    %dma_start3A_230 = tpu.memref_squeeze %dma_start3A_229 : memref<1x25040xf32, #tpu.memory_space<hbm>> -> memref<25040xf32, #tpu.memory_space<hbm>>
    %dma_start3A_231 = arith.constant 50080 : i32
    %dma_start3A_232 = tpu.memref_slice %arg6[%dma_start3A_231] : memref<100160xf32, #tpu.memory_space<vmem>> -> memref<25040xf32, #tpu.memory_space<vmem>>
    tpu.enqueue_dma source(%dma_start3A_232 : memref<25040xf32, #tpu.memory_space<vmem>>) target(%dma_start3A_230 : memref<25040xf32, #tpu.memory_space<hbm>>) target_semaphore(%arg10 : memref<!tpu.dma_semaphore, #tpu.memory_space<semaphore_mem>>)
    %mul3A_233 = arith.constant 16 : i32
    %mul3A_234 = arith.muli %mul3A_233, %arg0 : i32
    %add3A_235 = arith.addi %mul3A_234, %arg1 : i32
    %dma_start3A_236 = arith.constant 75120 : i32
    %dma_start3A_237 = tpu.memref_slice %arg6[%dma_start3A_236] : memref<100160xf32, #tpu.memory_space<vmem>> -> memref<25040xf32, #tpu.memory_space<vmem>>
    %dma_start3A_238 = arith.constant 75120 : i32
    %dma_start3A_239 = tpu.memref_slice %arg5[%add3A_235, %dma_start3A_238] : memref<32x100160xf32, #tpu.memory_space<hbm>> -> memref<1x25040xf32, #tpu.memory_space<hbm>>
    %dma_start3A_240 = tpu.memref_squeeze %dma_start3A_239 : memref<1x25040xf32, #tpu.memory_space<hbm>> -> memref<25040xf32, #tpu.memory_space<hbm>>
    %dma_start3A_241 = arith.constant 75120 : i32
    %dma_start3A_242 = tpu.memref_slice %arg5[%add3A_235, %dma_start3A_241] : memref<32x100160xf32, #tpu.memory_space<hbm>> -> memref<1x25040xf32, #tpu.memory_space<hbm>>
    %dma_start3A_243 = tpu.memref_squeeze %dma_start3A_242 : memref<1x25040xf32, #tpu.memory_space<hbm>> -> memref<25040xf32, #tpu.memory_space<hbm>>
    %dma_start3A_244 = arith.constant 75120 : i32
    %dma_start3A_245 = tpu.memref_slice %arg6[%dma_start3A_244] : memref<100160xf32, #tpu.memory_space<vmem>> -> memref<25040xf32, #tpu.memory_space<vmem>>
    tpu.enqueue_dma source(%dma_start3A_245 : memref<25040xf32, #tpu.memory_space<vmem>>) target(%dma_start3A_243 : memref<25040xf32, #tpu.memory_space<hbm>>) target_semaphore(%arg10 : memref<!tpu.dma_semaphore, #tpu.memory_space<semaphore_mem>>)
    %mul3A_246 = arith.constant 16 : i32
    %mul3A_247 = arith.muli %mul3A_246, %arg0 : i32
    %add3A_248 = arith.addi %mul3A_247, %arg1 : i32
    %dma_wait3A = arith.constant 0 : i32
    %dma_wait3A_249 = tpu.memref_slice %arg6[%dma_wait3A] : memref<100160xf32, #tpu.memory_space<vmem>> -> memref<25040xf32, #tpu.memory_space<vmem>>
    %dma_wait3A_250 = arith.constant 0 : i32
    %dma_wait3A_251 = tpu.memref_slice %arg5[%add3A_248, %dma_wait3A_250] : memref<32x100160xf32, #tpu.memory_space<hbm>> -> memref<1x25040xf32, #tpu.memory_space<hbm>>
    %dma_wait3A_252 = tpu.memref_squeeze %dma_wait3A_251 : memref<1x25040xf32, #tpu.memory_space<hbm>> -> memref<25040xf32, #tpu.memory_space<hbm>>
    %dma_wait3A_253 = arith.constant 0 : i32
    %dma_wait3A_254 = tpu.memref_slice %arg5[%add3A_248, %dma_wait3A_253] : memref<32x100160xf32, #tpu.memory_space<hbm>> -> memref<1x25040xf32, #tpu.memory_space<hbm>>
    %dma_wait3A_255 = tpu.memref_squeeze %dma_wait3A_254 : memref<1x25040xf32, #tpu.memory_space<hbm>> -> memref<25040xf32, #tpu.memory_space<hbm>>
    %dma_wait3A_256 = arith.constant 0 : i32
    %dma_wait3A_257 = tpu.memref_slice %arg6[%dma_wait3A_256] : memref<100160xf32, #tpu.memory_space<vmem>> -> memref<25040xf32, #tpu.memory_space<vmem>>
    tpu.wait_dma2 semaphore(%arg10 : memref<!tpu.dma_semaphore, #tpu.memory_space<semaphore_mem>>) src(%dma_wait3A_257 : memref<25040xf32, #tpu.memory_space<vmem>>) dst(%dma_wait3A_255 : memref<25040xf32, #tpu.memory_space<hbm>>)
    %mul3A_258 = arith.constant 16 : i32
    %mul3A_259 = arith.muli %mul3A_258, %arg0 : i32
    %add3A_260 = arith.addi %mul3A_259, %arg1 : i32
    %dma_wait3A_261 = arith.constant 25040 : i32
    %dma_wait3A_262 = tpu.memref_slice %arg6[%dma_wait3A_261] : memref<100160xf32, #tpu.memory_space<vmem>> -> memref<25040xf32, #tpu.memory_space<vmem>>
    %dma_wait3A_263 = arith.constant 25040 : i32
    %dma_wait3A_264 = tpu.memref_slice %arg5[%add3A_260, %dma_wait3A_263] : memref<32x100160xf32, #tpu.memory_space<hbm>> -> memref<1x25040xf32, #tpu.memory_space<hbm>>
    %dma_wait3A_265 = tpu.memref_squeeze %dma_wait3A_264 : memref<1x25040xf32, #tpu.memory_space<hbm>> -> memref<25040xf32, #tpu.memory_space<hbm>>
    %dma_wait3A_266 = arith.constant 25040 : i32
    %dma_wait3A_267 = tpu.memref_slice %arg5[%add3A_260, %dma_wait3A_266] : memref<32x100160xf32, #tpu.memory_space<hbm>> -> memref<1x25040xf32, #tpu.memory_space<hbm>>
    %dma_wait3A_268 = tpu.memref_squeeze %dma_wait3A_267 : memref<1x25040xf32, #tpu.memory_space<hbm>> -> memref<25040xf32, #tpu.memory_space<hbm>>
    %dma_wait3A_269 = arith.constant 25040 : i32
    %dma_wait3A_270 = tpu.memref_slice %arg6[%dma_wait3A_269] : memref<100160xf32, #tpu.memory_space<vmem>> -> memref<25040xf32, #tpu.memory_space<vmem>>
    tpu.wait_dma2 semaphore(%arg10 : memref<!tpu.dma_semaphore, #tpu.memory_space<semaphore_mem>>) src(%dma_wait3A_270 : memref<25040xf32, #tpu.memory_space<vmem>>) dst(%dma_wait3A_268 : memref<25040xf32, #tpu.memory_space<hbm>>)
    %mul3A_271 = arith.constant 16 : i32
    %mul3A_272 = arith.muli %mul3A_271, %arg0 : i32
    %add3A_273 = arith.addi %mul3A_272, %arg1 : i32
    %dma_wait3A_274 = arith.constant 50080 : i32
    %dma_wait3A_275 = tpu.memref_slice %arg6[%dma_wait3A_274] : memref<100160xf32, #tpu.memory_space<vmem>> -> memref<25040xf32, #tpu.memory_space<vmem>>
    %dma_wait3A_276 = arith.constant 50080 : i32
    %dma_wait3A_277 = tpu.memref_slice %arg5[%add3A_273, %dma_wait3A_276] : memref<32x100160xf32, #tpu.memory_space<hbm>> -> memref<1x25040xf32, #tpu.memory_space<hbm>>
    %dma_wait3A_278 = tpu.memref_squeeze %dma_wait3A_277 : memref<1x25040xf32, #tpu.memory_space<hbm>> -> memref<25040xf32, #tpu.memory_space<hbm>>
    %dma_wait3A_279 = arith.constant 50080 : i32
    %dma_wait3A_280 = tpu.memref_slice %arg5[%add3A_273, %dma_wait3A_279] : memref<32x100160xf32, #tpu.memory_space<hbm>> -> memref<1x25040xf32, #tpu.memory_space<hbm>>
    %dma_wait3A_281 = tpu.memref_squeeze %dma_wait3A_280 : memref<1x25040xf32, #tpu.memory_space<hbm>> -> memref<25040xf32, #tpu.memory_space<hbm>>
    %dma_wait3A_282 = arith.constant 50080 : i32
    %dma_wait3A_283 = tpu.memref_slice %arg6[%dma_wait3A_282] : memref<100160xf32, #tpu.memory_space<vmem>> -> memref<25040xf32, #tpu.memory_space<vmem>>
    tpu.wait_dma2 semaphore(%arg10 : memref<!tpu.dma_semaphore, #tpu.memory_space<semaphore_mem>>) src(%dma_wait3A_283 : memref<25040xf32, #tpu.memory_space<vmem>>) dst(%dma_wait3A_281 : memref<25040xf32, #tpu.memory_space<hbm>>)
    %mul3A_284 = arith.constant 16 : i32
    %mul3A_285 = arith.muli %mul3A_284, %arg0 : i32
    %add3A_286 = arith.addi %mul3A_285, %arg1 : i32
    %dma_wait3A_287 = arith.constant 75120 : i32
    %dma_wait3A_288 = tpu.memref_slice %arg6[%dma_wait3A_287] : memref<100160xf32, #tpu.memory_space<vmem>> -> memref<25040xf32, #tpu.memory_space<vmem>>
    %dma_wait3A_289 = arith.constant 75120 : i32
    %dma_wait3A_290 = tpu.memref_slice %arg5[%add3A_286, %dma_wait3A_289] : memref<32x100160xf32, #tpu.memory_space<hbm>> -> memref<1x25040xf32, #tpu.memory_space<hbm>>
    %dma_wait3A_291 = tpu.memref_squeeze %dma_wait3A_290 : memref<1x25040xf32, #tpu.memory_space<hbm>> -> memref<25040xf32, #tpu.memory_space<hbm>>
    %dma_wait3A_292 = arith.constant 75120 : i32
    %dma_wait3A_293 = tpu.memref_slice %arg5[%add3A_286, %dma_wait3A_292] : memref<32x100160xf32, #tpu.memory_space<hbm>> -> memref<1x25040xf32, #tpu.memory_space<hbm>>
    %dma_wait3A_294 = tpu.memref_squeeze %dma_wait3A_293 : memref<1x25040xf32, #tpu.memory_space<hbm>> -> memref<25040xf32, #tpu.memory_space<hbm>>
    %dma_wait3A_295 = arith.constant 75120 : i32
    %dma_wait3A_296 = tpu.memref_slice %arg6[%dma_wait3A_295] : memref<100160xf32, #tpu.memory_space<vmem>> -> memref<25040xf32, #tpu.memory_space<vmem>>
    tpu.wait_dma2 semaphore(%arg10 : memref<!tpu.dma_semaphore, #tpu.memory_space<semaphore_mem>>) src(%dma_wait3A_296 : memref<25040xf32, #tpu.memory_space<vmem>>) dst(%dma_wait3A_294 : memref<25040xf32, #tpu.memory_space<hbm>>)
    %barrier3A = arith.constant 0 : index
    tpu.barrier barrier_id(%barrier3A)
    %add3A_297 = arith.constant 0 : i32
    %add3A_298 = arith.addi %arg1, %add3A_297 : i32
    %lt3A_299 = arith.constant 36 : i32
    %lt3A_300 = arith.cmpi slt, %add3A_298, %lt3A_299 : i32
    %convert_element_type3A_301 = arith.extui %lt3A_300 : i1 to i32
    %cond3A = arith.constant 0 : i32
    %cond3A_302 = arith.cmpi ne, %convert_element_type3A_301, %cond3A : i32
    scf.if %cond3A_302 {
      %jit3A_317 = arith.constant 18 : i32
      %div3A_318 = arith.divsi %add3A_298, %jit3A_317 : i32
      %sign3A_319 = arith.constant 0 : i32
      %sign3A_320 = arith.cmpi sgt, %add3A_298, %sign3A_319 : i32
      %sign3A_321 = arith.extui %sign3A_320 : i1 to i32
      %sign3A_322 = arith.constant 0 : i32
      %sign3A_323 = arith.cmpi slt, %add3A_298, %sign3A_322 : i32
      %sign3A_324 = arith.extui %sign3A_323 : i1 to i32
      %sign3A_325 = arith.subi %sign3A_321, %sign3A_324 : i32
      %sign3A_326 = arith.constant 0 : i32
      %sign3A_327 = arith.cmpi sgt, %jit3A_317, %sign3A_326 : i32
      %sign3A_328 = arith.extui %sign3A_327 : i1 to i32
      %sign3A_329 = arith.constant 0 : i32
      %sign3A_330 = arith.cmpi slt, %jit3A_317, %sign3A_329 : i32
      %sign3A_331 = arith.extui %sign3A_330 : i1 to i32
      %sign3A_332 = arith.subi %sign3A_328, %sign3A_331 : i32
      %ne3A_333 = arith.cmpi ne, %sign3A_325, %sign3A_332 : i32
      %rem3A_334 = arith.remsi %add3A_298, %jit3A_317 : i32
      %ne3A_335 = arith.constant 0 : i32
      %ne3A_336 = arith.cmpi ne, %rem3A_334, %ne3A_335 : i32
      %and3A_337 = arith.andi %ne3A_333, %ne3A_336 : i1
      %sub3A_338 = arith.constant 1 : i32
      %sub3A_339 = arith.subi %div3A_318, %sub3A_338 : i32
      %select_n3A_340 = arith.select %and3A_337, %sub3A_339, %div3A_318 : i32
      %jit3A_341 = arith.constant 18 : i32
      %eq3A_342 = arith.constant 0 : i32
      %eq3A_343 = arith.cmpi eq, %jit3A_341, %eq3A_342 : i32
      %jit3A_344 = arith.constant 1 : i32
      %select_n3A_345 = arith.select %eq3A_343, %jit3A_344, %jit3A_341 : i32
      %rem3A_346 = arith.remsi %add3A_298, %select_n3A_345 : i32
      %ne3A_347 = arith.constant 0 : i32
      %ne3A_348 = arith.cmpi ne, %rem3A_346, %ne3A_347 : i32
      %lt3A_349 = arith.constant 0 : i32
      %lt3A_350 = arith.cmpi slt, %rem3A_346, %lt3A_349 : i32
      %lt3A_351 = arith.constant 0 : i32
      %lt3A_352 = arith.cmpi slt, %select_n3A_345, %lt3A_351 : i32
      %ne3A_353 = arith.xori %lt3A_350, %lt3A_352 : i1
      %and3A_354 = arith.andi %ne3A_353, %ne3A_348 : i1
      %add3A_355 = arith.addi %rem3A_346, %select_n3A_345 : i32
      %select_n3A_356 = arith.select %and3A_354, %add3A_355, %rem3A_346 : i32
      %ge3A = arith.constant 10 : i32
      %ge3A_357 = arith.cmpi sge, %select_n3A_356, %ge3A : i32
      %jit3A_358 = arith.constant 1 : i32
      %jit3A_359 = arith.constant 0 : i32
      %select_n3A_360 = arith.select %ge3A_357, %jit3A_358, %jit3A_359 : i32
      %mul3A_361 = arith.constant 10 : i32
      %mul3A_362 = arith.muli %mul3A_361, %select_n3A_360 : i32
      %sub3A_363 = arith.subi %select_n3A_356, %mul3A_362 : i32
      %mul3A_364 = arith.constant 4 : i32
      %mul3A_365 = arith.muli %select_n3A_340, %mul3A_364 : i32
      %add3A_366 = arith.constant 0 : i32
      %add3A_367 = arith.addi %mul3A_365, %add3A_366 : i32
      %mul3A_368 = arith.constant 2 : i32
      %mul3A_369 = arith.muli %add3A_367, %mul3A_368 : i32
      %add3A_370 = arith.addi %mul3A_369, %select_n3A_360 : i32
      %mul3A_371 = arith.constant 16 : i32
      %mul3A_372 = arith.muli %mul3A_371, %arg0 : i32
      %add3A_373 = arith.addi %mul3A_372, %add3A_370 : i32
      %mul3A_374 = arith.constant 10016 : i32
      %mul3A_375 = arith.muli %sub3A_363, %mul3A_374 : i32
      %dma_start3A_376 = arith.constant 0 : i32
      %dma_start3A_377 = tpu.memref_slice %arg6[%dma_start3A_376] : memref<100160xf32, #tpu.memory_space<vmem>> -> memref<10000xf32, #tpu.memory_space<vmem>>
      %dma_start3A_378 = tpu.memref_slice %arg5[%add3A_373, %mul3A_375] : memref<32x100160xf32, #tpu.memory_space<hbm>> -> memref<1x10000xf32, #tpu.memory_space<hbm>>
      %dma_start3A_379 = tpu.memref_squeeze %dma_start3A_378 : memref<1x10000xf32, #tpu.memory_space<hbm>> -> memref<10000xf32, #tpu.memory_space<hbm>>
      %dma_start3A_380 = arith.constant 0 : i32
      %dma_start3A_381 = tpu.memref_slice %arg6[%dma_start3A_380] : memref<100160xf32, #tpu.memory_space<vmem>> -> memref<10000xf32, #tpu.memory_space<vmem>>
      %dma_start3A_382 = tpu.memref_slice %arg5[%add3A_373, %mul3A_375] : memref<32x100160xf32, #tpu.memory_space<hbm>> -> memref<1x10000xf32, #tpu.memory_space<hbm>>
      %dma_start3A_383 = tpu.memref_squeeze %dma_start3A_382 : memref<1x10000xf32, #tpu.memory_space<hbm>> -> memref<10000xf32, #tpu.memory_space<hbm>>
      tpu.enqueue_dma source(%dma_start3A_383 : memref<10000xf32, #tpu.memory_space<hbm>>) target(%dma_start3A_381 : memref<10000xf32, #tpu.memory_space<vmem>>) target_semaphore(%arg11 : memref<!tpu.dma_semaphore, #tpu.memory_space<semaphore_mem>>)
      %mul3A_384 = arith.constant 4 : i32
      %mul3A_385 = arith.muli %select_n3A_340, %mul3A_384 : i32
      %add3A_386 = arith.constant 1 : i32
      %add3A_387 = arith.addi %mul3A_385, %add3A_386 : i32
      %mul3A_388 = arith.constant 2 : i32
      %mul3A_389 = arith.muli %add3A_387, %mul3A_388 : i32
      %add3A_390 = arith.addi %mul3A_389, %select_n3A_360 : i32
      %mul3A_391 = arith.constant 16 : i32
      %mul3A_392 = arith.muli %mul3A_391, %arg0 : i32
      %add3A_393 = arith.addi %mul3A_392, %add3A_390 : i32
      %mul3A_394 = arith.constant 10016 : i32
      %mul3A_395 = arith.muli %sub3A_363, %mul3A_394 : i32
      %dma_start3A_396 = arith.constant 10000 : i32
      %dma_start3A_397 = tpu.memref_slice %arg6[%dma_start3A_396] : memref<100160xf32, #tpu.memory_space<vmem>> -> memref<10000xf32, #tpu.memory_space<vmem>>
      %dma_start3A_398 = tpu.memref_slice %arg5[%add3A_393, %mul3A_395] : memref<32x100160xf32, #tpu.memory_space<hbm>> -> memref<1x10000xf32, #tpu.memory_space<hbm>>
      %dma_start3A_399 = tpu.memref_squeeze %dma_start3A_398 : memref<1x10000xf32, #tpu.memory_space<hbm>> -> memref<10000xf32, #tpu.memory_space<hbm>>
      %dma_start3A_400 = arith.constant 10000 : i32
      %dma_start3A_401 = tpu.memref_slice %arg6[%dma_start3A_400] : memref<100160xf32, #tpu.memory_space<vmem>> -> memref<10000xf32, #tpu.memory_space<vmem>>
      %dma_start3A_402 = tpu.memref_slice %arg5[%add3A_393, %mul3A_395] : memref<32x100160xf32, #tpu.memory_space<hbm>> -> memref<1x10000xf32, #tpu.memory_space<hbm>>
      %dma_start3A_403 = tpu.memref_squeeze %dma_start3A_402 : memref<1x10000xf32, #tpu.memory_space<hbm>> -> memref<10000xf32, #tpu.memory_space<hbm>>
      tpu.enqueue_dma source(%dma_start3A_403 : memref<10000xf32, #tpu.memory_space<hbm>>) target(%dma_start3A_401 : memref<10000xf32, #tpu.memory_space<vmem>>) target_semaphore(%arg12 : memref<!tpu.dma_semaphore, #tpu.memory_space<semaphore_mem>>)
      %mul3A_404 = arith.constant 4 : i32
      %mul3A_405 = arith.muli %select_n3A_340, %mul3A_404 : i32
      %add3A_406 = arith.constant 2 : i32
      %add3A_407 = arith.addi %mul3A_405, %add3A_406 : i32
      %mul3A_408 = arith.constant 2 : i32
      %mul3A_409 = arith.muli %add3A_407, %mul3A_408 : i32
      %add3A_410 = arith.addi %mul3A_409, %select_n3A_360 : i32
      %mul3A_411 = arith.constant 16 : i32
      %mul3A_412 = arith.muli %mul3A_411, %arg0 : i32
      %add3A_413 = arith.addi %mul3A_412, %add3A_410 : i32
      %mul3A_414 = arith.constant 10016 : i32
      %mul3A_415 = arith.muli %sub3A_363, %mul3A_414 : i32
      %dma_start3A_416 = arith.constant 20000 : i32
      %dma_start3A_417 = tpu.memref_slice %arg6[%dma_start3A_416] : memref<100160xf32, #tpu.memory_space<vmem>> -> memref<10000xf32, #tpu.memory_space<vmem>>
      %dma_start3A_418 = tpu.memref_slice %arg5[%add3A_413, %mul3A_415] : memref<32x100160xf32, #tpu.memory_space<hbm>> -> memref<1x10000xf32, #tpu.memory_space<hbm>>
      %dma_start3A_419 = tpu.memref_squeeze %dma_start3A_418 : memref<1x10000xf32, #tpu.memory_space<hbm>> -> memref<10000xf32, #tpu.memory_space<hbm>>
      %dma_start3A_420 = arith.constant 20000 : i32
      %dma_start3A_421 = tpu.memref_slice %arg6[%dma_start3A_420] : memref<100160xf32, #tpu.memory_space<vmem>> -> memref<10000xf32, #tpu.memory_space<vmem>>
      %dma_start3A_422 = tpu.memref_slice %arg5[%add3A_413, %mul3A_415] : memref<32x100160xf32, #tpu.memory_space<hbm>> -> memref<1x10000xf32, #tpu.memory_space<hbm>>
      %dma_start3A_423 = tpu.memref_squeeze %dma_start3A_422 : memref<1x10000xf32, #tpu.memory_space<hbm>> -> memref<10000xf32, #tpu.memory_space<hbm>>
      tpu.enqueue_dma source(%dma_start3A_423 : memref<10000xf32, #tpu.memory_space<hbm>>) target(%dma_start3A_421 : memref<10000xf32, #tpu.memory_space<vmem>>) target_semaphore(%arg13 : memref<!tpu.dma_semaphore, #tpu.memory_space<semaphore_mem>>)
      %mul3A_424 = arith.constant 4 : i32
      %mul3A_425 = arith.muli %select_n3A_340, %mul3A_424 : i32
      %add3A_426 = arith.constant 3 : i32
      %add3A_427 = arith.addi %mul3A_425, %add3A_426 : i32
      %mul3A_428 = arith.constant 2 : i32
      %mul3A_429 = arith.muli %add3A_427, %mul3A_428 : i32
      %add3A_430 = arith.addi %mul3A_429, %select_n3A_360 : i32
      %mul3A_431 = arith.constant 16 : i32
      %mul3A_432 = arith.muli %mul3A_431, %arg0 : i32
      %add3A_433 = arith.addi %mul3A_432, %add3A_430 : i32
      %mul3A_434 = arith.constant 10016 : i32
      %mul3A_435 = arith.muli %sub3A_363, %mul3A_434 : i32
      %dma_start3A_436 = arith.constant 30000 : i32
      %dma_start3A_437 = tpu.memref_slice %arg6[%dma_start3A_436] : memref<100160xf32, #tpu.memory_space<vmem>> -> memref<10000xf32, #tpu.memory_space<vmem>>
      %dma_start3A_438 = tpu.memref_slice %arg5[%add3A_433, %mul3A_435] : memref<32x100160xf32, #tpu.memory_space<hbm>> -> memref<1x10000xf32, #tpu.memory_space<hbm>>
      %dma_start3A_439 = tpu.memref_squeeze %dma_start3A_438 : memref<1x10000xf32, #tpu.memory_space<hbm>> -> memref<10000xf32, #tpu.memory_space<hbm>>
      %dma_start3A_440 = arith.constant 30000 : i32
      %dma_start3A_441 = tpu.memref_slice %arg6[%dma_start3A_440] : memref<100160xf32, #tpu.memory_space<vmem>> -> memref<10000xf32, #tpu.memory_space<vmem>>
      %dma_start3A_442 = tpu.memref_slice %arg5[%add3A_433, %mul3A_435] : memref<32x100160xf32, #tpu.memory_space<hbm>> -> memref<1x10000xf32, #tpu.memory_space<hbm>>
      %dma_start3A_443 = tpu.memref_squeeze %dma_start3A_442 : memref<1x10000xf32, #tpu.memory_space<hbm>> -> memref<10000xf32, #tpu.memory_space<hbm>>
      tpu.enqueue_dma source(%dma_start3A_443 : memref<10000xf32, #tpu.memory_space<hbm>>) target(%dma_start3A_441 : memref<10000xf32, #tpu.memory_space<vmem>>) target_semaphore(%arg14 : memref<!tpu.dma_semaphore, #tpu.memory_space<semaphore_mem>>)
      %mul3A_444 = arith.constant 4 : i32
      %mul3A_445 = arith.muli %select_n3A_340, %mul3A_444 : i32
      %add3A_446 = arith.constant 0 : i32
      %add3A_447 = arith.addi %mul3A_445, %add3A_446 : i32
      %mul3A_448 = arith.constant 2 : i32
      %mul3A_449 = arith.muli %add3A_447, %mul3A_448 : i32
      %add3A_450 = arith.addi %mul3A_449, %select_n3A_360 : i32
      %mul3A_451 = arith.constant 16 : i32
      %mul3A_452 = arith.muli %mul3A_451, %arg0 : i32
      %add3A_453 = arith.addi %mul3A_452, %add3A_450 : i32
      %mul3A_454 = arith.constant 10016 : i32
      %mul3A_455 = arith.muli %sub3A_363, %mul3A_454 : i32
      %dma_wait3A_456 = arith.constant 0 : i32
      %dma_wait3A_457 = tpu.memref_slice %arg6[%dma_wait3A_456] : memref<100160xf32, #tpu.memory_space<vmem>> -> memref<10000xf32, #tpu.memory_space<vmem>>
      %dma_wait3A_458 = tpu.memref_slice %arg5[%add3A_453, %mul3A_455] : memref<32x100160xf32, #tpu.memory_space<hbm>> -> memref<1x10000xf32, #tpu.memory_space<hbm>>
      %dma_wait3A_459 = tpu.memref_squeeze %dma_wait3A_458 : memref<1x10000xf32, #tpu.memory_space<hbm>> -> memref<10000xf32, #tpu.memory_space<hbm>>
      %dma_wait3A_460 = arith.constant 0 : i32
      %dma_wait3A_461 = tpu.memref_slice %arg6[%dma_wait3A_460] : memref<100160xf32, #tpu.memory_space<vmem>> -> memref<10000xf32, #tpu.memory_space<vmem>>
      %dma_wait3A_462 = tpu.memref_slice %arg5[%add3A_453, %mul3A_455] : memref<32x100160xf32, #tpu.memory_space<hbm>> -> memref<1x10000xf32, #tpu.memory_space<hbm>>
      %dma_wait3A_463 = tpu.memref_squeeze %dma_wait3A_462 : memref<1x10000xf32, #tpu.memory_space<hbm>> -> memref<10000xf32, #tpu.memory_space<hbm>>
      tpu.wait_dma2 semaphore(%arg11 : memref<!tpu.dma_semaphore, #tpu.memory_space<semaphore_mem>>) src(%dma_wait3A_463 : memref<10000xf32, #tpu.memory_space<hbm>>) dst(%dma_wait3A_461 : memref<10000xf32, #tpu.memory_space<vmem>>)
      %mul3A_464 = arith.constant 4 : i32
      %mul3A_465 = arith.muli %select_n3A_340, %mul3A_464 : i32
      %add3A_466 = arith.constant 1 : i32
      %add3A_467 = arith.addi %mul3A_465, %add3A_466 : i32
      %mul3A_468 = arith.constant 2 : i32
      %mul3A_469 = arith.muli %add3A_467, %mul3A_468 : i32
      %add3A_470 = arith.addi %mul3A_469, %select_n3A_360 : i32
      %mul3A_471 = arith.constant 16 : i32
      %mul3A_472 = arith.muli %mul3A_471, %arg0 : i32
      %add3A_473 = arith.addi %mul3A_472, %add3A_470 : i32
      %mul3A_474 = arith.constant 10016 : i32
      %mul3A_475 = arith.muli %sub3A_363, %mul3A_474 : i32
      %dma_wait3A_476 = arith.constant 10000 : i32
      %dma_wait3A_477 = tpu.memref_slice %arg6[%dma_wait3A_476] : memref<100160xf32, #tpu.memory_space<vmem>> -> memref<10000xf32, #tpu.memory_space<vmem>>
      %dma_wait3A_478 = tpu.memref_slice %arg5[%add3A_473, %mul3A_475] : memref<32x100160xf32, #tpu.memory_space<hbm>> -> memref<1x10000xf32, #tpu.memory_space<hbm>>
      %dma_wait3A_479 = tpu.memref_squeeze %dma_wait3A_478 : memref<1x10000xf32, #tpu.memory_space<hbm>> -> memref<10000xf32, #tpu.memory_space<hbm>>
      %dma_wait3A_480 = arith.constant 10000 : i32
      %dma_wait3A_481 = tpu.memref_slice %arg6[%dma_wait3A_480] : memref<100160xf32, #tpu.memory_space<vmem>> -> memref<10000xf32, #tpu.memory_space<vmem>>
      %dma_wait3A_482 = tpu.memref_slice %arg5[%add3A_473, %mul3A_475] : memref<32x100160xf32, #tpu.memory_space<hbm>> -> memref<1x10000xf32, #tpu.memory_space<hbm>>
      %dma_wait3A_483 = tpu.memref_squeeze %dma_wait3A_482 : memref<1x10000xf32, #tpu.memory_space<hbm>> -> memref<10000xf32, #tpu.memory_space<hbm>>
      tpu.wait_dma2 semaphore(%arg12 : memref<!tpu.dma_semaphore, #tpu.memory_space<semaphore_mem>>) src(%dma_wait3A_483 : memref<10000xf32, #tpu.memory_space<hbm>>) dst(%dma_wait3A_481 : memref<10000xf32, #tpu.memory_space<vmem>>)
      %mul3A_484 = arith.constant 4 : i32
      %mul3A_485 = arith.muli %select_n3A_340, %mul3A_484 : i32
      %add3A_486 = arith.constant 2 : i32
      %add3A_487 = arith.addi %mul3A_485, %add3A_486 : i32
      %mul3A_488 = arith.constant 2 : i32
      %mul3A_489 = arith.muli %add3A_487, %mul3A_488 : i32
      %add3A_490 = arith.addi %mul3A_489, %select_n3A_360 : i32
      %mul3A_491 = arith.constant 16 : i32
      %mul3A_492 = arith.muli %mul3A_491, %arg0 : i32
      %add3A_493 = arith.addi %mul3A_492, %add3A_490 : i32
      %mul3A_494 = arith.constant 10016 : i32
      %mul3A_495 = arith.muli %sub3A_363, %mul3A_494 : i32
      %dma_wait3A_496 = arith.constant 20000 : i32
      %dma_wait3A_497 = tpu.memref_slice %arg6[%dma_wait3A_496] : memref<100160xf32, #tpu.memory_space<vmem>> -> memref<10000xf32, #tpu.memory_space<vmem>>
      %dma_wait3A_498 = tpu.memref_slice %arg5[%add3A_493, %mul3A_495] : memref<32x100160xf32, #tpu.memory_space<hbm>> -> memref<1x10000xf32, #tpu.memory_space<hbm>>
      %dma_wait3A_499 = tpu.memref_squeeze %dma_wait3A_498 : memref<1x10000xf32, #tpu.memory_space<hbm>> -> memref<10000xf32, #tpu.memory_space<hbm>>
      %dma_wait3A_500 = arith.constant 20000 : i32
      %dma_wait3A_501 = tpu.memref_slice %arg6[%dma_wait3A_500] : memref<100160xf32, #tpu.memory_space<vmem>> -> memref<10000xf32, #tpu.memory_space<vmem>>
      %dma_wait3A_502 = tpu.memref_slice %arg5[%add3A_493, %mul3A_495] : memref<32x100160xf32, #tpu.memory_space<hbm>> -> memref<1x10000xf32, #tpu.memory_space<hbm>>
      %dma_wait3A_503 = tpu.memref_squeeze %dma_wait3A_502 : memref<1x10000xf32, #tpu.memory_space<hbm>> -> memref<10000xf32, #tpu.memory_space<hbm>>
      tpu.wait_dma2 semaphore(%arg13 : memref<!tpu.dma_semaphore, #tpu.memory_space<semaphore_mem>>) src(%dma_wait3A_503 : memref<10000xf32, #tpu.memory_space<hbm>>) dst(%dma_wait3A_501 : memref<10000xf32, #tpu.memory_space<vmem>>)
      %mul3A_504 = arith.constant 4 : i32
      %mul3A_505 = arith.muli %select_n3A_340, %mul3A_504 : i32
      %add3A_506 = arith.constant 3 : i32
      %add3A_507 = arith.addi %mul3A_505, %add3A_506 : i32
      %mul3A_508 = arith.constant 2 : i32
      %mul3A_509 = arith.muli %add3A_507, %mul3A_508 : i32
      %add3A_510 = arith.addi %mul3A_509, %select_n3A_360 : i32
      %mul3A_511 = arith.constant 16 : i32
      %mul3A_512 = arith.muli %mul3A_511, %arg0 : i32
      %add3A_513 = arith.addi %mul3A_512, %add3A_510 : i32
      %mul3A_514 = arith.constant 10016 : i32
      %mul3A_515 = arith.muli %sub3A_363, %mul3A_514 : i32
      %dma_wait3A_516 = arith.constant 30000 : i32
      %dma_wait3A_517 = tpu.memref_slice %arg6[%dma_wait3A_516] : memref<100160xf32, #tpu.memory_space<vmem>> -> memref<10000xf32, #tpu.memory_space<vmem>>
      %dma_wait3A_518 = tpu.memref_slice %arg5[%add3A_513, %mul3A_515] : memref<32x100160xf32, #tpu.memory_space<hbm>> -> memref<1x10000xf32, #tpu.memory_space<hbm>>
      %dma_wait3A_519 = tpu.memref_squeeze %dma_wait3A_518 : memref<1x10000xf32, #tpu.memory_space<hbm>> -> memref<10000xf32, #tpu.memory_space<hbm>>
      %dma_wait3A_520 = arith.constant 30000 : i32
      %dma_wait3A_521 = tpu.memref_slice %arg6[%dma_wait3A_520] : memref<100160xf32, #tpu.memory_space<vmem>> -> memref<10000xf32, #tpu.memory_space<vmem>>
      %dma_wait3A_522 = tpu.memref_slice %arg5[%add3A_513, %mul3A_515] : memref<32x100160xf32, #tpu.memory_space<hbm>> -> memref<1x10000xf32, #tpu.memory_space<hbm>>
      %dma_wait3A_523 = tpu.memref_squeeze %dma_wait3A_522 : memref<1x10000xf32, #tpu.memory_space<hbm>> -> memref<10000xf32, #tpu.memory_space<hbm>>
      tpu.wait_dma2 semaphore(%arg14 : memref<!tpu.dma_semaphore, #tpu.memory_space<semaphore_mem>>) src(%dma_wait3A_523 : memref<10000xf32, #tpu.memory_space<hbm>>) dst(%dma_wait3A_521 : memref<10000xf32, #tpu.memory_space<vmem>>)
      %ge3A_524 = arith.constant 2 : i32
      %ge3A_525 = arith.cmpi sge, %select_n3A_356, %ge3A_524 : i32
      %jit3A_526 = arith.constant 2.000000e-01 : f32
      %jit3A_527 = arith.constant 1.000000e+00 : f32
      %select_n3A_528 = arith.select %ge3A_525, %jit3A_526, %jit3A_527 : f32
      %parallel_loop3A_529 = arith.constant 0 : i32
      %parallel_loop3A_530 = arith.constant 625 : i32
      %parallel_loop3A_531 = arith.constant 1 : i32
      scf.for %parallel_loop3A_535 = %parallel_loop3A_529 to %parallel_loop3A_530 step %parallel_loop3A_531  : i32 {
        %parallel_loop3A_536 = arith.constant 16 : i32
        %parallel_loop3A_537 = arith.muli %parallel_loop3A_535, %parallel_loop3A_536 : i32
        %parallel_loop3A_538 = arith.index_cast %parallel_loop3A_537 : i32 to index
        %parallel_loop3A_539 = tpu.vector_load %arg6[%parallel_loop3A_538] {strides = array<i32>} : memref<100160xf32, #tpu.memory_space<vmem>>, vector<16xf32>,
        %parallel_loop3A_540 = arith.constant 10000 : i32
        %parallel_loop3A_541 = arith.addi %parallel_loop3A_540, %parallel_loop3A_537 : i32
        %parallel_loop3A_542 = arith.index_cast %parallel_loop3A_541 : i32 to index
        %parallel_loop3A_543 = tpu.vector_load %arg6[%parallel_loop3A_542] {strides = array<i32>} : memref<100160xf32, #tpu.memory_space<vmem>>, vector<16xf32>,
        %parallel_loop3A_544 = arith.addf %parallel_loop3A_539, %parallel_loop3A_543 : vector<16xf32>
        %parallel_loop3A_545 = arith.constant 20000 : i32
        %parallel_loop3A_546 = arith.addi %parallel_loop3A_545, %parallel_loop3A_537 : i32
        %parallel_loop3A_547 = arith.index_cast %parallel_loop3A_546 : i32 to index
        %parallel_loop3A_548 = tpu.vector_load %arg6[%parallel_loop3A_547] {strides = array<i32>} : memref<100160xf32, #tpu.memory_space<vmem>>, vector<16xf32>,
        %parallel_loop3A_549 = arith.addf %parallel_loop3A_544, %parallel_loop3A_548 : vector<16xf32>
        %parallel_loop3A_550 = arith.constant 30000 : i32
        %parallel_loop3A_551 = arith.addi %parallel_loop3A_550, %parallel_loop3A_537 : i32
        %parallel_loop3A_552 = arith.index_cast %parallel_loop3A_551 : i32 to index
        %parallel_loop3A_553 = tpu.vector_load %arg6[%parallel_loop3A_552] {strides = array<i32>} : memref<100160xf32, #tpu.memory_space<vmem>>, vector<16xf32>,
        %parallel_loop3A_554 = arith.addf %parallel_loop3A_549, %parallel_loop3A_553 : vector<16xf32>
        %parallel_loop3A_555 = vector.broadcast %select_n3A_528 : f32 to vector<16xf32>
        %parallel_loop3A_556 = arith.mulf %parallel_loop3A_554, %parallel_loop3A_555 : vector<16xf32>
        %parallel_loop3A_557 = arith.constant 1.000000e+00 : f32
        %parallel_loop3A_558 = vector.broadcast %parallel_loop3A_557 : f32 to vector<16xf32>
        %parallel_loop3A_559 = arith.minimumf %parallel_loop3A_556, %parallel_loop3A_558 : vector<16xf32>
        %parallel_loop3A_560 = arith.constant 40000 : i32
        %parallel_loop3A_561 = arith.addi %parallel_loop3A_560, %parallel_loop3A_537 : i32
        %parallel_loop3A_562 = arith.index_cast %parallel_loop3A_561 : i32 to index
        %parallel_loop3A_563 = tpu.vector_load %arg6[%parallel_loop3A_562] {strides = array<i32>} : memref<100160xf32, #tpu.memory_space<vmem>>, vector<16xf32>,
        tpu.vector_store %arg6[%parallel_loop3A_562], %parallel_loop3A_559 {strides = array<i32>} : memref<100160xf32, #tpu.memory_space<vmem>>, vector<16xf32>,
      } {sc.loop_unroll_factor = 4 : i64, sc.parallel_access}
      %mul3A_532 = arith.constant 2 : i32
      %mul3A_533 = arith.muli %mul3A_532, %arg0 : i32
      %add3A_534 = arith.addi %mul3A_533, %select_n3A_340 : i32
      "tpu.region"() ({
        %run_scoped3A = tpu.sem_alloc : memref<!tpu.dma_semaphore, #tpu.memory_space<semaphore_mem>>
        %dma_start3A_535 = arith.constant 40000 : i32
        %dma_start3A_536 = tpu.memref_slice %arg6[%dma_start3A_535] : memref<100160xf32, #tpu.memory_space<vmem>> -> memref<10000xf32, #tpu.memory_space<vmem>>
        %dma_start3A_537 = arith.constant 0 : i32
        %dma_start3A_538 = tpu.memref_slice %arg4[%add3A_534, %select_n3A_356, %dma_start3A_537] : memref<4x18x10000xf32, #tpu.memory_space<hbm>> -> memref<1x1x10000xf32, #tpu.memory_space<hbm>>
        %dma_start3A_539 = tpu.memref_squeeze %dma_start3A_538 : memref<1x1x10000xf32, #tpu.memory_space<hbm>> -> memref<10000xf32, #tpu.memory_space<hbm>>
        %dma_start3A_540 = arith.constant 0 : i32
        %dma_start3A_541 = tpu.memref_slice %arg4[%add3A_534, %select_n3A_356, %dma_start3A_540] : memref<4x18x10000xf32, #tpu.memory_space<hbm>> -> memref<1x1x10000xf32, #tpu.memory_space<hbm>>
        %dma_start3A_542 = tpu.memref_squeeze %dma_start3A_541 : memref<1x1x10000xf32, #tpu.memory_space<hbm>> -> memref<10000xf32, #tpu.memory_space<hbm>>
        %dma_start3A_543 = arith.constant 40000 : i32
        %dma_start3A_544 = tpu.memref_slice %arg6[%dma_start3A_543] : memref<100160xf32, #tpu.memory_space<vmem>> -> memref<10000xf32, #tpu.memory_space<vmem>>
        tpu.enqueue_dma source(%dma_start3A_544 : memref<10000xf32, #tpu.memory_space<vmem>>) target(%dma_start3A_542 : memref<10000xf32, #tpu.memory_space<hbm>>) target_semaphore(%run_scoped3A : memref<!tpu.dma_semaphore, #tpu.memory_space<semaphore_mem>>)
        %dma_wait3A_545 = arith.constant 40000 : i32
        %dma_wait3A_546 = tpu.memref_slice %arg6[%dma_wait3A_545] : memref<100160xf32, #tpu.memory_space<vmem>> -> memref<10000xf32, #tpu.memory_space<vmem>>
        %dma_wait3A_547 = arith.constant 0 : i32
        %dma_wait3A_548 = tpu.memref_slice %arg4[%add3A_534, %select_n3A_356, %dma_wait3A_547] : memref<4x18x10000xf32, #tpu.memory_space<hbm>> -> memref<1x1x10000xf32, #tpu.memory_space<hbm>>
        %dma_wait3A_549 = tpu.memref_squeeze %dma_wait3A_548 : memref<1x1x10000xf32, #tpu.memory_space<hbm>> -> memref<10000xf32, #tpu.memory_space<hbm>>
        %dma_wait3A_550 = arith.constant 0 : i32
        %dma_wait3A_551 = tpu.memref_slice %arg4[%add3A_534, %select_n3A_356, %dma_wait3A_550] : memref<4x18x10000xf32, #tpu.memory_space<hbm>> -> memref<1x1x10000xf32, #tpu.memory_space<hbm>>
        %dma_wait3A_552 = tpu.memref_squeeze %dma_wait3A_551 : memref<1x1x10000xf32, #tpu.memory_space<hbm>> -> memref<10000xf32, #tpu.memory_space<hbm>>
        %dma_wait3A_553 = arith.constant 40000 : i32
        %dma_wait3A_554 = tpu.memref_slice %arg6[%dma_wait3A_553] : memref<100160xf32, #tpu.memory_space<vmem>> -> memref<10000xf32, #tpu.memory_space<vmem>>
        tpu.wait_dma2 semaphore(%run_scoped3A : memref<!tpu.dma_semaphore, #tpu.memory_space<semaphore_mem>>) src(%dma_wait3A_554 : memref<10000xf32, #tpu.memory_space<vmem>>) dst(%dma_wait3A_552 : memref<10000xf32, #tpu.memory_space<hbm>>)
        tpu.yield
      }) : () -> ()
    } else {
    }
    %add3A_303 = arith.constant 16 : i32
    %add3A_304 = arith.addi %arg1, %add3A_303 : i32
    %lt3A_305 = arith.constant 36 : i32
    %lt3A_306 = arith.cmpi slt, %add3A_304, %lt3A_305 : i32
    %convert_element_type3A_307 = arith.extui %lt3A_306 : i1 to i32
    %cond3A_308 = arith.constant 0 : i32
    %cond3A_309 = arith.cmpi ne, %convert_element_type3A_307, %cond3A_308 : i32
    scf.if %cond3A_309 {
      %jit3A_317 = arith.constant 18 : i32
      %div3A_318 = arith.divsi %add3A_304, %jit3A_317 : i32
      %sign3A_319 = arith.constant 0 : i32
      %sign3A_320 = arith.cmpi sgt, %add3A_304, %sign3A_319 : i32
      %sign3A_321 = arith.extui %sign3A_320 : i1 to i32
      %sign3A_322 = arith.constant 0 : i32
      %sign3A_323 = arith.cmpi slt, %add3A_304, %sign3A_322 : i32
      %sign3A_324 = arith.extui %sign3A_323 : i1 to i32
      %sign3A_325 = arith.subi %sign3A_321, %sign3A_324 : i32
      %sign3A_326 = arith.constant 0 : i32
      %sign3A_327 = arith.cmpi sgt, %jit3A_317, %sign3A_326 : i32
      %sign3A_328 = arith.extui %sign3A_327 : i1 to i32
      %sign3A_329 = arith.constant 0 : i32
      %sign3A_330 = arith.cmpi slt, %jit3A_317, %sign3A_329 : i32
      %sign3A_331 = arith.extui %sign3A_330 : i1 to i32
      %sign3A_332 = arith.subi %sign3A_328, %sign3A_331 : i32
      %ne3A_333 = arith.cmpi ne, %sign3A_325, %sign3A_332 : i32
      %rem3A_334 = arith.remsi %add3A_304, %jit3A_317 : i32
      %ne3A_335 = arith.constant 0 : i32
      %ne3A_336 = arith.cmpi ne, %rem3A_334, %ne3A_335 : i32
      %and3A_337 = arith.andi %ne3A_333, %ne3A_336 : i1
      %sub3A_338 = arith.constant 1 : i32
      %sub3A_339 = arith.subi %div3A_318, %sub3A_338 : i32
      %select_n3A_340 = arith.select %and3A_337, %sub3A_339, %div3A_318 : i32
      %jit3A_341 = arith.constant 18 : i32
      %eq3A_342 = arith.constant 0 : i32
      %eq3A_343 = arith.cmpi eq, %jit3A_341, %eq3A_342 : i32
      %jit3A_344 = arith.constant 1 : i32
      %select_n3A_345 = arith.select %eq3A_343, %jit3A_344, %jit3A_341 : i32
      %rem3A_346 = arith.remsi %add3A_304, %select_n3A_345 : i32
      %ne3A_347 = arith.constant 0 : i32
      %ne3A_348 = arith.cmpi ne, %rem3A_346, %ne3A_347 : i32
      %lt3A_349 = arith.constant 0 : i32
      %lt3A_350 = arith.cmpi slt, %rem3A_346, %lt3A_349 : i32
      %lt3A_351 = arith.constant 0 : i32
      %lt3A_352 = arith.cmpi slt, %select_n3A_345, %lt3A_351 : i32
      %ne3A_353 = arith.xori %lt3A_350, %lt3A_352 : i1
      %and3A_354 = arith.andi %ne3A_353, %ne3A_348 : i1
      %add3A_355 = arith.addi %rem3A_346, %select_n3A_345 : i32
      %select_n3A_356 = arith.select %and3A_354, %add3A_355, %rem3A_346 : i32
      %ge3A = arith.constant 10 : i32
      %ge3A_357 = arith.cmpi sge, %select_n3A_356, %ge3A : i32
      %jit3A_358 = arith.constant 1 : i32
      %jit3A_359 = arith.constant 0 : i32
      %select_n3A_360 = arith.select %ge3A_357, %jit3A_358, %jit3A_359 : i32
      %mul3A_361 = arith.constant 10 : i32
      %mul3A_362 = arith.muli %mul3A_361, %select_n3A_360 : i32
      %sub3A_363 = arith.subi %select_n3A_356, %mul3A_362 : i32
      %mul3A_364 = arith.constant 4 : i32
      %mul3A_365 = arith.muli %select_n3A_340, %mul3A_364 : i32
      %add3A_366 = arith.constant 0 : i32
      %add3A_367 = arith.addi %mul3A_365, %add3A_366 : i32
      %mul3A_368 = arith.constant 2 : i32
      %mul3A_369 = arith.muli %add3A_367, %mul3A_368 : i32
      %add3A_370 = arith.addi %mul3A_369, %select_n3A_360 : i32
      %mul3A_371 = arith.constant 16 : i32
      %mul3A_372 = arith.muli %mul3A_371, %arg0 : i32
      %add3A_373 = arith.addi %mul3A_372, %add3A_370 : i32
      %mul3A_374 = arith.constant 10016 : i32
      %mul3A_375 = arith.muli %sub3A_363, %mul3A_374 : i32
      %dma_start3A_376 = arith.constant 0 : i32
      %dma_start3A_377 = tpu.memref_slice %arg6[%dma_start3A_376] : memref<100160xf32, #tpu.memory_space<vmem>> -> memref<10000xf32, #tpu.memory_space<vmem>>
      %dma_start3A_378 = tpu.memref_slice %arg5[%add3A_373, %mul3A_375] : memref<32x100160xf32, #tpu.memory_space<hbm>> -> memref<1x10000xf32, #tpu.memory_space<hbm>>
      %dma_start3A_379 = tpu.memref_squeeze %dma_start3A_378 : memref<1x10000xf32, #tpu.memory_space<hbm>> -> memref<10000xf32, #tpu.memory_space<hbm>>
      %dma_start3A_380 = arith.constant 0 : i32
      %dma_start3A_381 = tpu.memref_slice %arg6[%dma_start3A_380] : memref<100160xf32, #tpu.memory_space<vmem>> -> memref<10000xf32, #tpu.memory_space<vmem>>
      %dma_start3A_382 = tpu.memref_slice %arg5[%add3A_373, %mul3A_375] : memref<32x100160xf32, #tpu.memory_space<hbm>> -> memref<1x10000xf32, #tpu.memory_space<hbm>>
      %dma_start3A_383 = tpu.memref_squeeze %dma_start3A_382 : memref<1x10000xf32, #tpu.memory_space<hbm>> -> memref<10000xf32, #tpu.memory_space<hbm>>
      tpu.enqueue_dma source(%dma_start3A_383 : memref<10000xf32, #tpu.memory_space<hbm>>) target(%dma_start3A_381 : memref<10000xf32, #tpu.memory_space<vmem>>) target_semaphore(%arg11 : memref<!tpu.dma_semaphore, #tpu.memory_space<semaphore_mem>>)
      %mul3A_384 = arith.constant 4 : i32
      %mul3A_385 = arith.muli %select_n3A_340, %mul3A_384 : i32
      %add3A_386 = arith.constant 1 : i32
      %add3A_387 = arith.addi %mul3A_385, %add3A_386 : i32
      %mul3A_388 = arith.constant 2 : i32
      %mul3A_389 = arith.muli %add3A_387, %mul3A_388 : i32
      %add3A_390 = arith.addi %mul3A_389, %select_n3A_360 : i32
      %mul3A_391 = arith.constant 16 : i32
      %mul3A_392 = arith.muli %mul3A_391, %arg0 : i32
      %add3A_393 = arith.addi %mul3A_392, %add3A_390 : i32
      %mul3A_394 = arith.constant 10016 : i32
      %mul3A_395 = arith.muli %sub3A_363, %mul3A_394 : i32
      %dma_start3A_396 = arith.constant 10000 : i32
      %dma_start3A_397 = tpu.memref_slice %arg6[%dma_start3A_396] : memref<100160xf32, #tpu.memory_space<vmem>> -> memref<10000xf32, #tpu.memory_space<vmem>>
      %dma_start3A_398 = tpu.memref_slice %arg5[%add3A_393, %mul3A_395] : memref<32x100160xf32, #tpu.memory_space<hbm>> -> memref<1x10000xf32, #tpu.memory_space<hbm>>
      %dma_start3A_399 = tpu.memref_squeeze %dma_start3A_398 : memref<1x10000xf32, #tpu.memory_space<hbm>> -> memref<10000xf32, #tpu.memory_space<hbm>>
      %dma_start3A_400 = arith.constant 10000 : i32
      %dma_start3A_401 = tpu.memref_slice %arg6[%dma_start3A_400] : memref<100160xf32, #tpu.memory_space<vmem>> -> memref<10000xf32, #tpu.memory_space<vmem>>
      %dma_start3A_402 = tpu.memref_slice %arg5[%add3A_393, %mul3A_395] : memref<32x100160xf32, #tpu.memory_space<hbm>> -> memref<1x10000xf32, #tpu.memory_space<hbm>>
      %dma_start3A_403 = tpu.memref_squeeze %dma_start3A_402 : memref<1x10000xf32, #tpu.memory_space<hbm>> -> memref<10000xf32, #tpu.memory_space<hbm>>
      tpu.enqueue_dma source(%dma_start3A_403 : memref<10000xf32, #tpu.memory_space<hbm>>) target(%dma_start3A_401 : memref<10000xf32, #tpu.memory_space<vmem>>) target_semaphore(%arg12 : memref<!tpu.dma_semaphore, #tpu.memory_space<semaphore_mem>>)
      %mul3A_404 = arith.constant 4 : i32
      %mul3A_405 = arith.muli %select_n3A_340, %mul3A_404 : i32
      %add3A_406 = arith.constant 2 : i32
      %add3A_407 = arith.addi %mul3A_405, %add3A_406 : i32
      %mul3A_408 = arith.constant 2 : i32
      %mul3A_409 = arith.muli %add3A_407, %mul3A_408 : i32
      %add3A_410 = arith.addi %mul3A_409, %select_n3A_360 : i32
      %mul3A_411 = arith.constant 16 : i32
      %mul3A_412 = arith.muli %mul3A_411, %arg0 : i32
      %add3A_413 = arith.addi %mul3A_412, %add3A_410 : i32
      %mul3A_414 = arith.constant 10016 : i32
      %mul3A_415 = arith.muli %sub3A_363, %mul3A_414 : i32
      %dma_start3A_416 = arith.constant 20000 : i32
      %dma_start3A_417 = tpu.memref_slice %arg6[%dma_start3A_416] : memref<100160xf32, #tpu.memory_space<vmem>> -> memref<10000xf32, #tpu.memory_space<vmem>>
      %dma_start3A_418 = tpu.memref_slice %arg5[%add3A_413, %mul3A_415] : memref<32x100160xf32, #tpu.memory_space<hbm>> -> memref<1x10000xf32, #tpu.memory_space<hbm>>
      %dma_start3A_419 = tpu.memref_squeeze %dma_start3A_418 : memref<1x10000xf32, #tpu.memory_space<hbm>> -> memref<10000xf32, #tpu.memory_space<hbm>>
      %dma_start3A_420 = arith.constant 20000 : i32
      %dma_start3A_421 = tpu.memref_slice %arg6[%dma_start3A_420] : memref<100160xf32, #tpu.memory_space<vmem>> -> memref<10000xf32, #tpu.memory_space<vmem>>
      %dma_start3A_422 = tpu.memref_slice %arg5[%add3A_413, %mul3A_415] : memref<32x100160xf32, #tpu.memory_space<hbm>> -> memref<1x10000xf32, #tpu.memory_space<hbm>>
      %dma_start3A_423 = tpu.memref_squeeze %dma_start3A_422 : memref<1x10000xf32, #tpu.memory_space<hbm>> -> memref<10000xf32, #tpu.memory_space<hbm>>
      tpu.enqueue_dma source(%dma_start3A_423 : memref<10000xf32, #tpu.memory_space<hbm>>) target(%dma_start3A_421 : memref<10000xf32, #tpu.memory_space<vmem>>) target_semaphore(%arg13 : memref<!tpu.dma_semaphore, #tpu.memory_space<semaphore_mem>>)
      %mul3A_424 = arith.constant 4 : i32
      %mul3A_425 = arith.muli %select_n3A_340, %mul3A_424 : i32
      %add3A_426 = arith.constant 3 : i32
      %add3A_427 = arith.addi %mul3A_425, %add3A_426 : i32
      %mul3A_428 = arith.constant 2 : i32
      %mul3A_429 = arith.muli %add3A_427, %mul3A_428 : i32
      %add3A_430 = arith.addi %mul3A_429, %select_n3A_360 : i32
      %mul3A_431 = arith.constant 16 : i32
      %mul3A_432 = arith.muli %mul3A_431, %arg0 : i32
      %add3A_433 = arith.addi %mul3A_432, %add3A_430 : i32
      %mul3A_434 = arith.constant 10016 : i32
      %mul3A_435 = arith.muli %sub3A_363, %mul3A_434 : i32
      %dma_start3A_436 = arith.constant 30000 : i32
      %dma_start3A_437 = tpu.memref_slice %arg6[%dma_start3A_436] : memref<100160xf32, #tpu.memory_space<vmem>> -> memref<10000xf32, #tpu.memory_space<vmem>>
      %dma_start3A_438 = tpu.memref_slice %arg5[%add3A_433, %mul3A_435] : memref<32x100160xf32, #tpu.memory_space<hbm>> -> memref<1x10000xf32, #tpu.memory_space<hbm>>
      %dma_start3A_439 = tpu.memref_squeeze %dma_start3A_438 : memref<1x10000xf32, #tpu.memory_space<hbm>> -> memref<10000xf32, #tpu.memory_space<hbm>>
      %dma_start3A_440 = arith.constant 30000 : i32
      %dma_start3A_441 = tpu.memref_slice %arg6[%dma_start3A_440] : memref<100160xf32, #tpu.memory_space<vmem>> -> memref<10000xf32, #tpu.memory_space<vmem>>
      %dma_start3A_442 = tpu.memref_slice %arg5[%add3A_433, %mul3A_435] : memref<32x100160xf32, #tpu.memory_space<hbm>> -> memref<1x10000xf32, #tpu.memory_space<hbm>>
      %dma_start3A_443 = tpu.memref_squeeze %dma_start3A_442 : memref<1x10000xf32, #tpu.memory_space<hbm>> -> memref<10000xf32, #tpu.memory_space<hbm>>
      tpu.enqueue_dma source(%dma_start3A_443 : memref<10000xf32, #tpu.memory_space<hbm>>) target(%dma_start3A_441 : memref<10000xf32, #tpu.memory_space<vmem>>) target_semaphore(%arg14 : memref<!tpu.dma_semaphore, #tpu.memory_space<semaphore_mem>>)
      %mul3A_444 = arith.constant 4 : i32
      %mul3A_445 = arith.muli %select_n3A_340, %mul3A_444 : i32
      %add3A_446 = arith.constant 0 : i32
      %add3A_447 = arith.addi %mul3A_445, %add3A_446 : i32
      %mul3A_448 = arith.constant 2 : i32
      %mul3A_449 = arith.muli %add3A_447, %mul3A_448 : i32
      %add3A_450 = arith.addi %mul3A_449, %select_n3A_360 : i32
      %mul3A_451 = arith.constant 16 : i32
      %mul3A_452 = arith.muli %mul3A_451, %arg0 : i32
      %add3A_453 = arith.addi %mul3A_452, %add3A_450 : i32
      %mul3A_454 = arith.constant 10016 : i32
      %mul3A_455 = arith.muli %sub3A_363, %mul3A_454 : i32
      %dma_wait3A_456 = arith.constant 0 : i32
      %dma_wait3A_457 = tpu.memref_slice %arg6[%dma_wait3A_456] : memref<100160xf32, #tpu.memory_space<vmem>> -> memref<10000xf32, #tpu.memory_space<vmem>>
      %dma_wait3A_458 = tpu.memref_slice %arg5[%add3A_453, %mul3A_455] : memref<32x100160xf32, #tpu.memory_space<hbm>> -> memref<1x10000xf32, #tpu.memory_space<hbm>>
      %dma_wait3A_459 = tpu.memref_squeeze %dma_wait3A_458 : memref<1x10000xf32, #tpu.memory_space<hbm>> -> memref<10000xf32, #tpu.memory_space<hbm>>
      %dma_wait3A_460 = arith.constant 0 : i32
      %dma_wait3A_461 = tpu.memref_slice %arg6[%dma_wait3A_460] : memref<100160xf32, #tpu.memory_space<vmem>> -> memref<10000xf32, #tpu.memory_space<vmem>>
      %dma_wait3A_462 = tpu.memref_slice %arg5[%add3A_453, %mul3A_455] : memref<32x100160xf32, #tpu.memory_space<hbm>> -> memref<1x10000xf32, #tpu.memory_space<hbm>>
      %dma_wait3A_463 = tpu.memref_squeeze %dma_wait3A_462 : memref<1x10000xf32, #tpu.memory_space<hbm>> -> memref<10000xf32, #tpu.memory_space<hbm>>
      tpu.wait_dma2 semaphore(%arg11 : memref<!tpu.dma_semaphore, #tpu.memory_space<semaphore_mem>>) src(%dma_wait3A_463 : memref<10000xf32, #tpu.memory_space<hbm>>) dst(%dma_wait3A_461 : memref<10000xf32, #tpu.memory_space<vmem>>)
      %mul3A_464 = arith.constant 4 : i32
      %mul3A_465 = arith.muli %select_n3A_340, %mul3A_464 : i32
      %add3A_466 = arith.constant 1 : i32
      %add3A_467 = arith.addi %mul3A_465, %add3A_466 : i32
      %mul3A_468 = arith.constant 2 : i32
      %mul3A_469 = arith.muli %add3A_467, %mul3A_468 : i32
      %add3A_470 = arith.addi %mul3A_469, %select_n3A_360 : i32
      %mul3A_471 = arith.constant 16 : i32
      %mul3A_472 = arith.muli %mul3A_471, %arg0 : i32
      %add3A_473 = arith.addi %mul3A_472, %add3A_470 : i32
      %mul3A_474 = arith.constant 10016 : i32
      %mul3A_475 = arith.muli %sub3A_363, %mul3A_474 : i32
      %dma_wait3A_476 = arith.constant 10000 : i32
      %dma_wait3A_477 = tpu.memref_slice %arg6[%dma_wait3A_476] : memref<100160xf32, #tpu.memory_space<vmem>> -> memref<10000xf32, #tpu.memory_space<vmem>>
      %dma_wait3A_478 = tpu.memref_slice %arg5[%add3A_473, %mul3A_475] : memref<32x100160xf32, #tpu.memory_space<hbm>> -> memref<1x10000xf32, #tpu.memory_space<hbm>>
      %dma_wait3A_479 = tpu.memref_squeeze %dma_wait3A_478 : memref<1x10000xf32, #tpu.memory_space<hbm>> -> memref<10000xf32, #tpu.memory_space<hbm>>
      %dma_wait3A_480 = arith.constant 10000 : i32
      %dma_wait3A_481 = tpu.memref_slice %arg6[%dma_wait3A_480] : memref<100160xf32, #tpu.memory_space<vmem>> -> memref<10000xf32, #tpu.memory_space<vmem>>
      %dma_wait3A_482 = tpu.memref_slice %arg5[%add3A_473, %mul3A_475] : memref<32x100160xf32, #tpu.memory_space<hbm>> -> memref<1x10000xf32, #tpu.memory_space<hbm>>
      %dma_wait3A_483 = tpu.memref_squeeze %dma_wait3A_482 : memref<1x10000xf32, #tpu.memory_space<hbm>> -> memref<10000xf32, #tpu.memory_space<hbm>>
      tpu.wait_dma2 semaphore(%arg12 : memref<!tpu.dma_semaphore, #tpu.memory_space<semaphore_mem>>) src(%dma_wait3A_483 : memref<10000xf32, #tpu.memory_space<hbm>>) dst(%dma_wait3A_481 : memref<10000xf32, #tpu.memory_space<vmem>>)
      %mul3A_484 = arith.constant 4 : i32
      %mul3A_485 = arith.muli %select_n3A_340, %mul3A_484 : i32
      %add3A_486 = arith.constant 2 : i32
      %add3A_487 = arith.addi %mul3A_485, %add3A_486 : i32
      %mul3A_488 = arith.constant 2 : i32
      %mul3A_489 = arith.muli %add3A_487, %mul3A_488 : i32
      %add3A_490 = arith.addi %mul3A_489, %select_n3A_360 : i32
      %mul3A_491 = arith.constant 16 : i32
      %mul3A_492 = arith.muli %mul3A_491, %arg0 : i32
      %add3A_493 = arith.addi %mul3A_492, %add3A_490 : i32
      %mul3A_494 = arith.constant 10016 : i32
      %mul3A_495 = arith.muli %sub3A_363, %mul3A_494 : i32
      %dma_wait3A_496 = arith.constant 20000 : i32
      %dma_wait3A_497 = tpu.memref_slice %arg6[%dma_wait3A_496] : memref<100160xf32, #tpu.memory_space<vmem>> -> memref<10000xf32, #tpu.memory_space<vmem>>
      %dma_wait3A_498 = tpu.memref_slice %arg5[%add3A_493, %mul3A_495] : memref<32x100160xf32, #tpu.memory_space<hbm>> -> memref<1x10000xf32, #tpu.memory_space<hbm>>
      %dma_wait3A_499 = tpu.memref_squeeze %dma_wait3A_498 : memref<1x10000xf32, #tpu.memory_space<hbm>> -> memref<10000xf32, #tpu.memory_space<hbm>>
      %dma_wait3A_500 = arith.constant 20000 : i32
      %dma_wait3A_501 = tpu.memref_slice %arg6[%dma_wait3A_500] : memref<100160xf32, #tpu.memory_space<vmem>> -> memref<10000xf32, #tpu.memory_space<vmem>>
      %dma_wait3A_502 = tpu.memref_slice %arg5[%add3A_493, %mul3A_495] : memref<32x100160xf32, #tpu.memory_space<hbm>> -> memref<1x10000xf32, #tpu.memory_space<hbm>>
      %dma_wait3A_503 = tpu.memref_squeeze %dma_wait3A_502 : memref<1x10000xf32, #tpu.memory_space<hbm>> -> memref<10000xf32, #tpu.memory_space<hbm>>
      tpu.wait_dma2 semaphore(%arg13 : memref<!tpu.dma_semaphore, #tpu.memory_space<semaphore_mem>>) src(%dma_wait3A_503 : memref<10000xf32, #tpu.memory_space<hbm>>) dst(%dma_wait3A_501 : memref<10000xf32, #tpu.memory_space<vmem>>)
      %mul3A_504 = arith.constant 4 : i32
      %mul3A_505 = arith.muli %select_n3A_340, %mul3A_504 : i32
      %add3A_506 = arith.constant 3 : i32
      %add3A_507 = arith.addi %mul3A_505, %add3A_506 : i32
      %mul3A_508 = arith.constant 2 : i32
      %mul3A_509 = arith.muli %add3A_507, %mul3A_508 : i32
      %add3A_510 = arith.addi %mul3A_509, %select_n3A_360 : i32
      %mul3A_511 = arith.constant 16 : i32
      %mul3A_512 = arith.muli %mul3A_511, %arg0 : i32
      %add3A_513 = arith.addi %mul3A_512, %add3A_510 : i32
      %mul3A_514 = arith.constant 10016 : i32
      %mul3A_515 = arith.muli %sub3A_363, %mul3A_514 : i32
      %dma_wait3A_516 = arith.constant 30000 : i32
      %dma_wait3A_517 = tpu.memref_slice %arg6[%dma_wait3A_516] : memref<100160xf32, #tpu.memory_space<vmem>> -> memref<10000xf32, #tpu.memory_space<vmem>>
      %dma_wait3A_518 = tpu.memref_slice %arg5[%add3A_513, %mul3A_515] : memref<32x100160xf32, #tpu.memory_space<hbm>> -> memref<1x10000xf32, #tpu.memory_space<hbm>>
      %dma_wait3A_519 = tpu.memref_squeeze %dma_wait3A_518 : memref<1x10000xf32, #tpu.memory_space<hbm>> -> memref<10000xf32, #tpu.memory_space<hbm>>
      %dma_wait3A_520 = arith.constant 30000 : i32
      %dma_wait3A_521 = tpu.memref_slice %arg6[%dma_wait3A_520] : memref<100160xf32, #tpu.memory_space<vmem>> -> memref<10000xf32, #tpu.memory_space<vmem>>
      %dma_wait3A_522 = tpu.memref_slice %arg5[%add3A_513, %mul3A_515] : memref<32x100160xf32, #tpu.memory_space<hbm>> -> memref<1x10000xf32, #tpu.memory_space<hbm>>
      %dma_wait3A_523 = tpu.memref_squeeze %dma_wait3A_522 : memref<1x10000xf32, #tpu.memory_space<hbm>> -> memref<10000xf32, #tpu.memory_space<hbm>>
      tpu.wait_dma2 semaphore(%arg14 : memref<!tpu.dma_semaphore, #tpu.memory_space<semaphore_mem>>) src(%dma_wait3A_523 : memref<10000xf32, #tpu.memory_space<hbm>>) dst(%dma_wait3A_521 : memref<10000xf32, #tpu.memory_space<vmem>>)
      %ge3A_524 = arith.constant 2 : i32
      %ge3A_525 = arith.cmpi sge, %select_n3A_356, %ge3A_524 : i32
      %jit3A_526 = arith.constant 2.000000e-01 : f32
      %jit3A_527 = arith.constant 1.000000e+00 : f32
      %select_n3A_528 = arith.select %ge3A_525, %jit3A_526, %jit3A_527 : f32
      %parallel_loop3A_529 = arith.constant 0 : i32
      %parallel_loop3A_530 = arith.constant 625 : i32
      %parallel_loop3A_531 = arith.constant 1 : i32
      scf.for %parallel_loop3A_535 = %parallel_loop3A_529 to %parallel_loop3A_530 step %parallel_loop3A_531  : i32 {
        %parallel_loop3A_536 = arith.constant 16 : i32
        %parallel_loop3A_537 = arith.muli %parallel_loop3A_535, %parallel_loop3A_536 : i32
        %parallel_loop3A_538 = arith.index_cast %parallel_loop3A_537 : i32 to index
        %parallel_loop3A_539 = tpu.vector_load %arg6[%parallel_loop3A_538] {strides = array<i32>} : memref<100160xf32, #tpu.memory_space<vmem>>, vector<16xf32>,
        %parallel_loop3A_540 = arith.constant 10000 : i32
        %parallel_loop3A_541 = arith.addi %parallel_loop3A_540, %parallel_loop3A_537 : i32
        %parallel_loop3A_542 = arith.index_cast %parallel_loop3A_541 : i32 to index
        %parallel_loop3A_543 = tpu.vector_load %arg6[%parallel_loop3A_542] {strides = array<i32>} : memref<100160xf32, #tpu.memory_space<vmem>>, vector<16xf32>,
        %parallel_loop3A_544 = arith.addf %parallel_loop3A_539, %parallel_loop3A_543 : vector<16xf32>
        %parallel_loop3A_545 = arith.constant 20000 : i32
        %parallel_loop3A_546 = arith.addi %parallel_loop3A_545, %parallel_loop3A_537 : i32
        %parallel_loop3A_547 = arith.index_cast %parallel_loop3A_546 : i32 to index
        %parallel_loop3A_548 = tpu.vector_load %arg6[%parallel_loop3A_547] {strides = array<i32>} : memref<100160xf32, #tpu.memory_space<vmem>>, vector<16xf32>,
        %parallel_loop3A_549 = arith.addf %parallel_loop3A_544, %parallel_loop3A_548 : vector<16xf32>
        %parallel_loop3A_550 = arith.constant 30000 : i32
        %parallel_loop3A_551 = arith.addi %parallel_loop3A_550, %parallel_loop3A_537 : i32
        %parallel_loop3A_552 = arith.index_cast %parallel_loop3A_551 : i32 to index
        %parallel_loop3A_553 = tpu.vector_load %arg6[%parallel_loop3A_552] {strides = array<i32>} : memref<100160xf32, #tpu.memory_space<vmem>>, vector<16xf32>,
        %parallel_loop3A_554 = arith.addf %parallel_loop3A_549, %parallel_loop3A_553 : vector<16xf32>
        %parallel_loop3A_555 = vector.broadcast %select_n3A_528 : f32 to vector<16xf32>
        %parallel_loop3A_556 = arith.mulf %parallel_loop3A_554, %parallel_loop3A_555 : vector<16xf32>
        %parallel_loop3A_557 = arith.constant 1.000000e+00 : f32
        %parallel_loop3A_558 = vector.broadcast %parallel_loop3A_557 : f32 to vector<16xf32>
        %parallel_loop3A_559 = arith.minimumf %parallel_loop3A_556, %parallel_loop3A_558 : vector<16xf32>
        %parallel_loop3A_560 = arith.constant 40000 : i32
        %parallel_loop3A_561 = arith.addi %parallel_loop3A_560, %parallel_loop3A_537 : i32
        %parallel_loop3A_562 = arith.index_cast %parallel_loop3A_561 : i32 to index
        %parallel_loop3A_563 = tpu.vector_load %arg6[%parallel_loop3A_562] {strides = array<i32>} : memref<100160xf32, #tpu.memory_space<vmem>>, vector<16xf32>,
        tpu.vector_store %arg6[%parallel_loop3A_562], %parallel_loop3A_559 {strides = array<i32>} : memref<100160xf32, #tpu.memory_space<vmem>>, vector<16xf32>,
      } {sc.loop_unroll_factor = 4 : i64, sc.parallel_access}
      %mul3A_532 = arith.constant 2 : i32
      %mul3A_533 = arith.muli %mul3A_532, %arg0 : i32
      %add3A_534 = arith.addi %mul3A_533, %select_n3A_340 : i32
      "tpu.region"() ({
        %run_scoped3A = tpu.sem_alloc : memref<!tpu.dma_semaphore, #tpu.memory_space<semaphore_mem>>
        %dma_start3A_535 = arith.constant 40000 : i32
        %dma_start3A_536 = tpu.memref_slice %arg6[%dma_start3A_535] : memref<100160xf32, #tpu.memory_space<vmem>> -> memref<10000xf32, #tpu.memory_space<vmem>>
        %dma_start3A_537 = arith.constant 0 : i32
        %dma_start3A_538 = tpu.memref_slice %arg4[%add3A_534, %select_n3A_356, %dma_start3A_537] : memref<4x18x10000xf32, #tpu.memory_space<hbm>> -> memref<1x1x10000xf32, #tpu.memory_space<hbm>>
        %dma_start3A_539 = tpu.memref_squeeze %dma_start3A_538 : memref<1x1x10000xf32, #tpu.memory_space<hbm>> -> memref<10000xf32, #tpu.memory_space<hbm>>
        %dma_start3A_540 = arith.constant 0 : i32
        %dma_start3A_541 = tpu.memref_slice %arg4[%add3A_534, %select_n3A_356, %dma_start3A_540] : memref<4x18x10000xf32, #tpu.memory_space<hbm>> -> memref<1x1x10000xf32, #tpu.memory_space<hbm>>
        %dma_start3A_542 = tpu.memref_squeeze %dma_start3A_541 : memref<1x1x10000xf32, #tpu.memory_space<hbm>> -> memref<10000xf32, #tpu.memory_space<hbm>>
        %dma_start3A_543 = arith.constant 40000 : i32
        %dma_start3A_544 = tpu.memref_slice %arg6[%dma_start3A_543] : memref<100160xf32, #tpu.memory_space<vmem>> -> memref<10000xf32, #tpu.memory_space<vmem>>
        tpu.enqueue_dma source(%dma_start3A_544 : memref<10000xf32, #tpu.memory_space<vmem>>) target(%dma_start3A_542 : memref<10000xf32, #tpu.memory_space<hbm>>) target_semaphore(%run_scoped3A : memref<!tpu.dma_semaphore, #tpu.memory_space<semaphore_mem>>)
        %dma_wait3A_545 = arith.constant 40000 : i32
        %dma_wait3A_546 = tpu.memref_slice %arg6[%dma_wait3A_545] : memref<100160xf32, #tpu.memory_space<vmem>> -> memref<10000xf32, #tpu.memory_space<vmem>>
        %dma_wait3A_547 = arith.constant 0 : i32
        %dma_wait3A_548 = tpu.memref_slice %arg4[%add3A_534, %select_n3A_356, %dma_wait3A_547] : memref<4x18x10000xf32, #tpu.memory_space<hbm>> -> memref<1x1x10000xf32, #tpu.memory_space<hbm>>
        %dma_wait3A_549 = tpu.memref_squeeze %dma_wait3A_548 : memref<1x1x10000xf32, #tpu.memory_space<hbm>> -> memref<10000xf32, #tpu.memory_space<hbm>>
        %dma_wait3A_550 = arith.constant 0 : i32
        %dma_wait3A_551 = tpu.memref_slice %arg4[%add3A_534, %select_n3A_356, %dma_wait3A_550] : memref<4x18x10000xf32, #tpu.memory_space<hbm>> -> memref<1x1x10000xf32, #tpu.memory_space<hbm>>
        %dma_wait3A_552 = tpu.memref_squeeze %dma_wait3A_551 : memref<1x1x10000xf32, #tpu.memory_space<hbm>> -> memref<10000xf32, #tpu.memory_space<hbm>>
        %dma_wait3A_553 = arith.constant 40000 : i32
        %dma_wait3A_554 = tpu.memref_slice %arg6[%dma_wait3A_553] : memref<100160xf32, #tpu.memory_space<vmem>> -> memref<10000xf32, #tpu.memory_space<vmem>>
        tpu.wait_dma2 semaphore(%run_scoped3A : memref<!tpu.dma_semaphore, #tpu.memory_space<semaphore_mem>>) src(%dma_wait3A_554 : memref<10000xf32, #tpu.memory_space<vmem>>) dst(%dma_wait3A_552 : memref<10000xf32, #tpu.memory_space<hbm>>)
        tpu.yield
      }) : () -> ()
    } else {
    }
    %add3A_310 = arith.constant 32 : i32
    %add3A_311 = arith.addi %arg1, %add3A_310 : i32
    %lt3A_312 = arith.constant 36 : i32
    %lt3A_313 = arith.cmpi slt, %add3A_311, %lt3A_312 : i32
    %convert_element_type3A_314 = arith.extui %lt3A_313 : i1 to i32
    %cond3A_315 = arith.constant 0 : i32
    %cond3A_316 = arith.cmpi ne, %convert_element_type3A_314, %cond3A_315 : i32
    scf.if %cond3A_316 {
      %jit3A_317 = arith.constant 18 : i32
      %div3A_318 = arith.divsi %add3A_311, %jit3A_317 : i32
      %sign3A_319 = arith.constant 0 : i32
      %sign3A_320 = arith.cmpi sgt, %add3A_311, %sign3A_319 : i32
      %sign3A_321 = arith.extui %sign3A_320 : i1 to i32
      %sign3A_322 = arith.constant 0 : i32
      %sign3A_323 = arith.cmpi slt, %add3A_311, %sign3A_322 : i32
      %sign3A_324 = arith.extui %sign3A_323 : i1 to i32
      %sign3A_325 = arith.subi %sign3A_321, %sign3A_324 : i32
      %sign3A_326 = arith.constant 0 : i32
      %sign3A_327 = arith.cmpi sgt, %jit3A_317, %sign3A_326 : i32
      %sign3A_328 = arith.extui %sign3A_327 : i1 to i32
      %sign3A_329 = arith.constant 0 : i32
      %sign3A_330 = arith.cmpi slt, %jit3A_317, %sign3A_329 : i32
      %sign3A_331 = arith.extui %sign3A_330 : i1 to i32
      %sign3A_332 = arith.subi %sign3A_328, %sign3A_331 : i32
      %ne3A_333 = arith.cmpi ne, %sign3A_325, %sign3A_332 : i32
      %rem3A_334 = arith.remsi %add3A_311, %jit3A_317 : i32
      %ne3A_335 = arith.constant 0 : i32
      %ne3A_336 = arith.cmpi ne, %rem3A_334, %ne3A_335 : i32
      %and3A_337 = arith.andi %ne3A_333, %ne3A_336 : i1
      %sub3A_338 = arith.constant 1 : i32
      %sub3A_339 = arith.subi %div3A_318, %sub3A_338 : i32
      %select_n3A_340 = arith.select %and3A_337, %sub3A_339, %div3A_318 : i32
      %jit3A_341 = arith.constant 18 : i32
      %eq3A_342 = arith.constant 0 : i32
      %eq3A_343 = arith.cmpi eq, %jit3A_341, %eq3A_342 : i32
      %jit3A_344 = arith.constant 1 : i32
      %select_n3A_345 = arith.select %eq3A_343, %jit3A_344, %jit3A_341 : i32
      %rem3A_346 = arith.remsi %add3A_311, %select_n3A_345 : i32
      %ne3A_347 = arith.constant 0 : i32
      %ne3A_348 = arith.cmpi ne, %rem3A_346, %ne3A_347 : i32
      %lt3A_349 = arith.constant 0 : i32
      %lt3A_350 = arith.cmpi slt, %rem3A_346, %lt3A_349 : i32
      %lt3A_351 = arith.constant 0 : i32
      %lt3A_352 = arith.cmpi slt, %select_n3A_345, %lt3A_351 : i32
      %ne3A_353 = arith.xori %lt3A_350, %lt3A_352 : i1
      %and3A_354 = arith.andi %ne3A_353, %ne3A_348 : i1
      %add3A_355 = arith.addi %rem3A_346, %select_n3A_345 : i32
      %select_n3A_356 = arith.select %and3A_354, %add3A_355, %rem3A_346 : i32
      %ge3A = arith.constant 10 : i32
      %ge3A_357 = arith.cmpi sge, %select_n3A_356, %ge3A : i32
      %jit3A_358 = arith.constant 1 : i32
      %jit3A_359 = arith.constant 0 : i32
      %select_n3A_360 = arith.select %ge3A_357, %jit3A_358, %jit3A_359 : i32
      %mul3A_361 = arith.constant 10 : i32
      %mul3A_362 = arith.muli %mul3A_361, %select_n3A_360 : i32
      %sub3A_363 = arith.subi %select_n3A_356, %mul3A_362 : i32
      %mul3A_364 = arith.constant 4 : i32
      %mul3A_365 = arith.muli %select_n3A_340, %mul3A_364 : i32
      %add3A_366 = arith.constant 0 : i32
      %add3A_367 = arith.addi %mul3A_365, %add3A_366 : i32
      %mul3A_368 = arith.constant 2 : i32
      %mul3A_369 = arith.muli %add3A_367, %mul3A_368 : i32
      %add3A_370 = arith.addi %mul3A_369, %select_n3A_360 : i32
      %mul3A_371 = arith.constant 16 : i32
      %mul3A_372 = arith.muli %mul3A_371, %arg0 : i32
      %add3A_373 = arith.addi %mul3A_372, %add3A_370 : i32
      %mul3A_374 = arith.constant 10016 : i32
      %mul3A_375 = arith.muli %sub3A_363, %mul3A_374 : i32
      %dma_start3A_376 = arith.constant 0 : i32
      %dma_start3A_377 = tpu.memref_slice %arg6[%dma_start3A_376] : memref<100160xf32, #tpu.memory_space<vmem>> -> memref<10000xf32, #tpu.memory_space<vmem>>
      %dma_start3A_378 = tpu.memref_slice %arg5[%add3A_373, %mul3A_375] : memref<32x100160xf32, #tpu.memory_space<hbm>> -> memref<1x10000xf32, #tpu.memory_space<hbm>>
      %dma_start3A_379 = tpu.memref_squeeze %dma_start3A_378 : memref<1x10000xf32, #tpu.memory_space<hbm>> -> memref<10000xf32, #tpu.memory_space<hbm>>
      %dma_start3A_380 = arith.constant 0 : i32
      %dma_start3A_381 = tpu.memref_slice %arg6[%dma_start3A_380] : memref<100160xf32, #tpu.memory_space<vmem>> -> memref<10000xf32, #tpu.memory_space<vmem>>
      %dma_start3A_382 = tpu.memref_slice %arg5[%add3A_373, %mul3A_375] : memref<32x100160xf32, #tpu.memory_space<hbm>> -> memref<1x10000xf32, #tpu.memory_space<hbm>>
      %dma_start3A_383 = tpu.memref_squeeze %dma_start3A_382 : memref<1x10000xf32, #tpu.memory_space<hbm>> -> memref<10000xf32, #tpu.memory_space<hbm>>
      tpu.enqueue_dma source(%dma_start3A_383 : memref<10000xf32, #tpu.memory_space<hbm>>) target(%dma_start3A_381 : memref<10000xf32, #tpu.memory_space<vmem>>) target_semaphore(%arg11 : memref<!tpu.dma_semaphore, #tpu.memory_space<semaphore_mem>>)
      %mul3A_384 = arith.constant 4 : i32
      %mul3A_385 = arith.muli %select_n3A_340, %mul3A_384 : i32
      %add3A_386 = arith.constant 1 : i32
      %add3A_387 = arith.addi %mul3A_385, %add3A_386 : i32
      %mul3A_388 = arith.constant 2 : i32
      %mul3A_389 = arith.muli %add3A_387, %mul3A_388 : i32
      %add3A_390 = arith.addi %mul3A_389, %select_n3A_360 : i32
      %mul3A_391 = arith.constant 16 : i32
      %mul3A_392 = arith.muli %mul3A_391, %arg0 : i32
      %add3A_393 = arith.addi %mul3A_392, %add3A_390 : i32
      %mul3A_394 = arith.constant 10016 : i32
      %mul3A_395 = arith.muli %sub3A_363, %mul3A_394 : i32
      %dma_start3A_396 = arith.constant 10000 : i32
      %dma_start3A_397 = tpu.memref_slice %arg6[%dma_start3A_396] : memref<100160xf32, #tpu.memory_space<vmem>> -> memref<10000xf32, #tpu.memory_space<vmem>>
      %dma_start3A_398 = tpu.memref_slice %arg5[%add3A_393, %mul3A_395] : memref<32x100160xf32, #tpu.memory_space<hbm>> -> memref<1x10000xf32, #tpu.memory_space<hbm>>
      %dma_start3A_399 = tpu.memref_squeeze %dma_start3A_398 : memref<1x10000xf32, #tpu.memory_space<hbm>> -> memref<10000xf32, #tpu.memory_space<hbm>>
      %dma_start3A_400 = arith.constant 10000 : i32
      %dma_start3A_401 = tpu.memref_slice %arg6[%dma_start3A_400] : memref<100160xf32, #tpu.memory_space<vmem>> -> memref<10000xf32, #tpu.memory_space<vmem>>
      %dma_start3A_402 = tpu.memref_slice %arg5[%add3A_393, %mul3A_395] : memref<32x100160xf32, #tpu.memory_space<hbm>> -> memref<1x10000xf32, #tpu.memory_space<hbm>>
      %dma_start3A_403 = tpu.memref_squeeze %dma_start3A_402 : memref<1x10000xf32, #tpu.memory_space<hbm>> -> memref<10000xf32, #tpu.memory_space<hbm>>
      tpu.enqueue_dma source(%dma_start3A_403 : memref<10000xf32, #tpu.memory_space<hbm>>) target(%dma_start3A_401 : memref<10000xf32, #tpu.memory_space<vmem>>) target_semaphore(%arg12 : memref<!tpu.dma_semaphore, #tpu.memory_space<semaphore_mem>>)
      %mul3A_404 = arith.constant 4 : i32
      %mul3A_405 = arith.muli %select_n3A_340, %mul3A_404 : i32
      %add3A_406 = arith.constant 2 : i32
      %add3A_407 = arith.addi %mul3A_405, %add3A_406 : i32
      %mul3A_408 = arith.constant 2 : i32
      %mul3A_409 = arith.muli %add3A_407, %mul3A_408 : i32
      %add3A_410 = arith.addi %mul3A_409, %select_n3A_360 : i32
      %mul3A_411 = arith.constant 16 : i32
      %mul3A_412 = arith.muli %mul3A_411, %arg0 : i32
      %add3A_413 = arith.addi %mul3A_412, %add3A_410 : i32
      %mul3A_414 = arith.constant 10016 : i32
      %mul3A_415 = arith.muli %sub3A_363, %mul3A_414 : i32
      %dma_start3A_416 = arith.constant 20000 : i32
      %dma_start3A_417 = tpu.memref_slice %arg6[%dma_start3A_416] : memref<100160xf32, #tpu.memory_space<vmem>> -> memref<10000xf32, #tpu.memory_space<vmem>>
      %dma_start3A_418 = tpu.memref_slice %arg5[%add3A_413, %mul3A_415] : memref<32x100160xf32, #tpu.memory_space<hbm>> -> memref<1x10000xf32, #tpu.memory_space<hbm>>
      %dma_start3A_419 = tpu.memref_squeeze %dma_start3A_418 : memref<1x10000xf32, #tpu.memory_space<hbm>> -> memref<10000xf32, #tpu.memory_space<hbm>>
      %dma_start3A_420 = arith.constant 20000 : i32
      %dma_start3A_421 = tpu.memref_slice %arg6[%dma_start3A_420] : memref<100160xf32, #tpu.memory_space<vmem>> -> memref<10000xf32, #tpu.memory_space<vmem>>
      %dma_start3A_422 = tpu.memref_slice %arg5[%add3A_413, %mul3A_415] : memref<32x100160xf32, #tpu.memory_space<hbm>> -> memref<1x10000xf32, #tpu.memory_space<hbm>>
      %dma_start3A_423 = tpu.memref_squeeze %dma_start3A_422 : memref<1x10000xf32, #tpu.memory_space<hbm>> -> memref<10000xf32, #tpu.memory_space<hbm>>
      tpu.enqueue_dma source(%dma_start3A_423 : memref<10000xf32, #tpu.memory_space<hbm>>) target(%dma_start3A_421 : memref<10000xf32, #tpu.memory_space<vmem>>) target_semaphore(%arg13 : memref<!tpu.dma_semaphore, #tpu.memory_space<semaphore_mem>>)
      %mul3A_424 = arith.constant 4 : i32
      %mul3A_425 = arith.muli %select_n3A_340, %mul3A_424 : i32
      %add3A_426 = arith.constant 3 : i32
      %add3A_427 = arith.addi %mul3A_425, %add3A_426 : i32
      %mul3A_428 = arith.constant 2 : i32
      %mul3A_429 = arith.muli %add3A_427, %mul3A_428 : i32
      %add3A_430 = arith.addi %mul3A_429, %select_n3A_360 : i32
      %mul3A_431 = arith.constant 16 : i32
      %mul3A_432 = arith.muli %mul3A_431, %arg0 : i32
      %add3A_433 = arith.addi %mul3A_432, %add3A_430 : i32
      %mul3A_434 = arith.constant 10016 : i32
      %mul3A_435 = arith.muli %sub3A_363, %mul3A_434 : i32
      %dma_start3A_436 = arith.constant 30000 : i32
      %dma_start3A_437 = tpu.memref_slice %arg6[%dma_start3A_436] : memref<100160xf32, #tpu.memory_space<vmem>> -> memref<10000xf32, #tpu.memory_space<vmem>>
      %dma_start3A_438 = tpu.memref_slice %arg5[%add3A_433, %mul3A_435] : memref<32x100160xf32, #tpu.memory_space<hbm>> -> memref<1x10000xf32, #tpu.memory_space<hbm>>
      %dma_start3A_439 = tpu.memref_squeeze %dma_start3A_438 : memref<1x10000xf32, #tpu.memory_space<hbm>> -> memref<10000xf32, #tpu.memory_space<hbm>>
      %dma_start3A_440 = arith.constant 30000 : i32
      %dma_start3A_441 = tpu.memref_slice %arg6[%dma_start3A_440] : memref<100160xf32, #tpu.memory_space<vmem>> -> memref<10000xf32, #tpu.memory_space<vmem>>
      %dma_start3A_442 = tpu.memref_slice %arg5[%add3A_433, %mul3A_435] : memref<32x100160xf32, #tpu.memory_space<hbm>> -> memref<1x10000xf32, #tpu.memory_space<hbm>>
      %dma_start3A_443 = tpu.memref_squeeze %dma_start3A_442 : memref<1x10000xf32, #tpu.memory_space<hbm>> -> memref<10000xf32, #tpu.memory_space<hbm>>
      tpu.enqueue_dma source(%dma_start3A_443 : memref<10000xf32, #tpu.memory_space<hbm>>) target(%dma_start3A_441 : memref<10000xf32, #tpu.memory_space<vmem>>) target_semaphore(%arg14 : memref<!tpu.dma_semaphore, #tpu.memory_space<semaphore_mem>>)
      %mul3A_444 = arith.constant 4 : i32
      %mul3A_445 = arith.muli %select_n3A_340, %mul3A_444 : i32
      %add3A_446 = arith.constant 0 : i32
      %add3A_447 = arith.addi %mul3A_445, %add3A_446 : i32
      %mul3A_448 = arith.constant 2 : i32
      %mul3A_449 = arith.muli %add3A_447, %mul3A_448 : i32
      %add3A_450 = arith.addi %mul3A_449, %select_n3A_360 : i32
      %mul3A_451 = arith.constant 16 : i32
      %mul3A_452 = arith.muli %mul3A_451, %arg0 : i32
      %add3A_453 = arith.addi %mul3A_452, %add3A_450 : i32
      %mul3A_454 = arith.constant 10016 : i32
      %mul3A_455 = arith.muli %sub3A_363, %mul3A_454 : i32
      %dma_wait3A_456 = arith.constant 0 : i32
      %dma_wait3A_457 = tpu.memref_slice %arg6[%dma_wait3A_456] : memref<100160xf32, #tpu.memory_space<vmem>> -> memref<10000xf32, #tpu.memory_space<vmem>>
      %dma_wait3A_458 = tpu.memref_slice %arg5[%add3A_453, %mul3A_455] : memref<32x100160xf32, #tpu.memory_space<hbm>> -> memref<1x10000xf32, #tpu.memory_space<hbm>>
      %dma_wait3A_459 = tpu.memref_squeeze %dma_wait3A_458 : memref<1x10000xf32, #tpu.memory_space<hbm>> -> memref<10000xf32, #tpu.memory_space<hbm>>
      %dma_wait3A_460 = arith.constant 0 : i32
      %dma_wait3A_461 = tpu.memref_slice %arg6[%dma_wait3A_460] : memref<100160xf32, #tpu.memory_space<vmem>> -> memref<10000xf32, #tpu.memory_space<vmem>>
      %dma_wait3A_462 = tpu.memref_slice %arg5[%add3A_453, %mul3A_455] : memref<32x100160xf32, #tpu.memory_space<hbm>> -> memref<1x10000xf32, #tpu.memory_space<hbm>>
      %dma_wait3A_463 = tpu.memref_squeeze %dma_wait3A_462 : memref<1x10000xf32, #tpu.memory_space<hbm>> -> memref<10000xf32, #tpu.memory_space<hbm>>
      tpu.wait_dma2 semaphore(%arg11 : memref<!tpu.dma_semaphore, #tpu.memory_space<semaphore_mem>>) src(%dma_wait3A_463 : memref<10000xf32, #tpu.memory_space<hbm>>) dst(%dma_wait3A_461 : memref<10000xf32, #tpu.memory_space<vmem>>)
      %mul3A_464 = arith.constant 4 : i32
      %mul3A_465 = arith.muli %select_n3A_340, %mul3A_464 : i32
      %add3A_466 = arith.constant 1 : i32
      %add3A_467 = arith.addi %mul3A_465, %add3A_466 : i32
      %mul3A_468 = arith.constant 2 : i32
      %mul3A_469 = arith.muli %add3A_467, %mul3A_468 : i32
      %add3A_470 = arith.addi %mul3A_469, %select_n3A_360 : i32
      %mul3A_471 = arith.constant 16 : i32
      %mul3A_472 = arith.muli %mul3A_471, %arg0 : i32
      %add3A_473 = arith.addi %mul3A_472, %add3A_470 : i32
      %mul3A_474 = arith.constant 10016 : i32
      %mul3A_475 = arith.muli %sub3A_363, %mul3A_474 : i32
      %dma_wait3A_476 = arith.constant 10000 : i32
      %dma_wait3A_477 = tpu.memref_slice %arg6[%dma_wait3A_476] : memref<100160xf32, #tpu.memory_space<vmem>> -> memref<10000xf32, #tpu.memory_space<vmem>>
      %dma_wait3A_478 = tpu.memref_slice %arg5[%add3A_473, %mul3A_475] : memref<32x100160xf32, #tpu.memory_space<hbm>> -> memref<1x10000xf32, #tpu.memory_space<hbm>>
      %dma_wait3A_479 = tpu.memref_squeeze %dma_wait3A_478 : memref<1x10000xf32, #tpu.memory_space<hbm>> -> memref<10000xf32, #tpu.memory_space<hbm>>
      %dma_wait3A_480 = arith.constant 10000 : i32
      %dma_wait3A_481 = tpu.memref_slice %arg6[%dma_wait3A_480] : memref<100160xf32, #tpu.memory_space<vmem>> -> memref<10000xf32, #tpu.memory_space<vmem>>
      %dma_wait3A_482 = tpu.memref_slice %arg5[%add3A_473, %mul3A_475] : memref<32x100160xf32, #tpu.memory_space<hbm>> -> memref<1x10000xf32, #tpu.memory_space<hbm>>
      %dma_wait3A_483 = tpu.memref_squeeze %dma_wait3A_482 : memref<1x10000xf32, #tpu.memory_space<hbm>> -> memref<10000xf32, #tpu.memory_space<hbm>>
      tpu.wait_dma2 semaphore(%arg12 : memref<!tpu.dma_semaphore, #tpu.memory_space<semaphore_mem>>) src(%dma_wait3A_483 : memref<10000xf32, #tpu.memory_space<hbm>>) dst(%dma_wait3A_481 : memref<10000xf32, #tpu.memory_space<vmem>>)
      %mul3A_484 = arith.constant 4 : i32
      %mul3A_485 = arith.muli %select_n3A_340, %mul3A_484 : i32
      %add3A_486 = arith.constant 2 : i32
      %add3A_487 = arith.addi %mul3A_485, %add3A_486 : i32
      %mul3A_488 = arith.constant 2 : i32
      %mul3A_489 = arith.muli %add3A_487, %mul3A_488 : i32
      %add3A_490 = arith.addi %mul3A_489, %select_n3A_360 : i32
      %mul3A_491 = arith.constant 16 : i32
      %mul3A_492 = arith.muli %mul3A_491, %arg0 : i32
      %add3A_493 = arith.addi %mul3A_492, %add3A_490 : i32
      %mul3A_494 = arith.constant 10016 : i32
      %mul3A_495 = arith.muli %sub3A_363, %mul3A_494 : i32
      %dma_wait3A_496 = arith.constant 20000 : i32
      %dma_wait3A_497 = tpu.memref_slice %arg6[%dma_wait3A_496] : memref<100160xf32, #tpu.memory_space<vmem>> -> memref<10000xf32, #tpu.memory_space<vmem>>
      %dma_wait3A_498 = tpu.memref_slice %arg5[%add3A_493, %mul3A_495] : memref<32x100160xf32, #tpu.memory_space<hbm>> -> memref<1x10000xf32, #tpu.memory_space<hbm>>
      %dma_wait3A_499 = tpu.memref_squeeze %dma_wait3A_498 : memref<1x10000xf32, #tpu.memory_space<hbm>> -> memref<10000xf32, #tpu.memory_space<hbm>>
      %dma_wait3A_500 = arith.constant 20000 : i32
      %dma_wait3A_501 = tpu.memref_slice %arg6[%dma_wait3A_500] : memref<100160xf32, #tpu.memory_space<vmem>> -> memref<10000xf32, #tpu.memory_space<vmem>>
      %dma_wait3A_502 = tpu.memref_slice %arg5[%add3A_493, %mul3A_495] : memref<32x100160xf32, #tpu.memory_space<hbm>> -> memref<1x10000xf32, #tpu.memory_space<hbm>>
      %dma_wait3A_503 = tpu.memref_squeeze %dma_wait3A_502 : memref<1x10000xf32, #tpu.memory_space<hbm>> -> memref<10000xf32, #tpu.memory_space<hbm>>
      tpu.wait_dma2 semaphore(%arg13 : memref<!tpu.dma_semaphore, #tpu.memory_space<semaphore_mem>>) src(%dma_wait3A_503 : memref<10000xf32, #tpu.memory_space<hbm>>) dst(%dma_wait3A_501 : memref<10000xf32, #tpu.memory_space<vmem>>)
      %mul3A_504 = arith.constant 4 : i32
      %mul3A_505 = arith.muli %select_n3A_340, %mul3A_504 : i32
      %add3A_506 = arith.constant 3 : i32
      %add3A_507 = arith.addi %mul3A_505, %add3A_506 : i32
      %mul3A_508 = arith.constant 2 : i32
      %mul3A_509 = arith.muli %add3A_507, %mul3A_508 : i32
      %add3A_510 = arith.addi %mul3A_509, %select_n3A_360 : i32
      %mul3A_511 = arith.constant 16 : i32
      %mul3A_512 = arith.muli %mul3A_511, %arg0 : i32
      %add3A_513 = arith.addi %mul3A_512, %add3A_510 : i32
      %mul3A_514 = arith.constant 10016 : i32
      %mul3A_515 = arith.muli %sub3A_363, %mul3A_514 : i32
      %dma_wait3A_516 = arith.constant 30000 : i32
      %dma_wait3A_517 = tpu.memref_slice %arg6[%dma_wait3A_516] : memref<100160xf32, #tpu.memory_space<vmem>> -> memref<10000xf32, #tpu.memory_space<vmem>>
      %dma_wait3A_518 = tpu.memref_slice %arg5[%add3A_513, %mul3A_515] : memref<32x100160xf32, #tpu.memory_space<hbm>> -> memref<1x10000xf32, #tpu.memory_space<hbm>>
      %dma_wait3A_519 = tpu.memref_squeeze %dma_wait3A_518 : memref<1x10000xf32, #tpu.memory_space<hbm>> -> memref<10000xf32, #tpu.memory_space<hbm>>
      %dma_wait3A_520 = arith.constant 30000 : i32
      %dma_wait3A_521 = tpu.memref_slice %arg6[%dma_wait3A_520] : memref<100160xf32, #tpu.memory_space<vmem>> -> memref<10000xf32, #tpu.memory_space<vmem>>
      %dma_wait3A_522 = tpu.memref_slice %arg5[%add3A_513, %mul3A_515] : memref<32x100160xf32, #tpu.memory_space<hbm>> -> memref<1x10000xf32, #tpu.memory_space<hbm>>
      %dma_wait3A_523 = tpu.memref_squeeze %dma_wait3A_522 : memref<1x10000xf32, #tpu.memory_space<hbm>> -> memref<10000xf32, #tpu.memory_space<hbm>>
      tpu.wait_dma2 semaphore(%arg14 : memref<!tpu.dma_semaphore, #tpu.memory_space<semaphore_mem>>) src(%dma_wait3A_523 : memref<10000xf32, #tpu.memory_space<hbm>>) dst(%dma_wait3A_521 : memref<10000xf32, #tpu.memory_space<vmem>>)
      %ge3A_524 = arith.constant 2 : i32
      %ge3A_525 = arith.cmpi sge, %select_n3A_356, %ge3A_524 : i32
      %jit3A_526 = arith.constant 2.000000e-01 : f32
      %jit3A_527 = arith.constant 1.000000e+00 : f32
      %select_n3A_528 = arith.select %ge3A_525, %jit3A_526, %jit3A_527 : f32
      %parallel_loop3A_529 = arith.constant 0 : i32
      %parallel_loop3A_530 = arith.constant 625 : i32
      %parallel_loop3A_531 = arith.constant 1 : i32
      scf.for %parallel_loop3A_535 = %parallel_loop3A_529 to %parallel_loop3A_530 step %parallel_loop3A_531  : i32 {
        %parallel_loop3A_536 = arith.constant 16 : i32
        %parallel_loop3A_537 = arith.muli %parallel_loop3A_535, %parallel_loop3A_536 : i32
        %parallel_loop3A_538 = arith.index_cast %parallel_loop3A_537 : i32 to index
        %parallel_loop3A_539 = tpu.vector_load %arg6[%parallel_loop3A_538] {strides = array<i32>} : memref<100160xf32, #tpu.memory_space<vmem>>, vector<16xf32>,
        %parallel_loop3A_540 = arith.constant 10000 : i32
        %parallel_loop3A_541 = arith.addi %parallel_loop3A_540, %parallel_loop3A_537 : i32
        %parallel_loop3A_542 = arith.index_cast %parallel_loop3A_541 : i32 to index
        %parallel_loop3A_543 = tpu.vector_load %arg6[%parallel_loop3A_542] {strides = array<i32>} : memref<100160xf32, #tpu.memory_space<vmem>>, vector<16xf32>,
        %parallel_loop3A_544 = arith.addf %parallel_loop3A_539, %parallel_loop3A_543 : vector<16xf32>
        %parallel_loop3A_545 = arith.constant 20000 : i32
        %parallel_loop3A_546 = arith.addi %parallel_loop3A_545, %parallel_loop3A_537 : i32
        %parallel_loop3A_547 = arith.index_cast %parallel_loop3A_546 : i32 to index
        %parallel_loop3A_548 = tpu.vector_load %arg6[%parallel_loop3A_547] {strides = array<i32>} : memref<100160xf32, #tpu.memory_space<vmem>>, vector<16xf32>,
        %parallel_loop3A_549 = arith.addf %parallel_loop3A_544, %parallel_loop3A_548 : vector<16xf32>
        %parallel_loop3A_550 = arith.constant 30000 : i32
        %parallel_loop3A_551 = arith.addi %parallel_loop3A_550, %parallel_loop3A_537 : i32
        %parallel_loop3A_552 = arith.index_cast %parallel_loop3A_551 : i32 to index
        %parallel_loop3A_553 = tpu.vector_load %arg6[%parallel_loop3A_552] {strides = array<i32>} : memref<100160xf32, #tpu.memory_space<vmem>>, vector<16xf32>,
        %parallel_loop3A_554 = arith.addf %parallel_loop3A_549, %parallel_loop3A_553 : vector<16xf32>
        %parallel_loop3A_555 = vector.broadcast %select_n3A_528 : f32 to vector<16xf32>
        %parallel_loop3A_556 = arith.mulf %parallel_loop3A_554, %parallel_loop3A_555 : vector<16xf32>
        %parallel_loop3A_557 = arith.constant 1.000000e+00 : f32
        %parallel_loop3A_558 = vector.broadcast %parallel_loop3A_557 : f32 to vector<16xf32>
        %parallel_loop3A_559 = arith.minimumf %parallel_loop3A_556, %parallel_loop3A_558 : vector<16xf32>
        %parallel_loop3A_560 = arith.constant 40000 : i32
        %parallel_loop3A_561 = arith.addi %parallel_loop3A_560, %parallel_loop3A_537 : i32
        %parallel_loop3A_562 = arith.index_cast %parallel_loop3A_561 : i32 to index
        %parallel_loop3A_563 = tpu.vector_load %arg6[%parallel_loop3A_562] {strides = array<i32>} : memref<100160xf32, #tpu.memory_space<vmem>>, vector<16xf32>,
        tpu.vector_store %arg6[%parallel_loop3A_562], %parallel_loop3A_559 {strides = array<i32>} : memref<100160xf32, #tpu.memory_space<vmem>>, vector<16xf32>,
      } {sc.loop_unroll_factor = 4 : i64, sc.parallel_access}
      %mul3A_532 = arith.constant 2 : i32
      %mul3A_533 = arith.muli %mul3A_532, %arg0 : i32
      %add3A_534 = arith.addi %mul3A_533, %select_n3A_340 : i32
      "tpu.region"() ({
        %run_scoped3A = tpu.sem_alloc : memref<!tpu.dma_semaphore, #tpu.memory_space<semaphore_mem>>
        %dma_start3A_535 = arith.constant 40000 : i32
        %dma_start3A_536 = tpu.memref_slice %arg6[%dma_start3A_535] : memref<100160xf32, #tpu.memory_space<vmem>> -> memref<10000xf32, #tpu.memory_space<vmem>>
        %dma_start3A_537 = arith.constant 0 : i32
        %dma_start3A_538 = tpu.memref_slice %arg4[%add3A_534, %select_n3A_356, %dma_start3A_537] : memref<4x18x10000xf32, #tpu.memory_space<hbm>> -> memref<1x1x10000xf32, #tpu.memory_space<hbm>>
        %dma_start3A_539 = tpu.memref_squeeze %dma_start3A_538 : memref<1x1x10000xf32, #tpu.memory_space<hbm>> -> memref<10000xf32, #tpu.memory_space<hbm>>
        %dma_start3A_540 = arith.constant 0 : i32
        %dma_start3A_541 = tpu.memref_slice %arg4[%add3A_534, %select_n3A_356, %dma_start3A_540] : memref<4x18x10000xf32, #tpu.memory_space<hbm>> -> memref<1x1x10000xf32, #tpu.memory_space<hbm>>
        %dma_start3A_542 = tpu.memref_squeeze %dma_start3A_541 : memref<1x1x10000xf32, #tpu.memory_space<hbm>> -> memref<10000xf32, #tpu.memory_space<hbm>>
        %dma_start3A_543 = arith.constant 40000 : i32
        %dma_start3A_544 = tpu.memref_slice %arg6[%dma_start3A_543] : memref<100160xf32, #tpu.memory_space<vmem>> -> memref<10000xf32, #tpu.memory_space<vmem>>
        tpu.enqueue_dma source(%dma_start3A_544 : memref<10000xf32, #tpu.memory_space<vmem>>) target(%dma_start3A_542 : memref<10000xf32, #tpu.memory_space<hbm>>) target_semaphore(%run_scoped3A : memref<!tpu.dma_semaphore, #tpu.memory_space<semaphore_mem>>)
        %dma_wait3A_545 = arith.constant 40000 : i32
        %dma_wait3A_546 = tpu.memref_slice %arg6[%dma_wait3A_545] : memref<100160xf32, #tpu.memory_space<vmem>> -> memref<10000xf32, #tpu.memory_space<vmem>>
        %dma_wait3A_547 = arith.constant 0 : i32
        %dma_wait3A_548 = tpu.memref_slice %arg4[%add3A_534, %select_n3A_356, %dma_wait3A_547] : memref<4x18x10000xf32, #tpu.memory_space<hbm>> -> memref<1x1x10000xf32, #tpu.memory_space<hbm>>
        %dma_wait3A_549 = tpu.memref_squeeze %dma_wait3A_548 : memref<1x1x10000xf32, #tpu.memory_space<hbm>> -> memref<10000xf32, #tpu.memory_space<hbm>>
        %dma_wait3A_550 = arith.constant 0 : i32
        %dma_wait3A_551 = tpu.memref_slice %arg4[%add3A_534, %select_n3A_356, %dma_wait3A_550] : memref<4x18x10000xf32, #tpu.memory_space<hbm>> -> memref<1x1x10000xf32, #tpu.memory_space<hbm>>
        %dma_wait3A_552 = tpu.memref_squeeze %dma_wait3A_551 : memref<1x1x10000xf32, #tpu.memory_space<hbm>> -> memref<10000xf32, #tpu.memory_space<hbm>>
        %dma_wait3A_553 = arith.constant 40000 : i32
        %dma_wait3A_554 = tpu.memref_slice %arg6[%dma_wait3A_553] : memref<100160xf32, #tpu.memory_space<vmem>> -> memref<10000xf32, #tpu.memory_space<vmem>>
        tpu.wait_dma2 semaphore(%run_scoped3A : memref<!tpu.dma_semaphore, #tpu.memory_space<semaphore_mem>>) src(%dma_wait3A_554 : memref<10000xf32, #tpu.memory_space<vmem>>) dst(%dma_wait3A_552 : memref<10000xf32, #tpu.memory_space<hbm>>)
        tpu.yield
      }) : () -> ()
    } else {
    }
    return
  }
}

</mosaic_0001>

<sc_bundles>
// kernel: kernel.3.cloned.1.call-start
scs
__scs_entry_jumppad:
0x0: {  	(pc) =	sbr.rel $0x88, $3  }
0x1: {  	(tag) =	ssettag $0x0;
	lr =	simm.s32 $0x1  }
0x2: {  	[smem:$0x3F9F] =	sst lr;
	_ =	strace $0xD0000000  }
0x3: {  	_ = 	snop  }
0x4: {  	_ = 	snop  }
0x5: {  	_ = 	snop  }
0x6: {  	_ = 	snop  }
0x7: {  	_ = 	snop  }
__scs_overlays_trampoline_lowered:
0x8: {  	[smem:$0x3FAE] =	sst s0  }
0x9: {  	[smem:$0x3FAF] =	sst s1  }
0xa: {  	[smem:$0x3FB0] =	sst s2  }
0xb: {  	[smem:$0x3FB1] =	sst s3  }
0xc: {  	[smem:$0x3FB2] =	sst s4  }
0xd: {  	[smem:$0x3FB3] =	sst s5  }
0xe: {  	[smem:$0x3FB4] =	sst s6  }
0xf: {  	[smem:$0x3FB5] =	sst s7  }
0x10: {  	[smem:$0x3FB6] =	sst s8  }
0x11: {  	[smem:$0x3FB7] =	sst s9;
	s0 =	simm.s32 @!p0 $0x0  }
0x12: {  	s1 =	sld [smem:$0x3F9D];
	s0 =	simm.s32 @p0 $0x1  }
0x13: {  	[smem:$0x3FB8] =	sst s0;
	s0 =	simm.s32 @!p1 $0x0  }
0x14: {  	s2 =	sld [smem:$0x3F9C];
	s0 =	simm.s32 @p1 $0x1  }
0x15: {  	[smem:$0x3FB9] =	sst s0;
	s0 =	simm.s32 @!p2 $0x0  }
0x16: {  	s3 =	sld [smem:$0x3FDB];
	s0 =	simm.s32 @p2 $0x1  }
0x17: {  	s4 =	simm.s32 $0x1BF5;
	[smem:$0x3FBB] =	sst s0  }
0x18: {  	s0 =	sld [smem:$0x3F9E];
	_ =	swait.ge [sflag:s4], $0x0  }
0x19: {  	s7 =	sld [smem:$0x3F9F]  }
0x1a: {  	s8 =	sadd.s32 $0xFFFFE003, lr  }
0x1b: {  	s9 =	sadd.s32 $0xFFFFFEF7, lr;
	s5 =	simm.s32 $0xFFFFFFFF;
	p2 =	slt.u32 s8, $0xFFFFF086  }
0x1c: {  	p1 =	slt.u32 s9, $0xF7A;
	s5 =	simm.s32 @!p2 $0x0  }
0x1d: {  	s5 =	simm.s32 @p1 $0x1;
	p0 =	seq.s32 s7, s2  }
0x1e: {  	s7 =	smul.u32 @!p0 $0xF7A, s2;
	p2 =	seq.s32 @!p0 s5, $0x0  }
0x1f: {  	s9 =	smul.u32 $0xF7A, s1;
	s8 =	simm.s32 @!p0 $0x1BF5;
	p2 =	por !p2, p0  }
0x20: {  	[sflag:s8] =	ssyncset.s32 @!p0 $0xFFFFF086;
	s6 =	sadd.s32 @!p0 s3, s7;
	s7 =	simm.s32 @!p0 $0x108  }
0x21: {  	s3 =	sadd.s32 s3, s9;
	s6 =	sadd.s32 @!p0 $0x88, s6;
	s7 =	simm.s32 @p2 $0x1082  }
0x22: {  	[simem:s7], [sflag:s8] =	dma.local @!p0 [hbm:s6], $0xF7A  }
0x23: {  	s9 =	sor.u32 $0xD0000000, s2;
	s6 =	simm.s32 $0x108;
	_ =	swait.ge @!p0 [sflag:s8], $0x0  }
0x24: {  	s3 =	sadd.s32 $0x88, s3;
	s6 =	simm.s32 @!p1 $0x1082;
	[sflag:s4] =	ssyncset.s32 $0xFFFFF086  }
0x25: {  	[simem:s6], [sflag:s4] =	dma.local [hbm:s3], $0xF7A  }
0x26: {  	[smem:$0x3F9F] =	sst s1;
	(tag) =	ssettag s2;
	_ =	strace s9  }
0x27: {  	s1 =	sld [smem:$0x3FAF]  }
0x28: {  	s2 =	sld [smem:$0x3FB0]  }
0x29: {  	s4 =	sld [smem:$0x3FB2]  }
0x2a: {  	p0 =	seq.s32 s5, $0x0;
	s5 =	sld [smem:$0x3FB3]  }
0x2b: {  	s6 =	sld [smem:$0x3FB4]  }
0x2c: {  	s7 =	sld [smem:$0x3FB5]  }
0x2d: {  	s3 =	simm.s32 $0x108;
	s8 =	sld [smem:$0x3FB6]  }
0x2e: {  	s3 =	simm.s32 @!p0 $0x1082;
	s9 =	sld [smem:$0x3FB7]  }
0x2f: {  	lr =	sadd.s32 s0, s3;
	s0 =	sld [smem:$0x3FAE]  }
0x30: {  	s3 =	sld [smem:$0x3FB1]  }
0x31: {  	[smem:$0x3FBA] =	sst s10  }
0x32: {  	s10 =	sld [smem:$0x3FB8];
	_ =	sdelay $0x3  }
0x33: {  	p0 =	seq.s32 s10, $0x1;
	s10 =	sld [smem:$0x3FBA];
	_ =	sdelay $0x3  }
0x34: {  	[smem:$0x3FBA] =	sst s10  }
0x35: {  	s10 =	sld [smem:$0x3FB9];
	_ =	sdelay $0x3  }
0x36: {  	p1 =	seq.s32 s10, $0x1;
	s10 =	sld [smem:$0x3FBA];
	_ =	sdelay $0x3  }
0x37: {  	[smem:$0x3FBA] =	sst s10  }
0x38: {  	s10 =	sld [smem:$0x3FBB]  }
0x39: {  	_ = 	snop;
	(pc) =	sbr.ind lr, $3  }
0x3a: {  	_ = 	snop  }
0x3b: {  	_ = 	snop  }
0x3c: {  	p2 =	seq.s32 s10, $0x1;
	s10 =	sld [smem:$0x3FBA]  }
0x3d: {  	_ =	shalt  }
0x3e: {  	_ =	shalt  }
0x3f: {  	_ =	shalt  }
0x40: {  	_ =	shalt  }
0x41: {  	_ =	shalt  }
0x42: {  	_ =	shalt  }
0x43: {  	_ =	shalt  }
0x44: {  	_ =	shalt  }
0x45: {  	_ =	shalt  }
0x46: {  	_ =	shalt  }
0x47: {  	_ =	shalt  }
0x48: {  	_ =	shalt  }
0x49: {  	_ =	shalt  }
0x4a: {  	_ =	shalt  }
0x4b: {  	_ =	shalt  }
0x4c: {  	_ =	shalt  }
0x4d: {  	_ =	shalt  }
0x4e: {  	_ =	shalt  }
0x4f: {  	_ =	shalt  }
0x50: {  	_ =	shalt  }
0x51: {  	_ =	shalt  }
0x52: {  	_ =	shalt  }
0x53: {  	_ =	shalt  }
0x54: {  	_ =	shalt  }
0x55: {  	_ =	shalt  }
0x56: {  	_ =	shalt  }
0x57: {  	_ =	shalt  }
0x58: {  	_ =	shalt  }
0x59: {  	_ =	shalt  }
0x5a: {  	_ =	shalt  }
0x5b: {  	_ =	shalt  }
0x5c: {  	_ =	shalt  }
0x5d: {  	_ =	shalt  }
0x5e: {  	_ =	shalt  }
0x5f: {  	_ =	shalt  }
0x60: {  	_ =	shalt  }
0x61: {  	_ =	shalt  }
0x62: {  	_ =	shalt  }
0x63: {  	_ =	shalt  }
0x64: {  	_ =	shalt  }
0x65: {  	_ =	shalt  }
0x66: {  	_ =	shalt  }
0x67: {  	_ =	shalt  }
0x68: {  	_ =	shalt  }
0x69: {  	_ =	shalt  }
0x6a: {  	_ =	shalt  }
0x6b: {  	_ =	shalt  }
0x6c: {  	_ =	shalt  }
0x6d: {  	_ =	shalt  }
0x6e: {  	_ =	shalt  }
0x6f: {  	_ =	shalt  }
0x70: {  	_ =	shalt  }
0x71: {  	_ =	shalt  }
0x72: {  	_ =	shalt  }
0x73: {  	_ =	shalt  }
0x74: {  	_ =	shalt  }
0x75: {  	_ =	shalt  }
0x76: {  	_ =	shalt  }
0x77: {  	_ =	shalt  }
0x78: {  	_ =	shalt  }
0x79: {  	_ =	shalt  }
0x7a: {  	_ =	shalt  }
0x7b: {  	_ =	shalt  }
0x7c: {  	_ =	shalt  }
0x7d: {  	_ =	shalt  }
0x7e: {  	_ =	shalt  }
0x7f: {  	_ =	shalt  }
0x80: {  	_ =	shalt  }
0x81: {  	_ =	shalt  }
0x82: {  	_ =	shalt  }
0x83: {  	_ =	shalt  }
0x84: {  	_ =	shalt  }
0x85: {  	_ =	shalt  }
0x86: {  	_ =	shalt  }
0x87: {  	_ =	shalt  }
.Lfunc_end0:
.L_simem_size_0:
called_computation_lowered:
.L_overlay_start_0:
0x88: {  	s2 =	sld [smem:$0x3FD9]  }
0x89: {  	s3 =	sld [smem:$0x3FFE];
	_ =	sdelay $0x1  }
0x8a: {  	s1 =	srdreg.scid  }
0x8b: {  	s0 =	sand.u32 $0x1, s1  }
0x8c: {  	s17 =	sshll.u32 s0, $0xA;
	s2 =	sadd.s32 s3, s2  }
0x8d: {  	s2 =	sadd.s32 s2, s17  }
0x8e: {  	[smem:$0x3FC6] =	sst s2  }
0x8f: {  	_ = 	snop  }
0x90: {  	s2 =	sld [smem:$0x3FD0];
	(tm) =	ssettm $0x1  }
0x91: {  	s18 =	sld [smem:$0x3FFB];
	_ =	sdelay $0x3  }
0x92: {  	_ =	strace s18  }
0x93: {  	s3 =	sld [smem:$0x3FFC];
	_ =	sdelay $0x3  }
0x94: {  	_ =	strace s3  }
0x95: {  	s3 =	sld [smem:$0x3FFD];
	_ =	sdelay $0x3  }
0x96: {  	_ =	strace s3  }
0x97: {  	_ =	strace $0x8FFFFFFF  }
0x98: {  	s19 =	sld [smem:$0x3FDB];
	_ =	sdelay $0x1  }
0x99: {  	s4 =	simm.s32 $_scs_section_size  }
0x9a: {  	s5 =	simm.s32 $_size__tile_overlayer_lowered;
	s6 =	simm.s32 $_tile_overlayer_lowered  }
0x9b: {  	s22 =	simm.s32 $0x1BFF;
	s21 =	sshll.u32 s6, $0x1;
	s3 =	sadd.s32 s4, s19  }
0x9c: {  	s7 =	simm.s32 $0x0;
	s20 =	sshll.u32 s5, $0x1;
	s5 =	sadd.s32 s21, s3  }
0x9d: {  	[timem:s7], [sflag:s22] =	dma.local [hbm:s5], s20  }
0x9e: {  	_ =	swait.ge [sflag:s22], s20  }
0x9f: {  	s4 =	ssub.s32 $0x0, s20;
	[sflag:s22] =	ssyncset.done $0x0  }
0xa0: {  	[sflag:s22] =	ssyncadd.s32 s4;
	_ =	sdelay $0x1  }
0xa1: {  	s23 =	simm.s32 $0x1B8B  }
0xa2: {  	_ =	swait.ge [sflag:s23], $0x1  }
0xa3: {  	[sflag:s23] =	ssyncset.done $0x0  }
0xa4: {  	s25 =	simm.s32 $0x1B8E;
	s24 =	sld [smem:$0x3FFE];
	[sflag:s23] =	ssyncadd.s32 $0xFFFFFFFF  }
0xa5: {  	s26 =	simm.s32 $execute0_lowered;
	[smem:$0x3FD2] =	sst s25  }
0xa6: {  	s5 =	sshll.u32 s26, $0x1;
	_ =	strace $0x80000046;
	[dreg:$0x1] =	wrdreg $0xFFFFFFFF  }
0xa7: {  	s28 =	simm.s32 $_size_execute0_lowered;
	s3 =	sadd.s32 s3, s5;
	[dreg:$0x0] =	wrdreg $0x0  }
0xa8: {  	s5 =	sshll.u32 s28, $0x1;
	[dreg:$0x2] =	wrdreg s3  }
0xa9: {  	[dreg:$0x3] =	wrdreg s5  }
0xaa: {  	[dreg:$0x4] =	wrdreg $0xC0  }
0xab: {  	_ =	task [dreg:s7], $0x5FFFF  }
0xac: {  	[dreg:$0x1] =	wrdreg $0xFFFFFFFF  }
0xad: {  	[dreg:$0x0] =	wrdreg $0x60  }
0xae: {  	[dreg:$0x2] =	wrdreg s24  }
0xaf: {  	[dreg:$0x3] =	wrdreg s2  }
0xb0: {  	[dreg:$0x4] =	wrdreg $0x9  }
0xb1: {  	_ =	task.clear_ibuf [dreg:s7], $0x5FFFF;
	_ =	strace $0x90000046  }
0xb2: {  	s29 =	simm.s32 $0x9;
	_ =	strace $0x80000048  }
0xb3: {  	_ =	swait.ge [sflag:s29], $0x1  }
0xb4: {  	[sflag:s29] =	ssyncadd.s32 $0xFFFFFFFF  }
0xb5: {  	_ =	strace $0x90000048  }
0xb6: {  	_ =	sfence  }
0xb7: {  	s30 =	sld [smem:$0x0];
	_ =	sdelay $0x2  }
0xb8: {  	s31 =	sshll.u32 s1, $0xD;
	s1 =	sshrl.u32 s1, $0x2  }
0xb9: {  	s3 =	sand.u32 $0x4000, s31;
	s1 =	sadd.s32 s1, s30  }
0xba: {  	s0 =	sor.u32 s3, s0;
	s1 =	sshll.u32 s1, $0x11  }
0xbb: {  	s0 =	sor.u32 s1, s0  }
0xbc: {  	s0 =	sadd.s32 $0x8F2B, s0  }
0xbd: {  	[sflag:s0] =	ssyncadd.remote.s32 $0x1  }
0xbe: {  	_ =	sfence.sel $0xFFFF  }
0xbf: {  	[dreg:$0x0] =	wrdreg $0xFFFFFFFF;
	(pc) =	sbr.abs _section_cstart, $3  }
0xc0: {  	[dreg:$0x1] =	wrdreg $0xFFFFFFFF  }
0xc1: {  	_ =	task.clear_ibuf [dreg:s7], $0x2FFFF;
	_ =	strace $0x9FFFFFFF  }
0xc2: {  	(tm) =	ssettm $0x7FFFFFFF  }
0xc3: {  	_ =	shalt  }
tec
execute0_lowered:
.L_overlay_start_1:
0x0: {  	(tag) =	ssettag $0x1  }
0x1: {  	s1 =	rddreg [dreg:$0x0]  }
0x2: {  	s4 =	rddreg [dreg:$0x1]  }
0x3: {  	s0 =	srdreg.scid;
	s19 =	stileid.u32  }
0x4: {  	s3 =	simm.s32 $0x0;
	s13 =	simm.s32 $0xFFFFFFF6;
	s15 =	simm.s32 $0x1  }
0x5: {  	s17 =	simm.s32 $0xFFFFFFF6;
	s5 =	sand.u32 $0x1, s0;
	s25 =	sshrl.u32 s19, $0x1  }
0x6: {  	s2 =	sshrl.u32 s19, $0x3;
	[smem:$0x7FF] =	sst s3;
	s20 =	sadd.s32 $0x800, s1  }
0x7: {  	s6 =	sadd.s32 $0x26000, s1;
	p0 =	sgt.u32 s19, $0x9;
	s18 =	smul.u32 $0x2710, s19  }
0x8: {  	s23 =	sor.u32 $0x10, s19;
	s0 =	sand.u32 $0x3, s25;
	s10 =	sshll.u32 s5, $0x1  }
0x9: {  	_ =	strace $0x80000047;
	s8 =	ssub.s32 $0x2, s5;
	s3 =	smul.u32 $0x78, s0  }
0xa: {  	s12 =	sshll.u32 s5, $0x4;
	s7 =	sor.u32 s2, s10;
	s0 =	smul.u32 $0x12C00, s0  }
0xb: {  	s13 =	simm.s32 @!p0 $0x0;
	s15 =	simm.s32 @!p0 $0x0;
	s16 =	smul.u32 $0x4B000, s7  }
0xc: {  	s24 =	sadd.s32 $0xFFFFFFEE, s23;
	s2 =	sand.u32 $0x1, s19;
	s9 =	smul.u32 $0x4B0000, s7  }
0xd: {  	p0 =	sgt.u32 s23, $0x11;
	s14 =	sor.u32 s19, s12;
	s11 =	smul.u32 $0x258000, s2  }
0xe: {  	[dreg:$0x4] =	wrdreg s20;
	s13 =	sadd.s32 s19, s13;
	s14 =	smul.u32 $0x18740, s14  }
0xf: {  	s26 =	sshrl.u32 s8, $0x1;
	s15 =	sor.u32 s15, s12;
	s13 =	smul.u32 $0x2720, s13  }
0x10: {  	s7 =	sadd.s32 $0x27E000, s1;
	s1 =	ssub.s32 s8, s26;
	s15 =	smul.u32 $0x18740, s15  }
0x11: {  	s1 =	smax.u32 s1, $0x1;
	[dreg:$0x3] =	wrdreg s16;
	s8 =	sadd.s32 s0, s16  }
0x12: {  	s21 =	sadd.s32 s11, s9;
	s14 =	sshrl.u32 s14, $0x3;
	s16 =	smul.u32 $0x57E40, s5  }
0x13: {  	s11 =	sadd.s32 s13, s15;
	s13 =	smin.u32 s23, s24;
	s23 =	smul.u32 $0x2720, s19  }
0x14: {  	s15 =	simm.s32 $0x1;
	s5 =	smul.u32 $0x187400, s5;
	[dreg:$0x1d] =	wrdreg s1  }
0x15: {  	s9 =	sadd.s32 s0, s21;
	s22 =	sadd.s32 s7, s14;
	p1 =	sgt.u32 s13, $0x9  }
0x16: {  	s25 =	sadd.s32 $0x30E80, s11;
	[dreg:$0x5] =	wrdreg s21;
	s14 =	sadd.s32 s18, s16  }
0x17: {  	s16 =	simm.s32 $0x8;
	s18 =	sshrl.u32 s11, $0x3;
	s15 =	simm.s32 @!p1 $0x0  }
0x18: {  	s17 =	simm.s32 @!p1 $0x0;
	p1 =	sgt.u32 s13, $0x1;
	s5 =	sadd.s32 s5, s23  }
0x19: {  	[dreg:$0x6] =	wrdreg s22;
	s16 =	simm.s32 @!p0 $0x0;
	s18 =	sadd.s32 s7, s18  }
0x1a: {  	s17 =	sadd.s32 s13, s17;
	s14 =	sshrl.u32 s14, $0x3;
	s5 =	sshrl.u32 s5, $0x3  }
0x1b: {  	[dreg:$0x7] =	wrdreg s18;
	s15 =	sor.u32 s15, s16;
	s16 =	sshrl.u32 s25, $0x3  }
0x1c: {  	s26 =	smul.u32 $0x2720, s17;
	s17 =	sadd.s32 $0x61D00, s11;
	s11 =	sadd.s32 $0x92B80, s11  }
0x1d: {  	s18 =	smul.u32 $0x2710, s13;
	s14 =	sadd.s32 s4, s14;
	s5 =	sadd.s32 s7, s5  }
0x1e: {  	s12 =	sor.u32 s12, s15;
	s15 =	simm.s32 $0x1;
	s16 =	sadd.s32 s7, s16  }
0x1f: {  	s11 =	sshrl.u32 s11, $0x3;
	[dreg:$0xb] =	wrdreg s14;
	s15 =	simm.s32 @!p0 $0x0  }
0x20: {  	[dreg:$0x8] =	wrdreg s16;
	s12 =	smul.u32 $0x18740, s12;
	s11 =	sadd.s32 s7, s11  }
0x21: {  	s16 =	sshrl.u32 s8, $0x3;
	p0 =	sgt.u32 s19, $0x1;
	s10 =	sor.u32 s15, s10  }
0x22: {  	s15 =	sshrl.u32 s17, $0x3;
	[dreg:$0xa] =	wrdreg s11;
	s17 =	sshrl.u32 s9, $0x3  }
0x23: {  	s10 =	smul.u32 $0x2BF20, s10;
	s12 =	sadd.s32 s26, s12;
	s15 =	sadd.s32 s7, s15  }
0x24: {  	[dreg:$0x9] =	wrdreg s15;
	s24 =	sshrl.u32 s12, $0x3;
	s25 =	sadd.s32 $0x30E80, s12  }
0x25: {  	s26 =	sadd.s32 $0x61D00, s12;
	s15 =	sadd.s32 $0x96000, s21;
	s10 =	sadd.s32 s18, s10  }
0x26: {  	s13 =	sadd.s32 s7, s24;
	[dreg:$0x11] =	wrdreg s15;
	s18 =	sadd.s32 s0, s15  }
0x27: {  	s24 =	sadd.s32 $0x12C000, s21;
	s10 =	sshrl.u32 s10, $0x3;
	[dreg:$0xc] =	wrdreg s13  }
0x28: {  	s23 =	sshrl.u32 s18, $0x3;
	[dreg:$0x15] =	wrdreg s24;
	s18 =	sadd.s32 $0x28F58, s5  }
0x29: {  	s8 =	sadd.s32 s0, s24;
	s24 =	sadd.s32 $0x24AE, s22;
	[dreg:$0x1b] =	wrdreg s18  }
0x2a: {  	s12 =	sadd.s32 $0x92B80, s12;
	s4 =	sadd.s32 s4, s10;
	[smem:$0x7FB] =	sst s24  }
0x2b: {  	s11 =	sshrl.u32 s26, $0x3;
	s10 =	sadd.s32 $0x1C2000, s21;
	[dreg:$0xd] =	wrdreg s4  }
0x2c: {  	s8 =	sshrl.u32 s8, $0x3;
	s21 =	sadd.s32 $0xC3A, s22;
	[dreg:$0x16] =	wrdreg s10  }
0x2d: {  	s4 =	sshrl.u32 s25, $0x3;
	s8 =	sadd.s32 s6, s8;
	[dreg:$0x1e] =	wrdreg s21  }
0x2e: {  	s0 =	sadd.s32 s0, s10;
	s4 =	sadd.s32 s7, s4;
	[dreg:$0x17] =	wrdreg s8  }
0x2f: {  	s0 =	sshrl.u32 s0, $0x3;
	[dreg:$0xe] =	wrdreg s4;
	s4 =	sadd.s32 s7, s11  }
0x30: {  	s13 =	sshrl.u32 s12, $0x3;
	s0 =	sadd.s32 s6, s0;
	[dreg:$0xf] =	wrdreg s4  }
0x31: {  	s25 =	sxor.u32 $0x1, s2;
	s4 =	sadd.s32 s7, s13;
	[dreg:$0x18] =	wrdreg s0  }
0x32: {  	s7 =	smul.u32 $0x13900, s25;
	s25 =	sadd.s32 $0x9C40, s14;
	[dreg:$0x10] =	wrdreg s4  }
0x33: {  	v0 =	vimm.f32 $1.500000000e+01;
	vm0 =	vcmask $0x300;
	s8 =	simm.s32 $0x4B000;
	s4 =	sadd.s32 s20, s16;
	[smem:$0x7FC] =	sst s25  }
0x34: {  	vm14 =	vcmask $0x704;
	v0 =	vsel vm0, $0x0, v0;
	s20 =	sadd.s32 s6, s17;
	s16 =	sadd.s32 $0x1CBB8, s5;
	[dreg:$0x12] =	wrdreg s4  }
0x35: {  	vm15 =	vcmask $0xB08;
	v0 =	vsel vm14, $0x3F800000, v0;
	s17 =	sadd.s32 $0x22D88, s5;
	s25 =	simm.s32 $0x4;
	[dreg:$0x13] =	wrdreg s20  }
0x36: {  	vm4 =	vcmask $0xF0C;
	v0 =	vsel vm15, $0x40000000, v0;
	s4 =	sadd.s32 s6, s23;
	s28 =	sshrl.u32 s7, $0x2;
	[dreg:$0x19] =	wrdreg s16  }
0x37: {  	vm5 =	vcmask $0x1310;
	v0 =	vsel vm4, $0x40400000, v0;
	s7 =	simm.f32 $2.000000030e-01;
	[dreg:$0x14] =	wrdreg s4;
	s4 =	simm.f32 $2.000000030e-01  }
0x38: {  	vm6 =	vcmask $0x1714;
	v0 =	vsel vm5, $0x40800000, v0;
	s4 =	simm.s32 @!p0 $0x3F800000;
	p0 =	sne.s32 s2, $0x0;
	s2 =	sshll.u32 s2, $0x1  }
0x39: {  	vm7 =	vcmask $0x1B18;
	v0 =	vsel vm6, $0x40A00000, v0;
	[dreg:$0x1a] =	wrdreg s17;
	s20 =	sadd.s32 $0x2F128, s5;
	s26 =	sxor.u32 $0x6, s2  }
0x3a: {  	vm8 =	vcmask $0x1F1C;
	v0 =	vsel vm7, $0x40C00000, v0;
	s23 =	sadd.s32 $0x1874, s22;
	s12 =	sxor.u32 $0x7, s2;
	s9 =	smul.u32 $0x9C80, s26  }
0x3b: {  	vm9 =	vcmask $0x2320;
	v0 =	vsel vm8, $0x40E00000, v0;
	s5 =	simm.s32 $0xA00;
	s13 =	ssub.s32 $0x8, s2;
	s10 =	smul.u32 $0x9C80, s12  }
0x3c: {  	vm10 =	vcmask $0x2724;
	v0 =	vsel vm9, $0x41000000, v0;
	s7 =	simm.s32 @!p1 $0x3F800000;
	s2 =	ssub.s32 $0x9, s2;
	s11 =	smul.u32 $0x9C80, s13  }
0x3d: {  	vm11 =	vcmask $0x2B28;
	v0 =	vsel vm10, $0x41100000, v0;
	[dreg:$0x1c] =	wrdreg s20;
	p1 =	sgt.u32 s19, $0x3;
	s15 =	smul.u32 $0x9C80, s2  }
.Ltmp0:
0x3e: {  	vm12 =	vcmask $0x2F2C;
	v1 =	vsel vm11, $0x41200000, v0;
	[dreg:$0x1f] =	wrdreg s23;
	v0 =	vmov s4;
	s4 =	simm.s32 $0x0;
	(pc) =	sbr.rel .LBB2_1-.Ltmp0, $4  }
0x3f: {  	vm13 =	vcmask $0x3330;
	v2 =	vsel vm12, $0x41300000, v1;
	s2 =	sadd.s32 $0x2720, s28;
	s26 =	sadd.s32 $0xFFFFFF10, s3;
	s13 =	simm.s32 $0x3  }
0x40: {  	v4 =	vlaneseq.u32;
	vm14 =	vcmask $0x3734;
	v2 =	vsel vm13, $0x41400000, v2;
	[smem:$0x7FD] =	sst s26;
	s26 =	simm.s32 $0x5;
	s29 =	sshrl.u32 s9, $0x2  }
0x41: {  	v3 =	vimm.f32 $0.0e+00;
	vm15 =	vcmask $0x3B38;
	v2 =	vsel vm14, $0x41500000, v2;
	s30 =	sshrl.u32 s10, $0x2;
	s31 =	sshrl.u32 s11, $0x2;
	s0 =	sshrl.u32 s15, $0x2  }
0x42: {  	v4 =	vor.u32 $0x2710, v4;
	v2 =	vsel vm15, $0x41600000, v2;
	v1 =	vmov s7;
	s9 =	sadd.s32 $0x4E40, s28;
	s10 =	sadd.s32 $0x7560, s28;
	s15 =	simm.s32 $0x1  }
.LBB2_24:
0x43: {  	s4 =	sadd.s32 $0x1, s4;
	s1 =	rddreg [dreg:$0x1d]  }
0x44: {  	p2 =	sne.s32 s4, s1  }
.Ltmp1:
0x45: {  	_ = 	snop;
	(pc) =	sbr.rel @!p2 .LBB2_25-.Ltmp1, $2  }
0x46: {  	_ =	sdelay $0x2  }
0x47: {  	s5 =	simm.s32 $0xA00  }
.LBB2_1:
0x48: {  	[smem:$0x7FA] =	sst s4;
	s1 =	simm.s32 $0x40  }
0x49: {  	[tilespmem:s1+$0xFFFFFFC0] =	vst v3  }
0x4a: {  	[tilespmem:s1+$0x30] =	vst v3  }
0x4b: {  	[tilespmem:s1+$0x20] =	vst v3  }
0x4c: {  	[tilespmem:s1+$0x10] =	vst v3  }
0x4d: {  	[tilespmem:s1+$0x0] =	vst v3  }
0x4e: {  	[tilespmem:s1+$0xFFFFFFF0] =	vst v3  }
0x4f: {  	s4 =	simm.s32 $0x0;
	[tilespmem:s1+$0xFFFFFFE0] =	vst v3  }
.LBB2_2:
0x50: {  	s4 =	sadd.s32 $0x8, s4;
	[tilespmem:s1+$0xFFFFFFD0] =	vst v3;
	s1 =	sadd.s32 $0x80, s1  }
0x51: {  	[tilespmem:s1+$0xFFFFFFC0] =	vst v3;
	p2 =	slt.u32 s4, $0x1868  }
0x52: {  	[tilespmem:s1+$0x30] =	vst v3  }
.Ltmp2:
0x53: {  	[tilespmem:s1+$0x20] =	vst v3;
	(pc) =	sbr.rel @p2 .LBB2_2-.Ltmp2, $4  }
0x54: {  	[tilespmem:s1+$0x10] =	vst v3  }
0x55: {  	[tilespmem:s1+$0x0] =	vst v3  }
0x56: {  	[tilespmem:s1+$0xFFFFFFF0] =	vst v3  }
0x57: {  	[tilespmem:s1+$0xFFFFFFE0] =	vst v3  }
0x58: {  	[tilespmem:s1+$0xFFFFFFD0] =	vst v3;
	s1 =	simm.s32 $0x0  }
.LBB2_4:
0x59: {  	p2 =	sne.s32 s1, $0xC0  }
.Ltmp3:
0x5a: {  	_ = 	snop;
	(pc) =	sbr.rel @p2 .LBB2_4-.Ltmp3, $3  }
0x5b: {  	_ =	sdelay $0x1  }
0x5c: {  	s4 =	sshra.s32 s1, $0x2  }
0x5d: {  	s1 =	sadd.s32 $0x40, s1;
	[tilespmem:s4+$0x18700] =	vst v3  }
0x5e: {  	s1 =	rddreg [dreg:$0x12]  }
0x5f: {  	s11 =	simm.s32 $0x0;
	s4 =	simm.s32 $0x18740;
	s19 =	rddreg [dreg:$0x13]  }
0x60: {  	[tilespmem:s4], [sflag:$0x1] =	stream.linear.gather [hbm4b:s1+s11], $0xA00, $0x38;
	[tilespmem:$0x1F540] =	vst v63  }
0x61: {  	s20 =	simm.s32 $0x19B40;
	s21 =	rddreg [dreg:$0x14]  }
0x62: {  	[tilespmem:s20], [sflag:$0x2] =	stream.strided.gather [hbm4b:s19+s5], $0x1400, s8, s5, $0x38;
	[tilespmem:$0x1F540] =	vst v63  }
0x63: {  	s22 =	simm.s32 $0x1AF40;
	s23 =	rddreg [dreg:$0x17]  }
0x64: {  	[tilespmem:s22], [sflag:$0x3] =	stream.strided.gather [hbm4b:s21+s5], $0x1400, s8, s5, $0x38;
	[tilespmem:$0x1F540] =	vst v63  }
0x65: {  	s24 =	simm.s32 $0x1C340;
	s1 =	rddreg [dreg:$0x18]  }
0x66: {  	[tilespmem:s24], [sflag:$0x4] =	stream.strided.gather [hbm4b:s23+s5], $0x1400, s8, s5, $0x38;
	[tilespmem:$0x1F540] =	vst v63  }
.LBB2_6:
0x67: {  	s4 =	smov.u32 s11;
	s7 =	simm.s32 $0x1D740;
	s11 =	sadd.s32 $0x1, s11  }
0x68: {  	[tilespmem:s7], [sflag:$0x5] =	stream.strided.gather [hbm4b:s1+s5], $0x1400, s8, s5, $0x38;
	[tilespmem:$0x1F540] =	vst v63  }
0x69: {  	s20 =	simm.s32 $0x0;
	p2 =	seq.s32 s4, $0x1D;
	s22 =	sand.u32 $0x1, s4  }
0x6a: {  	s8 =	simm.s32 $0x19160;
	s23 =	sshll.u32 s4, $0x2;
	_ =	swait.ge [sflag:s15], $0xA00  }
0x6b: {  	s4 =	simm.s32 $0x1EB60;
	s1 =	sshll.u32 @!p2 s11, $0x2;
	s5 =	rddreg [dreg:$0x3]  }
0x6c: {  	s1 =	sadd.s32 @!p2 s3, s1;
	[sflag:s15] =	ssyncset.done $0x0;
	s24 =	sld [smem:$0x7FD]  }
0x6d: {  	s7 =	rddreg [dreg:$0x4];
	s12 =	smul.u32 @!p2 $0x280, s1;
	s1 =	sand.u32 @!p2 $0x1, s11  }
0x6e: {  	[sflag:s15] =	ssyncadd.s32 $0xFFFFF600;
	p3 =	seq.s32 @!p2 s1, $0x1;
	s1 =	simm.s32 @!p2 $0x19140  }
0x6f: {  	s5 =	sadd.s32 @!p2 s5, s12;
	p3 =	por !p3, p2;
	s14 =	sadd.s32 s24, s23  }
0x70: {  	s5 =	sshrl.u32 @!p2 s5, $0x3;
	s1 =	simm.s32 @p3 $0x18740;
	p3 =	seq.s32 s22, $0x1  }
0x71: {  	s5 =	sadd.s32 @!p2 s7, s5;
	s7 =	simm.s32 @!p2 $0x0;
	s8 =	simm.s32 @!p3 $0x18760  }
0x72: {  	[tilespmem:s1], [sflag:$0x1] =	stream.linear.gather @!p2 [hbm4b:s5+s7], $0xA00, $0x38;
	[tilespmem:$0x1F540] =	vst v63  }
.LBB2_7:
0x73: {  	s1 =	sadd.s32 s14, s20;
	s5 =	simm.s32 $0x30;
	s7 =	simm.s32 $0x0;
	v6 =	vld [tilespmem:s8+$0xFFFFFFE0]  }
0x74: {  	s19 =	simm.s32 $0x10;
	v7 =	vld [tilespmem:s8+$0x0];
	s1 =	scvt.s32.f32 s1;
	s7 =	scvt.s32.f32 s7  }
0x75: {  	s21 =	simm.s32 $0x20;
	v13 =	vld [tilespmem:s8+$0xFFFFFFF0];
	s19 =	scvt.s32.f32 s19;
	s5 =	scvt.s32.f32 s5  }
0x76: {  	s21 =	scvt.s32.f32 s21;
	s1 =	smul.f32 $2.576051280e-03, s1;
	v8 =	vadd.f32 s7, v2  }
0x77: {  	v10 =	vld [tilespmem:s8+$0x10];
	v9 =	vadd.f32 s19, v2;
	v11 =	vadd.f32 s5, v2  }
0x78: {  	v12 =	vadd.f32 s21, v2;
	v5 =	vmov s1;
	v8 =	vadd.f32 $-3.200000000e+02, v8  }
0x79: {  	v9 =	vadd.f32 $-3.200000000e+02, v9;
	v6 =	vmul.f32 $4.500000000e+02, v6;
	v11 =	vadd.f32 $-3.200000000e+02, v11  }
0x7a: {  	v12 =	vadd.f32 $-3.200000000e+02, v12;
	v7 =	vmul.f32 $4.500000000e+02, v7;
	v13 =	vmul.f32 $4.500000000e+02, v13  }
0x7b: {  	v8 =	vmul.f32 $2.576051280e-03, v8;
	v9 =	vmul.f32 $2.576051280e-03, v9;
	v14 =	vadd.f32 $5.000000000e+01, v6  }
0x7c: {  	v6 =	vmul.f32 $2.576051280e-03, v12;
	v12 =	vadd.f32 $5.000000000e+01, v7;
	v7 =	vmul.f32 $4.500000000e+02, v10  }
0x7d: {  	v10 =	vmul.f32 $2.576051280e-03, v11;
	v11 =	vmul.f32 v14, v5  }
0x7e: {  	v13 =	vadd.f32 $5.000000000e+01, v13;
	v15 =	vmul.f32 v12, v5;
	v16 =	vmul.f32 $2.000000030e-01, v14  }
0x7f: {  	v7 =	vadd.f32 $5.000000000e+01, v7;
	v17 =	vmul.f32 v12, v6;
	v8 =	vmul.f32 v14, v8  }
0x80: {  	v9 =	vmul.f32 v13, v9;
	v19 =	vmul.f32 v13, v5  }
0x81: {  	v10 =	vmul.f32 v7, v10;
	v14 =	vmul.f32 $2.000000030e-01, v7  }
0x82: {  	v6 =	vimm.f32 @!p0 $1.000000000e+00;
	v18 =	vtrunc.f32 v16;
	v17 =	vmul.f32 $2.000000030e-01, v17  }
0x83: {  	v11 =	vsub.f32 $1.280000000e+02, v11;
	v8 =	vmul.f32 $2.000000030e-01, v8;
	v7 =	vmul.f32 v7, v5  }
0x84: {  	v15 =	vsub.f32 $1.280000000e+02, v15;
	v20 =	vmul.f32 $2.000000030e-01, v9;
	v9 =	vmul.f32 $2.000000030e-01, v13  }
0x85: {  	v10 =	vmul.f32 $2.000000030e-01, v10;
	v11 =	vmul.f32 $2.000000030e-01, v11;
	v17 =	vadd.f32 $5.000000000e+01, v17  }
0x86: {  	v8 =	vadd.f32 $5.000000000e+01, v8;
	v15 =	vmul.f32 $2.000000030e-01, v15;
	vm10 =	vlt.f32 v14, $1.000000000e+02  }
0x87: {  	vm0 =	vge.f32 v11, $5.000000000e+00;
	vm2 =	vlt.f32 v11, $2.500000000e+01;
	vm1 =	vlt.f32 @!p0 v11, $8.000000000e+01  }
0x88: {  	v10 =	vadd.f32 $5.000000000e+01, v10;
	v21 =	vtrunc.f32 v8;
	vm4 =	vge.f32 v17, $0.0e+00  }
0x89: {  	vm7 =	vge.f32 @!p0 v11, $0.0e+00;
	vm5 =	vge.f32 v8, $0.0e+00;
	vm8 =	vlt.f32 v17, $1.000000000e+02  }
0x8a: {  	vm11 =	vlt.f32 v15, $2.500000000e+01;
	vm14 =	vlt.f32 @!p0 v15, $8.000000000e+01;
	vm3 =	vmand vm0, vm2  }
0x8b: {  	vm0 =	vlt.f32 v8, $1.000000000e+02;
	vm2 =	vlt.f32 v16, $1.000000000e+02;
	v8 =	vtrunc.f32 v9  }
0x8c: {  	v16 =	vcvt.f32.s32 v18;
	v18 =	vadd.f32 $5.000000000e+01, v20;
	vm15 =	vmand @!p0 vm7, vm1  }
0x8d: {  	v13 =	vtrunc.f32 v10;
	vm2 =	vmand vm0, vm2;
	vm0 =	vlt.f32 v9, $1.000000000e+02  }
0x8e: {  	vm9 =	vlt.f32 v10, $1.000000000e+02;
	v9 =	vcvt.f32.s32 v8;
	v8 =	vtrunc.f32 v14  }
0x8f: {  	v14 =	vsub.f32 $1.280000000e+02, v7;
	vm6 =	vge.f32 v10, $0.0e+00;
	v7 =	vlaneseq.u32 @!p0  }
0x90: {  	v10 =	vtrunc.f32 v17;
	v11 =	vcvt.f32.s32 v13;
	v13 =	vsub.f32 $1.280000000e+02, v19  }
0x91: {  	vm12 =	vmand vm9, vm10;
	vm9 =	vmand vm2, vm5;
	v7 =	vor.u32 @!p0 $0x4E30, v7  }
0x92: {  	vm10 =	vge.f32 @!p0 v15, $0.0e+00;
	v19 =	vmul.f32 $2.000000030e-01, v12;
	v17 =	vtrunc.f32 v18  }
0x93: {  	vm5 =	vge.f32 v15, $5.000000000e+00;
	v10 =	vcvt.f32.s32 v10;
	v12 =	vcvt.f32.s32 v21  }
0x94: {  	vm2 =	vge.f32 v18, $0.0e+00;
	v20 =	vmul.f32 $2.000000030e-01, v14;
	vm11 =	vmand vm5, vm11  }
0x95: {  	vm14 =	vmand @!p0 vm10, vm14;
	vm3 =	vmand vm3, vm9;
	vm9 =	vmand @!p0 vm15, vm9  }
0x96: {  	v15 =	vcvt.f32.s32 v17;
	v11 =	vmul.u32 $0x64, v11;
	v21 =	vmul.f32 $2.000000030e-01, v13  }
0x97: {  	vm13 =	vlt.f32 v19, $1.000000000e+02;
	v10 =	vmul.u32 $0x64, v10;
	v12 =	vmul.u32 $0x64, v12  }
0x98: {  	v14 =	vtrunc.f32 v19;
	vm13 =	vmand vm8, vm13;
	vm5 =	vge.f32 @!p0 v20, $0.0e+00  }
0x99: {  	vm15 =	vlt.f32 v20, $2.500000000e+01;
	vm8 =	vge.f32 v21, $5.000000000e+00;
	vm13 =	vmand vm13, vm4  }
0x9a: {  	vm10 =	vlt.f32 v21, $2.500000000e+01;
	vm7 =	vge.f32 @!p0 v21, $0.0e+00;
	v12 =	vadd.s32 v16, v12  }
0x9b: {  	v16 =	vcvt.f32.s32 v8;
	v8 =	vimm.f32 @!p0 $1.000000000e+00;
	v13 =	vsel vm3, v12, v4  }
0x9c: {  	s23 =	simm.s32 $0x70;
	vm4 =	vmand vm11, vm13;
	vm1 =	vmand @!p0 vm14, vm13;
	vm14 =	vge.f32 v20, $5.000000000e+00  }
0x9d: {  	s24 =	sadd.s32 $0x40, s4;
	s5 =	simm.s32 @!p0 $0x0;
	s7 =	simm.s32 $0x0;
	v12 =	vadd.s32 @!p0 $0x2720, v12;
	vm11 =	vlt.f32 @!p0 v20, $8.000000000e+01;
	vm13 =	vlt.f32 v18, $1.000000000e+02  }
0x9e: {  	s19 =	sadd.s32 $0x40, s8;
	s21 =	simm.s32 @!p0 $0x0;
	s1 =	smov.u32 s4;
	vm3 =	vmand vm12, vm6;
	vm12 =	vlt.f32 @!p0 v21, $8.000000000e+01;
	[tilespmem:s4+$0xFFFFFFE0] =	vst v13;
	vm6 =	vmand vm14, vm15  }
.LBB2_8:
0x9f: {  	s16 =	sadd.s32 $0xFFFFFFD0, s23;
	v17 =	vld [tilespmem:s19+$0xFFFFFFE0];
	s17 =	sadd.s32 $0xFFFFFFE0, s23;
	s18 =	scvt.s32.f32 s23;
	vm8 =	vmand vm8, vm10;
	v11 =	vadd.s32 v16, v11;
	vm5 =	vmand @!p0 vm5, vm11  }
0xa0: {  	s22 =	sadd.s32 $0xFFFFFFF0, s23;
	vm10 =	vmand vm13, vm0;
	vm0 =	vmand @!p0 vm7, vm12;
	s16 =	scvt.s32.f32 s16;
	s17 =	scvt.s32.f32 s17;
	[tilespmem:v13+s21+$0x0] =	vst.idx.add.f32.msk @!p0 $0xffff, v8;
	v13 =	vadd.s32 @!p0 $0x2720, v11  }
0xa1: {  	s7 =	sadd.s32 $0x4, s7;
	v14 =	vcvt.f32.s32 v14;
	s22 =	scvt.s32.f32 s22;
	vm2 =	vmand vm10, vm2;
	v16 =	vadd.f32 s18, v2  }
0xa2: {  	p3 =	slt.u32 s7, $0x24;
	vm7 =	vmand vm8, vm2;
	v18 =	vadd.f32 s16, v2;
	v19 =	vadd.f32 s17, v2;
	v20 =	vld [tilespmem:s19+$0x0]  }
0xa3: {  	v15 =	vmul.u32 $0x64, v15;
	v21 =	vadd.f32 s22, v2;
	v16 =	vadd.f32 $-3.200000000e+02, v16  }
0xa4: {  	v12 =	vsel @!p0 vm9, v12, v7;
	v10 =	vadd.s32 v14, v10;
	v18 =	vadd.f32 $-3.200000000e+02, v18;
	v22 =	vld [tilespmem:s19+$0x10]  }
0xa5: {  	v14 =	vadd.f32 $-3.200000000e+02, v19;
	v19 =	vadd.f32 $-3.200000000e+02, v21;
	v21 =	vsel vm4, v10, v4  }
0xa6: {  	v9 =	vadd.s32 v9, v15;
	v10 =	vadd.s32 @!p0 $0x2720, v10;
	v18 =	vmul.f32 $2.576051280e-03, v18  }
0xa7: {  	v14 =	vmul.f32 $2.576051280e-03, v14;
	v15 =	vmul.f32 $2.576051280e-03, v19;
	v19 =	vsel vm7, v9, v4;
	[tilespmem:s1+$0x0] =	vst v21  }
0xa8: {  	v10 =	vsel @!p0 vm1, v10, v7;
	vm1 =	vmand vm6, vm3;
	v23 =	vld [tilespmem:s19+$0xFFFFFFF0];
	[tilespmem:s1+$0xFFFFFFF0] =	vst v19  }
0xa9: {  	v17 =	vmul.f32 $4.500000000e+02, v17;
	v11 =	vsel vm1, v11, v4;
	v20 =	vmul.f32 $4.500000000e+02, v20;
	[tilespmem:v12+s21+$0x0] =	vst.idx.add.f32.msk @!p0 $0xffff, v8  }
0xaa: {  	vm0 =	vmand @!p0 vm0, vm2;
	v9 =	vadd.s32 @!p0 $0x2720, v9;
	vm1 =	vmand @!p0 vm5, vm3;
	[tilespmem:s1+$0x10] =	vst v11;
	s1 =	smov.u32 s24  }
0xab: {  	v12 =	vadd.f32 $5.000000000e+01, v17;
	v17 =	vadd.f32 $5.000000000e+01, v20;
	v20 =	vmul.f32 $4.500000000e+02, v22;
	[tilespmem:v21+s21+$0x0] =	vst.idx.add.f32.msk @!p0 $0xffff, v8  }
0xac: {  	v16 =	vmul.f32 $2.576051280e-03, v16;
	v9 =	vsel @!p0 vm0, v9, v7;
	v13 =	vsel @!p0 vm1, v13, v7;
	[tilespmem:v19+s21+$0x0] =	vst.idx.add.f32.msk @!p0 $0xffff, v8  }
0xad: {  	v21 =	vmul.f32 v17, v5;
	v20 =	vadd.f32 $5.000000000e+01, v20;
	v19 =	vmul.f32 v12, v5;
	[tilespmem:v10+s21+$0x0] =	vst.idx.add.f32.msk @!p0 $0xffff, v8  }
0xae: {  	v10 =	vmul.f32 $2.000000030e-01, v12;
	v22 =	vmul.f32 $4.500000000e+02, v23;
	[tilespmem:v11+s21+$0x0] =	vst.idx.add.f32.msk @!p0 $0xffff, v8  }
0xaf: {  	v15 =	vmul.f32 v17, v15;
	v16 =	vmul.f32 v20, v16;
	v11 =	vsub.f32 $1.280000000e+02, v19  }
0xb0: {  	v12 =	vmul.f32 v12, v18;
	v19 =	vmul.f32 $2.000000030e-01, v20;
	v18 =	vadd.f32 $5.000000000e+01, v22  }
0xb1: {  	v15 =	vmul.f32 $2.000000030e-01, v15;
	v21 =	vsub.f32 $1.280000000e+02, v21;
	v22 =	vtrunc.f32 v10;
	[tilespmem:v9+s21+$0x0] =	vst.idx.add.f32.msk @!p0 $0xffff, v8  }
0xb2: {  	v9 =	vmul.f32 $2.000000030e-01, v12;
	v12 =	vmul.f32 $2.000000030e-01, v16;
	[tilespmem:v13+s21+$0x0] =	vst.idx.add.f32.msk @!p0 $0xffff, v8;
	v8 =	vmov v6;
	s21 =	smov.u32 s5  }
0xb3: {  	v11 =	vmul.f32 $2.000000030e-01, v11;
	v13 =	vmul.f32 v18, v14;
	v14 =	vadd.f32 $5.000000000e+01, v15  }
0xb4: {  	v16 =	vmul.f32 v20, v5;
	v15 =	vmul.f32 v18, v5;
	v9 =	vadd.f32 $5.000000000e+01, v9  }
0xb5: {  	v20 =	vmul.f32 $2.000000030e-01, v21;
	vm0 =	vge.f32 v11, $5.000000000e+00;
	v13 =	vmul.f32 $2.000000030e-01, v13  }
0xb6: {  	vm2 =	vlt.f32 v11, $2.500000000e+01;
	vm1 =	vlt.f32 @!p0 v11, $8.000000000e+01;
	v12 =	vadd.f32 $5.000000000e+01, v12  }
0xb7: {  	vm3 =	vmand vm0, vm2;
	vm4 =	vge.f32 v14, $0.0e+00;
	v21 =	vtrunc.f32 v9  }
0xb8: {  	v18 =	vmul.f32 $2.000000030e-01, v18;
	vm0 =	vlt.f32 v9, $1.000000000e+02;
	v23 =	vtrunc.f32 v12  }
0xb9: {  	vm7 =	vge.f32 @!p0 v11, $0.0e+00;
	vm2 =	vlt.f32 v10, $1.000000000e+02;
	v10 =	vcvt.f32.s32 v23  }
0xba: {  	vm5 =	vlt.f32 v14, $1.000000000e+02;
	vm8 =	vge.f32 v9, $0.0e+00;
	vm2 =	vmand vm0, vm2  }
0xbb: {  	v9 =	vtrunc.f32 v18;
	vm9 =	vlt.f32 v12, $1.000000000e+02;
	vm0 =	vlt.f32 v18, $1.000000000e+02  }
0xbc: {  	vm10 =	vlt.f32 v19, $1.000000000e+02;
	v9 =	vcvt.f32.s32 v9;
	v18 =	vtrunc.f32 v19  }
0xbd: {  	v11 =	vsub.f32 $1.280000000e+02, v16;
	v15 =	vsub.f32 $1.280000000e+02, v15;
	vm6 =	vge.f32 v12, $0.0e+00  }
0xbe: {  	v12 =	vcvt.f32.s32 v22;
	vm12 =	vmand vm9, vm10  }
0xbf: {  	vm10 =	vge.f32 @!p0 v20, $0.0e+00;
	vm9 =	vmand vm2, vm8  }
0xc0: {  	v17 =	vmul.f32 $2.000000030e-01, v17;
	v16 =	vadd.f32 $5.000000000e+01, v13;
	v19 =	vmul.f32 $2.000000030e-01, v11  }
0xc1: {  	v13 =	vtrunc.f32 v14;
	vm8 =	vge.f32 v20, $5.000000000e+00;
	v11 =	vmul.u32 $0x64, v10  }
0xc2: {  	vm11 =	vlt.f32 v20, $2.500000000e+01;
	v22 =	vtrunc.f32 v16;
	v10 =	vcvt.f32.s32 v13  }
0xc3: {  	v13 =	vcvt.f32.s32 v21;
	vm2 =	vge.f32 v16, $0.0e+00;
	vm11 =	vmand vm8, vm11  }
0xc4: {  	v21 =	vmul.f32 $2.000000030e-01, v15;
	vm8 =	vlt.f32 v17, $1.000000000e+02;
	v10 =	vmul.u32 $0x64, v10  }
0xc5: {  	vm14 =	vlt.f32 @!p0 v20, $8.000000000e+01;
	vm13 =	vmand vm5, vm8;
	vm5 =	vge.f32 @!p0 v19, $0.0e+00  }
0xc6: {  	vm14 =	vmand @!p0 vm10, vm14;
	vm8 =	vge.f32 v21, $5.000000000e+00;
	vm13 =	vmand vm13, vm4  }
0xc7: {  	v13 =	vmul.u32 $0x64, v13;
	vm10 =	vlt.f32 v21, $2.500000000e+01;
	vm4 =	vmand vm11, vm13  }
0xc8: {  	vm15 =	vmand @!p0 vm7, vm1;
	vm7 =	vge.f32 @!p0 v21, $0.0e+00;
	vm1 =	vmand @!p0 vm14, vm13  }
.Ltmp4:
0xc9: {  	vm3 =	vmand vm3, vm9;
	vm14 =	vge.f32 v19, $5.000000000e+00;
	v12 =	vadd.s32 v12, v13;
	(pc) =	sbr.rel @p3 .LBB2_8-.Ltmp4, $4  }
0xca: {  	vm11 =	vlt.f32 @!p0 v19, $8.000000000e+01;
	v13 =	vsel vm3, v12, v4;
	v12 =	vadd.s32 @!p0 $0x2720, v12  }
0xcb: {  	v14 =	vtrunc.f32 v17;
	vm9 =	vmand @!p0 vm15, vm9;
	vm15 =	vlt.f32 v19, $2.500000000e+01;
	[tilespmem:s24+$0xFFFFFFE0] =	vst v13  }
0xcc: {  	vm13 =	vlt.f32 v16, $1.000000000e+02;
	v16 =	vcvt.f32.s32 v18;
	vm3 =	vmand vm12, vm6  }
0xcd: {  	s23 =	sadd.s32 $0x40, s23;
	s19 =	sadd.s32 $0x40, s19;
	v15 =	vcvt.f32.s32 v22;
	vm12 =	vlt.f32 @!p0 v21, $8.000000000e+01;
	vm6 =	vmand vm14, vm15;
	s24 =	sadd.s32 $0x40, s24  }
0xce: {  	_ = 	snop  }
0xcf: {  	vm8 =	vmand vm8, vm10;
	v5 =	vcvt.f32.s32 v14  }
0xd0: {  	vm0 =	vmand vm13, vm0;
	v12 =	vsel @!p0 vm9, v12, v7;
	v6 =	vmul.u32 $0x64, v15  }
0xd1: {  	v11 =	vadd.s32 v16, v11;
	vm0 =	vmand vm0, vm2;
	v5 =	vadd.s32 v5, v10  }
0xd2: {  	[tilespmem:v13+s21+$0x0] =	vst.idx.add.f32.msk @!p0 $0xffff, v8;
	vm2 =	vmand vm8, vm0;
	v10 =	vsel vm4, v5, v4;
	v6 =	vadd.s32 v9, v6  }
0xd3: {  	vm15 =	vmand vm6, vm3;
	v5 =	vadd.s32 @!p0 $0x2720, v5;
	v9 =	vsel vm2, v6, v4;
	[tilespmem:s1+$0x0] =	vst v10  }
0xd4: {  	vm4 =	vmand @!p0 vm5, vm11;
	vm2 =	vmand @!p0 vm7, vm12;
	v5 =	vsel @!p0 vm1, v5, v7;
	[tilespmem:s1+$0xFFFFFFF0] =	vst v9  }
0xd5: {  	v6 =	vadd.s32 @!p0 $0x2720, v6;
	[tilespmem:v12+s21+$0x0] =	vst.idx.add.f32.msk @!p0 $0xffff, v8;
	v12 =	vsel vm15, v11, v4;
	vm0 =	vmand @!p0 vm2, vm0  }
0xd6: {  	s20 =	sadd.s32 $0x1, s20;
	vm1 =	vmand @!p0 vm4, vm3;
	v11 =	vadd.s32 @!p0 $0x2720, v11;
	[tilespmem:s1+$0x10] =	vst v12;
	v6 =	vsel @!p0 vm0, v6, v7  }
0xd7: {  	p3 =	sne.s32 s20, $0x4;
	v7 =	vsel @!p0 vm1, v11, v7;
	[tilespmem:v10+s21+$0x0] =	vst.idx.add.f32.msk @!p0 $0xffff, v8  }
.Ltmp5:
0xd8: {  	[tilespmem:v9+s21+$0x0] =	vst.idx.add.f32.msk @!p0 $0xffff, v8;
	(pc) =	sbr.rel @p3 .LBB2_7-.Ltmp5, $4  }
0xd9: {  	[tilespmem:v5+s21+$0x0] =	vst.idx.add.f32.msk @!p0 $0xffff, v8  }
0xda: {  	[tilespmem:v12+s21+$0x0] =	vst.idx.add.f32.msk @!p0 $0xffff, v8  }
0xdb: {  	[tilespmem:v6+s21+$0x0] =	vst.idx.add.f32.msk @!p0 $0xffff, v8  }
0xdc: {  	s4 =	sadd.s32 $0x280, s4;
	s8 =	sadd.s32 $0x280, s8;
	[tilespmem:v7+s21+$0x0] =	vst.idx.add.f32.msk @!p0 $0xffff, v8  }
0xdd: {  	s1 =	simm.s32 $0xFFFFFFFE  }
0xde: {  	s1 =	smul.u32 $0xCD, s1;
	_ =	sdelay $0x1  }
0xdf: {  	s5 =	simm.s32 $0x2;
	s4 =	sadd.s32 $0x267, s1  }
0xe0: {  	_ =	swait.ge [sflag:s5], $0x1400;
	s4 =	sshrl.u32 s4, $0xD  }
0xe1: {  	[sflag:s5] =	ssyncset.done $0x0;
	s1 =	sadd.s32 $0x19A, s1;
	s4 =	sand.u32 $0x7, s4  }
0xe2: {  	[sflag:s5] =	ssyncadd.s32 $0xFFFFEC00;
	s1 =	sshrl.u32 s1, $0xD;
	s4 =	smul.u32 $0x28, s4  }
0xe3: {  	s7 =	simm.s32 $0x1EB50;
	_ =	swait.ge [sflag:s13], $0x1400;
	s1 =	sand.u32 $0x7, s1  }
0xe4: {  	[sflag:s13] =	ssyncset.done $0x0;
	s22 =	smul.u32 $0xA00, s1;
	s4 =	ssub.s32 $0xFFFFFFFE, s4  }
0xe5: {  	[sflag:s13] =	ssyncadd.s32 $0xFFFFEC00;
	s1 =	smul.u32 $0x28, s1;
	s4 =	sadd.s32 $0x3, s4  }
0xe6: {  	v5 =	vld [tilespmem:s7+$0x0];
	s5 =	sshrl.u32 s22, $0x2;
	s4 =	sand.u32 $0xFF, s4  }
0xe7: {  	s1 =	ssub.s32 $0x0, s1;
	s8 =	sadd.s32 $0x19B40, s5;
	s14 =	sshll.u32 s4, $0x4  }
0xe8: {  	v6 =	vld [tilespmem:s7+$0xFFFFFFF0];
	s1 =	sand.u32 $0xFF, s1;
	s4 =	sadd.s32 s14, s8  }
0xe9: {  	s16 =	sshll.u32 s1, $0x4;
	v7 =	vld [tilespmem:s4+$0x0]  }
0xea: {  	s1 =	sadd.s32 s16, s8  }
0xeb: {  	v8 =	vld [tilespmem:s1+$0x0]  }
0xec: {  	s23 =	simm.s32 $0x0  }
0xed: {  	s24 =	sadd.s32 $0x1A540, s5;
	s1 =	smul.u32 $0xCD, s23  }
0xee: {  	s8 =	sadd.s32 s14, s24;
	[tilespmem:v5+s28+$0x0] =	vst.idx.add.f32.msk $0xffff, v7  }
0xef: {  	s17 =	sadd.s32 $0x267, s1;
	v7 =	vld [tilespmem:s8+$0x0]  }
0xf0: {  	s4 =	sadd.s32 s16, s24;
	s18 =	sshrl.u32 s17, $0xD;
	[tilespmem:v6+s28+$0x0] =	vst.idx.add.f32.msk $0xffff, v8  }
0xf1: {  	s1 =	sadd.s32 $0x19A, s1;
	s7 =	sand.u32 $0x7, s18;
	v8 =	vld [tilespmem:s4+$0x0]  }
0xf2: {  	s1 =	sshrl.u32 s1, $0xD;
	s19 =	smul.u32 $0x28, s7  }
0xf3: {  	s20 =	sadd.s32 $0x1AF40, s5;
	s1 =	sand.u32 $0x7, s1  }
0xf4: {  	s17 =	sadd.s32 s14, s20;
	s21 =	smul.u32 $0xA00, s1;
	s4 =	ssub.s32 $0x0, s19;
	[tilespmem:v5+s2+$0x0] =	vst.idx.add.f32.msk $0xffff, v7  }
0xf5: {  	s18 =	smul.u32 $0x28, s1;
	s4 =	sadd.s32 $0x3, s4;
	v7 =	vld [tilespmem:s17+$0x0]  }
0xf6: {  	s7 =	simm.s32 $0x1EB70;
	s1 =	sshrl.u32 s21, $0x2;
	s4 =	sand.u32 $0xFF, s4;
	[tilespmem:v6+s2+$0x0] =	vst.idx.add.f32.msk $0xffff, v8  }
0xf7: {  	s22 =	sadd.s32 $0x19B40, s1;
	s4 =	sshll.u32 s4, $0x4;
	v8 =	vld [tilespmem:s7+$0x0]  }
0xf8: {  	v9 =	vld [tilespmem:s7+$0xFFFFFFF0];
	s19 =	sadd.s32 s4, s22  }
0xf9: {  	s23 =	sadd.s32 $0x1B940, s5;
	s18 =	ssub.s32 $0x2, s18;
	v12 =	vld [tilespmem:s19+$0x0]  }
0xfa: {  	s14 =	sadd.s32 s14, s23;
	s18 =	sand.u32 $0xFF, s18;
	[tilespmem:v5+s9+$0x0] =	vst.idx.add.f32.msk $0xffff, v7  }
0xfb: {  	s5 =	sshll.u32 s18, $0x4;
	v10 =	vld [tilespmem:s14+$0x0]  }
0xfc: {  	s17 =	sadd.s32 s5, s22  }
0xfd: {  	s24 =	sadd.s32 s16, s20;
	v13 =	vld [tilespmem:s17+$0x0]  }
0xfe: {  	s8 =	simm.s32 $0x2;
	v11 =	vld [tilespmem:s24+$0x0];
	v7 =	vmov v9;
	s14 =	sadd.s32 s16, s23  }
.LBB2_11:
0xff: {  	s16 =	smul.u32 $0xCD, s8;
	s17 =	sadd.s32 $0x1A540, s1;
	[tilespmem:v8+s28+$0x0] =	vst.idx.add.f32.msk $0xffff, v12;
	s18 =	smov.u32 s8  }
0x100: {  	s19 =	sadd.s32 s5, s17;
	s17 =	sadd.s32 s4, s17;
	[tilespmem:v5+s10+$0x0] =	vst.idx.add.f32.msk $0xffff, v10;
	v5 =	vmov v8  }
0x101: {  	s20 =	sadd.s32 $0x267, s16;
	v8 =	vld [tilespmem:s17+$0x0]  }
0x102: {  	s16 =	sadd.s32 $0x19A, s16;
	s17 =	sshrl.u32 s20, $0xD;
	[tilespmem:v9+s28+$0x0] =	vst.idx.add.f32.msk $0xffff, v13  }
0x103: {  	s16 =	sshrl.u32 s16, $0xD;
	s17 =	sand.u32 $0x7, s17;
	v9 =	vld [tilespmem:s19+$0x0]  }
0x104: {  	s16 =	sand.u32 $0x7, s16;
	s17 =	smul.u32 $0x28, s17;
	[tilespmem:v6+s9+$0x0] =	vst.idx.add.f32.msk $0xffff, v11  }
0x105: {  	s8 =	sadd.s32 $0x2, s8;
	s19 =	sadd.s32 $0x1AF40, s1;
	v14 =	vld [tilespmem:s14+$0x0];
	s14 =	smul.u32 $0xA00, s16  }
0x106: {  	s16 =	smul.u32 $0x28, s16;
	s17 =	ssub.s32 s18, s17;
	[tilespmem:v5+s2+$0x0] =	vst.idx.add.f32.msk $0xffff, v8;
	s18 =	sadd.s32 s4, s19  }
0x107: {  	s7 =	sadd.s32 $0x20, s7;
	s19 =	sadd.s32 s5, s19;
	s17 =	sadd.s32 $0x3, s17;
	v10 =	vld [tilespmem:s18+$0x0]  }
0x108: {  	s14 =	sshrl.u32 s14, $0x2;
	s16 =	ssub.s32 s8, s16;
	s17 =	sand.u32 $0xFF, s17;
	[tilespmem:v7+s2+$0x0] =	vst.idx.add.f32.msk $0xffff, v9  }
0x109: {  	s18 =	sadd.s32 $0x19B40, s14;
	s16 =	sand.u32 $0xFF, s16;
	s17 =	sshll.u32 s17, $0x4;
	v8 =	vld [tilespmem:s7+$0x0]  }
0x10a: {  	p3 =	slt.u32 s8, $0x9E;
	s16 =	sshll.u32 s16, $0x4;
	v9 =	vld [tilespmem:s7+$0xFFFFFFF0];
	s20 =	sadd.s32 s17, s18  }
0x10b: {  	s18 =	sadd.s32 s16, s18;
	v12 =	vld [tilespmem:s20+$0x0];
	s20 =	sadd.s32 $0x1B940, s1;
	s1 =	smov.u32 s14  }
.Ltmp6:
0x10c: {  	s14 =	sadd.s32 s5, s20;
	[tilespmem:v5+s9+$0x0] =	vst.idx.add.f32.msk $0xffff, v10;
	s4 =	sadd.s32 s4, s20;
	(pc) =	sbr.rel @p3 .LBB2_11-.Ltmp6, $4  }
0x10d: {  	s5 =	smov.u32 s16;
	v10 =	vld [tilespmem:s4+$0x0];
	s4 =	smov.u32 s17  }
0x10e: {  	v13 =	vld [tilespmem:s18+$0x0]  }
0x10f: {  	v11 =	vld [tilespmem:s19+$0x0]  }
0x110: {  	[tilespmem:v6+s10+$0x0] =	vst.idx.add.f32.msk $0xffff, v14;
	v6 =	vmov v7;
	v7 =	vmov v9  }
0x111: {  	_ =	sdelay $0x2  }
0x112: {  	s7 =	sadd.s32 $0x1A540, s1  }
0x113: {  	[tilespmem:v8+s28+$0x0] =	vst.idx.add.f32.msk $0xffff, v12;
	s8 =	sadd.s32 s4, s7  }
0x114: {  	v12 =	vld [tilespmem:s8+$0x0]  }
0x115: {  	s7 =	sadd.s32 s5, s7;
	[tilespmem:v9+s28+$0x0] =	vst.idx.add.f32.msk $0xffff, v13  }
0x116: {  	v9 =	vld [tilespmem:s7+$0x0];
	_ =	sdelay $0x1  }
0x117: {  	s23 =	sadd.s32 $0x1AF40, s1  }
0x118: {  	s24 =	sadd.s32 s4, s23;
	[tilespmem:v8+s2+$0x0] =	vst.idx.add.f32.msk $0xffff, v12  }
0x119: {  	v12 =	vld [tilespmem:s24+$0x0]  }
0x11a: {  	s7 =	sadd.s32 s5, s23;
	[tilespmem:v7+s2+$0x0] =	vst.idx.add.f32.msk $0xffff, v9  }
0x11b: {  	v9 =	vld [tilespmem:s7+$0x0]  }
0x11c: {  	[tilespmem:v6+s9+$0x0] =	vst.idx.add.f32.msk $0xffff, v11  }
0x11d: {  	v11 =	vld [tilespmem:s14+$0x0];
	s14 =	sadd.s32 $0x1B940, s1  }
0x11e: {  	s16 =	sadd.s32 s4, s14;
	[tilespmem:v8+s9+$0x0] =	vst.idx.add.f32.msk $0xffff, v12  }
0x11f: {  	v12 =	vld [tilespmem:s16+$0x0]  }
0x120: {  	s1 =	sadd.s32 s5, s14;
	[tilespmem:v7+s9+$0x0] =	vst.idx.add.f32.msk $0xffff, v9  }
0x121: {  	v9 =	vld [tilespmem:s1+$0x0]  }
0x122: {  	[tilespmem:v5+s10+$0x0] =	vst.idx.add.f32.msk $0xffff, v10  }
0x123: {  	s1 =	rddreg [dreg:$0x5]  }
0x124: {  	[tilespmem:v6+s10+$0x0] =	vst.idx.add.f32.msk $0xffff, v11;
	s1 =	sadd.s32 @!p2 s1, s12  }
0x125: {  	s4 =	simm.s32 @!p2 $0xA00;
	s1 =	sshrl.u32 @!p2 s1, $0x3;
	[tilespmem:v8+s10+$0x0] =	vst.idx.add.f32.msk $0xffff, v12  }
0x126: {  	s5 =	simm.s32 @!p2 $0x4B000;
	s7 =	simm.s32 @!p2 $0x19B40;
	s1 =	sadd.s32 @!p2 s6, s1;
	[tilespmem:v7+s10+$0x0] =	vst.idx.add.f32.msk $0xffff, v9  }
0x127: {  	[tilespmem:s7], [sflag:$0x2] =	stream.strided.gather @!p2 [hbm4b:s1+s4], $0x1400, s5, s4, $0x38;
	[tilespmem:$0x1F540] =	vst v63  }
0x128: {  	s17 =	simm.s32 $0xFFFFFFFE;
	s1 =	rddreg [dreg:$0x11]  }
0x129: {  	s7 =	smul.u32 $0xCD, s17;
	s1 =	sadd.s32 @!p2 s1, s12  }
0x12a: {  	s1 =	sshrl.u32 @!p2 s1, $0x3  }
0x12b: {  	s8 =	simm.s32 @!p2 $0x1AF40;
	s18 =	sadd.s32 $0x267, s7;
	s1 =	sadd.s32 @!p2 s6, s1  }
0x12c: {  	[tilespmem:s8], [sflag:$0x3] =	stream.strided.gather @!p2 [hbm4b:s1+s4], $0x1400, s5, s4, $0x38;
	[tilespmem:$0x1F540] =	vst v63  }
0x12d: {  	s1 =	sshrl.u32 s18, $0xD;
	_ =	swait.ge [sflag:s25], $0x1400  }
0x12e: {  	s19 =	sadd.s32 $0x19A, s7;
	s1 =	sand.u32 $0x7, s1;
	[sflag:s25] =	ssyncset.done $0x0  }
0x12f: {  	s4 =	sshrl.u32 s19, $0xD;
	s1 =	smul.u32 $0x28, s1;
	[sflag:s25] =	ssyncadd.s32 $0xFFFFEC00  }
0x130: {  	s21 =	simm.s32 $0x1EB50;
	s4 =	sand.u32 $0x7, s4;
	_ =	swait.ge [sflag:s26], $0x1400  }
0x131: {  	s20 =	smul.u32 $0xA00, s4;
	s1 =	ssub.s32 $0xFFFFFFFE, s1;
	[sflag:s26] =	ssyncset.done $0x0  }
0x132: {  	s4 =	smul.u32 $0x28, s4;
	s1 =	sadd.s32 $0x3, s1;
	[sflag:s26] =	ssyncadd.s32 $0xFFFFEC00  }
0x133: {  	s5 =	sshrl.u32 s20, $0x2;
	s1 =	sand.u32 $0xFF, s1;
	v5 =	vld [tilespmem:s21+$0x0]  }
0x134: {  	s4 =	ssub.s32 $0x0, s4;
	s22 =	sadd.s32 $0x1C340, s5;
	s12 =	sshll.u32 s1, $0x4  }
0x135: {  	s23 =	sand.u32 $0xFF, s4;
	v6 =	vld [tilespmem:s21+$0xFFFFFFF0];
	s24 =	sadd.s32 s12, s22  }
0x136: {  	s14 =	sshll.u32 s23, $0x4;
	v7 =	vld [tilespmem:s24+$0x0]  }
0x137: {  	s1 =	sadd.s32 s14, s22  }
0x138: {  	v8 =	vld [tilespmem:s1+$0x0]  }
0x139: {  	s7 =	simm.s32 $0x0  }
0x13a: {  	s8 =	sadd.s32 $0x1CD40, s5;
	s1 =	smul.u32 $0xCD, s7  }
0x13b: {  	s16 =	sadd.s32 s12, s8;
	[tilespmem:v5+s29+$0x0] =	vst.idx.add.f32.msk $0xffff, v7  }
0x13c: {  	s17 =	sadd.s32 $0x267, s1;
	v7 =	vld [tilespmem:s16+$0x0]  }
0x13d: {  	s4 =	sadd.s32 s14, s8;
	s18 =	sshrl.u32 s17, $0xD;
	[tilespmem:v6+s29+$0x0] =	vst.idx.add.f32.msk $0xffff, v8  }
0x13e: {  	s1 =	sadd.s32 $0x19A, s1;
	s7 =	sand.u32 $0x7, s18;
	v8 =	vld [tilespmem:s4+$0x0]  }
0x13f: {  	s1 =	sshrl.u32 s1, $0xD;
	s19 =	smul.u32 $0x28, s7  }
0x140: {  	s20 =	sadd.s32 $0x1D740, s5;
	s1 =	sand.u32 $0x7, s1  }
0x141: {  	s21 =	smul.u32 $0xA00, s1;
	s4 =	ssub.s32 $0x0, s19;
	s16 =	sadd.s32 s12, s20;
	[tilespmem:v5+s30+$0x0] =	vst.idx.add.f32.msk $0xffff, v7  }
0x142: {  	s17 =	smul.u32 $0x28, s1;
	s4 =	sadd.s32 $0x3, s4;
	v7 =	vld [tilespmem:s16+$0x0]  }
0x143: {  	s7 =	simm.s32 $0x1EB70;
	s1 =	sshrl.u32 s21, $0x2;
	s4 =	sand.u32 $0xFF, s4;
	[tilespmem:v6+s30+$0x0] =	vst.idx.add.f32.msk $0xffff, v8  }
0x144: {  	s22 =	sadd.s32 $0x1C340, s1;
	s4 =	sshll.u32 s4, $0x4;
	v8 =	vld [tilespmem:s7+$0x0]  }
0x145: {  	v9 =	vld [tilespmem:s7+$0xFFFFFFF0];
	s18 =	sadd.s32 s4, s22  }
0x146: {  	s23 =	sadd.s32 $0x1E140, s5;
	s17 =	ssub.s32 $0x2, s17;
	v12 =	vld [tilespmem:s18+$0x0]  }
0x147: {  	s17 =	sand.u32 $0xFF, s17;
	s12 =	sadd.s32 s12, s23;
	[tilespmem:v5+s31+$0x0] =	vst.idx.add.f32.msk $0xffff, v7  }
0x148: {  	s5 =	sshll.u32 s17, $0x4;
	v10 =	vld [tilespmem:s12+$0x0]  }
0x149: {  	s16 =	sadd.s32 s5, s22  }
0x14a: {  	s24 =	sadd.s32 s14, s20;
	v13 =	vld [tilespmem:s16+$0x0]  }
0x14b: {  	s8 =	simm.s32 $0x2;
	v11 =	vld [tilespmem:s24+$0x0];
	v7 =	vmov v9;
	s12 =	sadd.s32 s14, s23  }
.LBB2_13:
0x14c: {  	s14 =	smul.u32 $0xCD, s8;
	s16 =	sadd.s32 $0x1CD40, s1;
	[tilespmem:v8+s29+$0x0] =	vst.idx.add.f32.msk $0xffff, v12;
	s17 =	smov.u32 s8  }
0x14d: {  	s18 =	sadd.s32 s5, s16;
	s16 =	sadd.s32 s4, s16;
	[tilespmem:v5+s0+$0x0] =	vst.idx.add.f32.msk $0xffff, v10;
	v5 =	vmov v8  }
0x14e: {  	s19 =	sadd.s32 $0x267, s14;
	v8 =	vld [tilespmem:s16+$0x0]  }
0x14f: {  	s14 =	sadd.s32 $0x19A, s14;
	s16 =	sshrl.u32 s19, $0xD;
	[tilespmem:v9+s29+$0x0] =	vst.idx.add.f32.msk $0xffff, v13  }
0x150: {  	s14 =	sshrl.u32 s14, $0xD;
	s16 =	sand.u32 $0x7, s16;
	v9 =	vld [tilespmem:s18+$0x0]  }
0x151: {  	s14 =	sand.u32 $0x7, s14;
	s16 =	smul.u32 $0x28, s16;
	[tilespmem:v6+s31+$0x0] =	vst.idx.add.f32.msk $0xffff, v11  }
0x152: {  	s8 =	sadd.s32 $0x2, s8;
	s18 =	sadd.s32 $0x1D740, s1;
	v14 =	vld [tilespmem:s12+$0x0];
	s12 =	smul.u32 $0xA00, s14  }
0x153: {  	s14 =	smul.u32 $0x28, s14;
	s16 =	ssub.s32 s17, s16;
	[tilespmem:v5+s30+$0x0] =	vst.idx.add.f32.msk $0xffff, v8;
	s17 =	sadd.s32 s4, s18  }
0x154: {  	s7 =	sadd.s32 $0x20, s7;
	s18 =	sadd.s32 s5, s18;
	s16 =	sadd.s32 $0x3, s16;
	v10 =	vld [tilespmem:s17+$0x0]  }
0x155: {  	s12 =	sshrl.u32 s12, $0x2;
	s14 =	ssub.s32 s8, s14;
	s16 =	sand.u32 $0xFF, s16;
	[tilespmem:v7+s30+$0x0] =	vst.idx.add.f32.msk $0xffff, v9  }
0x156: {  	s17 =	sadd.s32 $0x1C340, s12;
	s14 =	sand.u32 $0xFF, s14;
	s16 =	sshll.u32 s16, $0x4;
	v8 =	vld [tilespmem:s7+$0x0]  }
0x157: {  	p3 =	slt.u32 s8, $0x9E;
	s14 =	sshll.u32 s14, $0x4;
	v9 =	vld [tilespmem:s7+$0xFFFFFFF0];
	s19 =	sadd.s32 s16, s17  }
0x158: {  	s17 =	sadd.s32 s14, s17;
	v12 =	vld [tilespmem:s19+$0x0];
	s19 =	sadd.s32 $0x1E140, s1;
	s1 =	smov.u32 s12  }
.Ltmp7:
0x159: {  	s12 =	sadd.s32 s5, s19;
	[tilespmem:v5+s31+$0x0] =	vst.idx.add.f32.msk $0xffff, v10;
	s4 =	sadd.s32 s4, s19;
	(pc) =	sbr.rel @p3 .LBB2_13-.Ltmp7, $4  }
0x15a: {  	s5 =	smov.u32 s14;
	v10 =	vld [tilespmem:s4+$0x0];
	s4 =	smov.u32 s16  }
0x15b: {  	v13 =	vld [tilespmem:s17+$0x0]  }
0x15c: {  	v11 =	vld [tilespmem:s18+$0x0]  }
0x15d: {  	[tilespmem:v6+s0+$0x0] =	vst.idx.add.f32.msk $0xffff, v14;
	v6 =	vmov v7;
	v7 =	vmov v9  }
0x15e: {  	_ =	sdelay $0x2  }
0x15f: {  	s7 =	sadd.s32 $0x1CD40, s1  }
0x160: {  	[tilespmem:v8+s29+$0x0] =	vst.idx.add.f32.msk $0xffff, v12;
	s8 =	sadd.s32 s4, s7  }
0x161: {  	v12 =	vld [tilespmem:s8+$0x0]  }
0x162: {  	s7 =	sadd.s32 s5, s7;
	[tilespmem:v9+s29+$0x0] =	vst.idx.add.f32.msk $0xffff, v13  }
0x163: {  	v9 =	vld [tilespmem:s7+$0x0];
	_ =	sdelay $0x1  }
0x164: {  	s21 =	sadd.s32 $0x1D740, s1  }
0x165: {  	s22 =	sadd.s32 s4, s21;
	[tilespmem:v8+s30+$0x0] =	vst.idx.add.f32.msk $0xffff, v12  }
0x166: {  	v12 =	vld [tilespmem:s22+$0x0]  }
0x167: {  	s7 =	sadd.s32 s5, s21;
	[tilespmem:v7+s30+$0x0] =	vst.idx.add.f32.msk $0xffff, v9  }
0x168: {  	v9 =	vld [tilespmem:s7+$0x0]  }
0x169: {  	[tilespmem:v6+s31+$0x0] =	vst.idx.add.f32.msk $0xffff, v11  }
0x16a: {  	s23 =	sadd.s32 $0x1E140, s1;
	v11 =	vld [tilespmem:s12+$0x0]  }
0x16b: {  	s24 =	sadd.s32 s4, s23;
	[tilespmem:v8+s31+$0x0] =	vst.idx.add.f32.msk $0xffff, v12  }
0x16c: {  	v12 =	vld [tilespmem:s24+$0x0]  }
0x16d: {  	s1 =	sadd.s32 s5, s23;
	[tilespmem:v7+s31+$0x0] =	vst.idx.add.f32.msk $0xffff, v9  }
0x16e: {  	v9 =	vld [tilespmem:s1+$0x0]  }
.Ltmp8:
0x16f: {  	_ = 	snop;
	(pc) =	sbr.rel @p2 .LBB2_16-.Ltmp8, $4  }
0x170: {  	[tilespmem:v5+s0+$0x0] =	vst.idx.add.f32.msk $0xffff, v10  }
0x171: {  	[tilespmem:v6+s0+$0x0] =	vst.idx.add.f32.msk $0xffff, v11  }
0x172: {  	[tilespmem:v8+s0+$0x0] =	vst.idx.add.f32.msk $0xffff, v12  }
0x173: {  	[tilespmem:v7+s0+$0x0] =	vst.idx.add.f32.msk $0xffff, v9  }
0x174: {  	s1 =	sshll.u32 s11, $0x2  }
0x175: {  	s1 =	sadd.s32 s3, s1  }
0x176: {  	s4 =	rddreg [dreg:$0x15];
	s1 =	smul.u32 $0x280, s1  }
.Ltmp9:
0x177: {  	s24 =	rddreg [dreg:$0x16];
	(pc) =	sbr.rel .LBB2_6-.Ltmp9, $4  }
0x178: {  	s5 =	simm.s32 $0xA00;
	s4 =	sadd.s32 s4, s1;
	s1 =	sadd.s32 s24, s1  }
0x179: {  	s8 =	simm.s32 $0x4B000;
	s4 =	sshrl.u32 s4, $0x3;
	s1 =	sshrl.u32 s1, $0x3  }
0x17a: {  	s7 =	simm.s32 $0x1C340;
	s4 =	sadd.s32 s6, s4;
	s1 =	sadd.s32 s6, s1  }
0x17b: {  	[tilespmem:s7], [sflag:$0x4] =	stream.strided.gather [hbm4b:s4+s5], $0x1400, s8, s5, $0x38;
	[tilespmem:$0x1F540] =	vst v63  }
.LBB2_16:
0x17c: {  	s4 =	rddreg [dreg:$0x6]  }
0x17d: {  	s1 =	simm.s32 $0x0;
	s14 =	rddreg [dreg:$0x1e]  }
0x17e: {  	[hbm4b:s4+s1] =	stream.linear.scatter [tilespmem:s1], [sflag:$0x1], $0x61D0, $0x38;
	[tilespmem:$0x1F540] =	vst v63  }
0x17f: {  	s5 =	simm.s32 $0x61D0;
	s16 =	rddreg [dreg:$0x1f]  }
0x180: {  	[hbm4b:s14+s1] =	stream.linear.scatter [tilespmem:s5], [sflag:$0x1], $0x61D0, $0x38;
	[tilespmem:$0x1F540] =	vst v63  }
0x181: {  	s17 =	simm.s32 $0xC3A0;
	s18 =	sld [smem:$0x7FB]  }
0x182: {  	[hbm4b:s16+s1] =	stream.linear.scatter [tilespmem:s17], [sflag:$0x1], $0x61D0, $0x38;
	[tilespmem:$0x1F540] =	vst v63  }
0x183: {  	s19 =	simm.s32 $0x12570  }
0x184: {  	[hbm4b:s18+s1] =	stream.linear.scatter [tilespmem:s19], [sflag:$0x1], $0x61D0, $0x38;
	[tilespmem:$0x1F540] =	vst v63  }
0x185: {  	_ =	swait.ge [sflag:s15], $0x61D0  }
0x186: {  	[sflag:s15] =	ssyncset.done $0x0  }
0x187: {  	[sflag:s15] =	ssyncadd.s32 $0xFFFF9E30  }
0x188: {  	_ =	swait.ge [sflag:s15], $0x61D0  }
0x189: {  	[sflag:s15] =	ssyncset.done $0x0  }
0x18a: {  	[sflag:s15] =	ssyncadd.s32 $0xFFFF9E30  }
0x18b: {  	_ =	swait.ge [sflag:s15], $0x61D0  }
0x18c: {  	[sflag:s15] =	ssyncset.done $0x0  }
0x18d: {  	[sflag:s15] =	ssyncadd.s32 $0xFFFF9E30  }
0x18e: {  	_ =	swait.ge [sflag:s15], $0x61D0  }
0x18f: {  	[sflag:s15] =	ssyncset.done $0x0  }
0x190: {  	[sflag:s15] =	ssyncadd.s32 $0xFFFF9E30  }
0x191: {  	[bflag:$0x0] =	sbarrier.arrive $0xFFFF  }
0x192: {  	s20 =	rddreg [dreg:$0x7]  }
0x193: {  	[tilespmem:s1], [sflag:$0x2] =	stream.linear.gather [hbm4b:s20+s1], $0x2710, $0x38;
	[tilespmem:$0x1F540] =	vst v63  }
0x194: {  	s7 =	simm.s32 $0x2710;
	s21 =	rddreg [dreg:$0x8]  }
0x195: {  	[tilespmem:s7], [sflag:$0x3] =	stream.linear.gather [hbm4b:s21+s1], $0x2710, $0x38;
	[tilespmem:$0x1F540] =	vst v63  }
0x196: {  	s11 =	simm.s32 $0x4E20;
	s22 =	rddreg [dreg:$0x9]  }
0x197: {  	[tilespmem:s11], [sflag:$0x4] =	stream.linear.gather [hbm4b:s22+s1], $0x2710, $0x38;
	[tilespmem:$0x1F540] =	vst v63  }
0x198: {  	s12 =	simm.s32 $0x7530;
	s24 =	simm.s32 $0x2;
	s23 =	rddreg [dreg:$0xa]  }
0x199: {  	[tilespmem:s12], [sflag:$0x5] =	stream.linear.gather [hbm4b:s23+s1], $0x2710, $0x38;
	[tilespmem:$0x1F540] =	vst v63  }
0x19a: {  	_ =	swait.ge [sflag:s24], $0x2710  }
0x19b: {  	[sflag:s24] =	ssyncset.done $0x0  }
0x19c: {  	[sflag:s24] =	ssyncadd.s32 $0xFFFFD8F0  }
0x19d: {  	_ =	swait.ge [sflag:s13], $0x2710  }
0x19e: {  	[sflag:s13] =	ssyncset.done $0x0  }
0x19f: {  	[sflag:s13] =	ssyncadd.s32 $0xFFFFD8F0  }
0x1a0: {  	_ =	swait.ge [sflag:s25], $0x2710  }
0x1a1: {  	[sflag:s25] =	ssyncset.done $0x0  }
0x1a2: {  	[sflag:s25] =	ssyncadd.s32 $0xFFFFD8F0  }
0x1a3: {  	_ =	swait.ge [sflag:s26], $0x2710  }
0x1a4: {  	[sflag:s26] =	ssyncset.done $0x0  }
0x1a5: {  	[sflag:s26] =	ssyncadd.s32 $0xFFFFD8F0  }
0x1a6: {  	v5 =	vld [tilespmem:s1+$0x30]  }
0x1a7: {  	v6 =	vld [tilespmem:s1+$0x2740]  }
0x1a8: {  	v10 =	vld [tilespmem:s1+$0x2710]  }
0x1a9: {  	v7 =	vld [tilespmem:s1+$0x4E50]  }
0x1aa: {  	v9 =	vld [tilespmem:s1+$0x10]  }
0x1ab: {  	v8 =	vld [tilespmem:s1+$0x7560]  }
0x1ac: {  	v11 =	vld [tilespmem:s1+$0x2720];
	v5 =	vadd.f32 v6, v5  }
0x1ad: {  	v12 =	vld [tilespmem:s1+$0x20]  }
0x1ae: {  	v13 =	vld [tilespmem:s1+$0x2730];
	v6 =	vadd.f32 v7, v5  }
0x1af: {  	v14 =	vld [tilespmem:s1+$0x0]  }
0x1b0: {  	v5 =	vld [tilespmem:s1+$0x4E20];
	v7 =	vadd.f32 v8, v6  }
0x1b1: {  	v8 =	vld [tilespmem:s1+$0x4E30]  }
0x1b2: {  	v6 =	vld [tilespmem:s1+$0x4E40];
	v15 =	vmul.f32 v7, v0  }
0x1b3: {  	v11 =	vadd.f32 v11, v9;
	v7 =	vld [tilespmem:s1+$0x7530]  }
0x1b4: {  	s8 =	simm.s32 $0x4B000;
	s4 =	simm.s32 $0x0;
	v9 =	vld [tilespmem:s1+$0x7540];
	v12 =	vadd.f32 v13, v12;
	v13 =	vadd.f32 v10, v14;
	v15 =	vmin.f32 v15, $1.000000000e+00  }
0x1b5: {  	s5 =	simm.s32 $0x40;
	s14 =	simm.s32 $0x9C40;
	s16 =	simm.s32 $0x6;
	v10 =	vld [tilespmem:s1+$0x7550];
	[tilespmem:s1+$0x9C70] =	vst v15  }
.LBB2_17:
0x1b6: {  	v14 =	vld [tilespmem:s5+$0x30];
	v5 =	vadd.f32 v5, v13;
	v8 =	vadd.f32 v8, v11  }
0x1b7: {  	s4 =	sadd.s32 $0x4, s4;
	v11 =	vld [tilespmem:s5+$0x2740];
	v6 =	vadd.f32 v6, v12  }
0x1b8: {  	p2 =	slt.u32 s4, $0x26C;
	v13 =	vld [tilespmem:s5+$0x2710];
	v5 =	vadd.f32 v7, v5  }
0x1b9: {  	v7 =	vld [tilespmem:s5+$0x4E50];
	v8 =	vadd.f32 v9, v8  }
0x1ba: {  	v9 =	vld [tilespmem:s5+$0x10];
	v5 =	vmul.f32 v5, v0;
	v6 =	vadd.f32 v10, v6  }
0x1bb: {  	v10 =	vld [tilespmem:s5+$0x7560];
	v8 =	vmul.f32 v8, v0  }
0x1bc: {  	v12 =	vld [tilespmem:s5+$0x2720];
	v11 =	vadd.f32 v11, v14;
	v5 =	vmin.f32 v5, $1.000000000e+00;
	v6 =	vmul.f32 v6, v0  }
0x1bd: {  	v14 =	vld [tilespmem:s5+$0x20];
	[tilespmem:s1+$0x9C40] =	vst v5;
	v5 =	vmin.f32 v8, $1.000000000e+00  }
0x1be: {  	v15 =	vld [tilespmem:s5+$0x2730];
	v7 =	vadd.f32 v7, v11;
	[tilespmem:s1+$0x9C50] =	vst v5;
	v5 =	vmin.f32 v6, $1.000000000e+00  }
0x1bf: {  	v16 =	vld [tilespmem:s5+$0x0];
	[tilespmem:s1+$0x9C60] =	vst v5;
	s1 =	smov.u32 s5  }
0x1c0: {  	v5 =	vld [tilespmem:s5+$0x4E20];
	v7 =	vadd.f32 v10, v7  }
.Ltmp10:
0x1c1: {  	v11 =	vadd.f32 v12, v9;
	v8 =	vld [tilespmem:s5+$0x4E30];
	(pc) =	sbr.rel @p2 .LBB2_17-.Ltmp10, $4  }
0x1c2: {  	v6 =	vld [tilespmem:s5+$0x4E40];
	v10 =	vmul.f32 v7, v0  }
0x1c3: {  	v7 =	vld [tilespmem:s5+$0x7530];
	v12 =	vadd.f32 v15, v14  }
0x1c4: {  	v13 =	vadd.f32 v13, v16;
	v9 =	vld [tilespmem:s5+$0x7540];
	v14 =	vmin.f32 v10, $1.000000000e+00  }
0x1c5: {  	s5 =	sadd.s32 $0x40, s5;
	v10 =	vld [tilespmem:s1+$0x7550];
	[tilespmem:s1+$0x9C70] =	vst v14  }
0x1c6: {  	v5 =	vadd.f32 v5, v13  }
0x1c7: {  	v8 =	vadd.f32 v8, v11  }
0x1c8: {  	v6 =	vadd.f32 v6, v12;
	v5 =	vadd.f32 v7, v5  }
0x1c9: {  	v7 =	vadd.f32 v9, v8  }
0x1ca: {  	v5 =	vmul.f32 v5, v0;
	v6 =	vadd.f32 v10, v6  }
0x1cb: {  	v7 =	vmul.f32 v7, v0  }
0x1cc: {  	v5 =	vmin.f32 v5, $1.000000000e+00;
	v6 =	vmul.f32 v6, v0  }
0x1cd: {  	[tilespmem:s1+$0x9C40] =	vst v5;
	v5 =	vmin.f32 v7, $1.000000000e+00  }
0x1ce: {  	[tilespmem:s1+$0x9C50] =	vst v5;
	v5 =	vmin.f32 v6, $1.000000000e+00  }
0x1cf: {  	[tilespmem:s1+$0x9C60] =	vst v5  }
0x1d0: {  	v5 =	vld [tilespmem:$0x2700]  }
0x1d1: {  	v6 =	vld [tilespmem:$0x4E10];
	_ =	sdelay $0x1  }
0x1d2: {  	v7 =	vld [tilespmem:$0x7520];
	_ =	sdelay $0x1  }
0x1d3: {  	v8 =	vld [tilespmem:$0x9C30]  }
0x1d4: {  	v5 =	vadd.f32 v6, v5;
	_ =	sdelay $0x1  }
0x1d5: {  	v5 =	vadd.f32 v7, v5;
	_ =	sdelay $0x1  }
0x1d6: {  	v5 =	vadd.f32 v8, v5;
	_ =	sdelay $0x1  }
0x1d7: {  	v5 =	vmul.f32 v5, v0;
	_ =	sdelay $0x1  }
0x1d8: {  	v5 =	vmin.f32 v5, $1.000000000e+00  }
0x1d9: {  	s1 =	simm.s32 $0x0;
	s4 =	rddreg [dreg:$0xb];
	[tilespmem:$0xC340] =	vst v5  }
0x1da: {  	[hbm4b:s4+s1] =	stream.linear.scatter [tilespmem:s14], [sflag:$0x6], $0x2710, $0x38;
	[tilespmem:$0x1F540] =	vst v63  }
0x1db: {  	_ =	swait.ge [sflag:s16], $0x2710  }
0x1dc: {  	[sflag:s16] =	ssyncset.done $0x0  }
0x1dd: {  	s20 =	rddreg [dreg:$0xc];
	[sflag:s16] =	ssyncadd.s32 $0xFFFFD8F0  }
0x1de: {  	[tilespmem:s1], [sflag:$0x2] =	stream.linear.gather [hbm4b:s20+s1], $0x2710, $0x38;
	[tilespmem:$0x1F540] =	vst v63  }
0x1df: {  	s21 =	rddreg [dreg:$0xe]  }
0x1e0: {  	[tilespmem:s7], [sflag:$0x3] =	stream.linear.gather [hbm4b:s21+s1], $0x2710, $0x38;
	[tilespmem:$0x1F540] =	vst v63  }
0x1e1: {  	s22 =	rddreg [dreg:$0xf]  }
0x1e2: {  	[tilespmem:s11], [sflag:$0x4] =	stream.linear.gather [hbm4b:s22+s1], $0x2710, $0x38;
	[tilespmem:$0x1F540] =	vst v63  }
0x1e3: {  	s24 =	simm.s32 $0x2;
	s23 =	rddreg [dreg:$0x10]  }
0x1e4: {  	[tilespmem:s12], [sflag:$0x5] =	stream.linear.gather [hbm4b:s23+s1], $0x2710, $0x38;
	[tilespmem:$0x1F540] =	vst v63  }
0x1e5: {  	_ =	swait.ge [sflag:s24], $0x2710  }
0x1e6: {  	[sflag:s24] =	ssyncset.done $0x0  }
0x1e7: {  	[sflag:s24] =	ssyncadd.s32 $0xFFFFD8F0  }
0x1e8: {  	_ =	swait.ge [sflag:s13], $0x2710  }
0x1e9: {  	[sflag:s13] =	ssyncset.done $0x0  }
0x1ea: {  	[sflag:s13] =	ssyncadd.s32 $0xFFFFD8F0  }
0x1eb: {  	_ =	swait.ge [sflag:s25], $0x2710  }
0x1ec: {  	[sflag:s25] =	ssyncset.done $0x0  }
0x1ed: {  	[sflag:s25] =	ssyncadd.s32 $0xFFFFD8F0  }
0x1ee: {  	_ =	swait.ge [sflag:s26], $0x2710  }
0x1ef: {  	[sflag:s26] =	ssyncset.done $0x0  }
0x1f0: {  	[sflag:s26] =	ssyncadd.s32 $0xFFFFD8F0  }
0x1f1: {  	v5 =	vld [tilespmem:s1+$0x30]  }
0x1f2: {  	v6 =	vld [tilespmem:s1+$0x2740]  }
0x1f3: {  	v10 =	vld [tilespmem:s1+$0x2710]  }
0x1f4: {  	v7 =	vld [tilespmem:s1+$0x4E50]  }
0x1f5: {  	v9 =	vld [tilespmem:s1+$0x10]  }
0x1f6: {  	v8 =	vld [tilespmem:s1+$0x7560]  }
0x1f7: {  	v11 =	vld [tilespmem:s1+$0x2720];
	v5 =	vadd.f32 v6, v5  }
0x1f8: {  	v12 =	vld [tilespmem:s1+$0x20]  }
0x1f9: {  	v13 =	vld [tilespmem:s1+$0x2730];
	v6 =	vadd.f32 v7, v5  }
0x1fa: {  	v14 =	vld [tilespmem:s1+$0x0]  }
0x1fb: {  	v5 =	vld [tilespmem:s1+$0x4E20];
	v7 =	vadd.f32 v8, v6  }
0x1fc: {  	v8 =	vld [tilespmem:s1+$0x4E30]  }
0x1fd: {  	v6 =	vld [tilespmem:s1+$0x4E40];
	v15 =	vmul.f32 v7, v1  }
0x1fe: {  	v11 =	vadd.f32 v11, v9;
	v7 =	vld [tilespmem:s1+$0x7530]  }
0x1ff: {  	v9 =	vld [tilespmem:s1+$0x7540];
	v12 =	vadd.f32 v13, v12;
	v13 =	vadd.f32 v10, v14;
	v15 =	vmin.f32 v15, $1.000000000e+00  }
0x200: {  	s5 =	simm.s32 $0x40;
	s4 =	simm.s32 $0x0;
	v10 =	vld [tilespmem:s1+$0x7550];
	[tilespmem:s1+$0x9C70] =	vst v15  }
.LBB2_19:
0x201: {  	v14 =	vld [tilespmem:s5+$0x30];
	v5 =	vadd.f32 v5, v13;
	v8 =	vadd.f32 v8, v11  }
0x202: {  	s4 =	sadd.s32 $0x4, s4;
	v11 =	vld [tilespmem:s5+$0x2740];
	v6 =	vadd.f32 v6, v12  }
0x203: {  	p2 =	slt.u32 s4, $0x26C;
	v13 =	vld [tilespmem:s5+$0x2710];
	v5 =	vadd.f32 v7, v5  }
0x204: {  	v7 =	vld [tilespmem:s5+$0x4E50];
	v8 =	vadd.f32 v9, v8  }
0x205: {  	v9 =	vld [tilespmem:s5+$0x10];
	v5 =	vmul.f32 v5, v1;
	v6 =	vadd.f32 v10, v6  }
0x206: {  	v10 =	vld [tilespmem:s5+$0x7560];
	v8 =	vmul.f32 v8, v1  }
0x207: {  	v12 =	vld [tilespmem:s5+$0x2720];
	v11 =	vadd.f32 v11, v14;
	v5 =	vmin.f32 v5, $1.000000000e+00;
	v6 =	vmul.f32 v6, v1  }
0x208: {  	v14 =	vld [tilespmem:s5+$0x20];
	[tilespmem:s1+$0x9C40] =	vst v5;
	v5 =	vmin.f32 v8, $1.000000000e+00  }
0x209: {  	v15 =	vld [tilespmem:s5+$0x2730];
	v7 =	vadd.f32 v7, v11;
	[tilespmem:s1+$0x9C50] =	vst v5;
	v5 =	vmin.f32 v6, $1.000000000e+00  }
0x20a: {  	v16 =	vld [tilespmem:s5+$0x0];
	[tilespmem:s1+$0x9C60] =	vst v5;
	s1 =	smov.u32 s5  }
0x20b: {  	v5 =	vld [tilespmem:s5+$0x4E20];
	v7 =	vadd.f32 v10, v7  }
.Ltmp11:
0x20c: {  	v11 =	vadd.f32 v12, v9;
	v8 =	vld [tilespmem:s5+$0x4E30];
	(pc) =	sbr.rel @p2 .LBB2_19-.Ltmp11, $4  }
0x20d: {  	v6 =	vld [tilespmem:s5+$0x4E40];
	v10 =	vmul.f32 v7, v1  }
0x20e: {  	v7 =	vld [tilespmem:s5+$0x7530];
	v12 =	vadd.f32 v15, v14  }
0x20f: {  	v13 =	vadd.f32 v13, v16;
	v9 =	vld [tilespmem:s5+$0x7540];
	v14 =	vmin.f32 v10, $1.000000000e+00  }
0x210: {  	s5 =	sadd.s32 $0x40, s5;
	v10 =	vld [tilespmem:s1+$0x7550];
	[tilespmem:s1+$0x9C70] =	vst v14  }
0x211: {  	v5 =	vadd.f32 v5, v13  }
0x212: {  	v8 =	vadd.f32 v8, v11  }
0x213: {  	v6 =	vadd.f32 v6, v12;
	v5 =	vadd.f32 v7, v5  }
0x214: {  	v7 =	vadd.f32 v9, v8  }
0x215: {  	v5 =	vmul.f32 v5, v1;
	v6 =	vadd.f32 v10, v6  }
0x216: {  	v7 =	vmul.f32 v7, v1  }
0x217: {  	v5 =	vmin.f32 v5, $1.000000000e+00;
	v6 =	vmul.f32 v6, v1  }
0x218: {  	[tilespmem:s1+$0x9C40] =	vst v5;
	v5 =	vmin.f32 v7, $1.000000000e+00  }
0x219: {  	[tilespmem:s1+$0x9C50] =	vst v5;
	v5 =	vmin.f32 v6, $1.000000000e+00  }
0x21a: {  	[tilespmem:s1+$0x9C60] =	vst v5  }
0x21b: {  	v5 =	vld [tilespmem:$0x2700]  }
0x21c: {  	v6 =	vld [tilespmem:$0x4E10];
	_ =	sdelay $0x1  }
0x21d: {  	v7 =	vld [tilespmem:$0x7520];
	_ =	sdelay $0x1  }
0x21e: {  	v63 =	vld [tilespmem:$0x9C30]  }
0x21f: {  	v5 =	vadd.f32 v6, v5;
	_ =	sdelay $0x1  }
0x220: {  	v5 =	vadd.f32 v7, v5;
	_ =	sdelay $0x1  }
0x221: {  	v5 =	vadd.f32 v63, v5;
	_ =	sdelay $0x1  }
0x222: {  	v5 =	vmul.f32 v5, v1;
	_ =	sdelay $0x1  }
0x223: {  	v5 =	vmin.f32 v5, $1.000000000e+00  }
0x224: {  	s24 =	simm.s32 $0x0;
	s4 =	rddreg [dreg:$0xd];
	[tilespmem:$0xC340] =	vst v5  }
0x225: {  	[hbm4b:s4+s24] =	stream.linear.scatter [tilespmem:s14], [sflag:$0x6], $0x2710, $0x38;
	[tilespmem:$0x1F540] =	vst v63  }
.Ltmp12:
0x226: {  	_ = 	snop;
	(pc) =	sbr.rel @p1 .LBB2_24-.Ltmp12, $4  }
0x227: {  	_ =	swait.ge [sflag:s16], $0x2710  }
0x228: {  	s4 =	sld [smem:$0x7FA]  }
0x229: {  	[sflag:s16] =	ssyncset.done $0x0  }
0x22a: {  	[sflag:s16] =	ssyncadd.s32 $0xFFFFD8F0  }
0x22b: {  	s1 =	simm.s32 $0x0;
	s4 =	rddreg [dreg:$0x19]  }
0x22c: {  	[tilespmem:s1], [sflag:$0x2] =	stream.linear.gather [hbm4b:s4+s1], $0x2710, $0x38;
	[tilespmem:$0x1F540] =	vst v63  }
0x22d: {  	s21 =	rddreg [dreg:$0x1a]  }
0x22e: {  	[tilespmem:s7], [sflag:$0x3] =	stream.linear.gather [hbm4b:s21+s1], $0x2710, $0x38;
	[tilespmem:$0x1F540] =	vst v63  }
0x22f: {  	s22 =	rddreg [dreg:$0x1b]  }
0x230: {  	[tilespmem:s11], [sflag:$0x4] =	stream.linear.gather [hbm4b:s22+s1], $0x2710, $0x38;
	[tilespmem:$0x1F540] =	vst v63  }
0x231: {  	s23 =	rddreg [dreg:$0x1c];
	s24 =	simm.s32 $0x2  }
0x232: {  	[tilespmem:s12], [sflag:$0x5] =	stream.linear.gather [hbm4b:s23+s1], $0x2710, $0x38;
	[tilespmem:$0x1F540] =	vst v63  }
0x233: {  	_ =	swait.ge [sflag:s24], $0x2710  }
0x234: {  	[sflag:s24] =	ssyncset.done $0x0  }
0x235: {  	[sflag:s24] =	ssyncadd.s32 $0xFFFFD8F0  }
0x236: {  	_ =	swait.ge [sflag:s13], $0x2710  }
0x237: {  	[sflag:s13] =	ssyncset.done $0x0  }
0x238: {  	[sflag:s13] =	ssyncadd.s32 $0xFFFFD8F0  }
0x239: {  	_ =	swait.ge [sflag:s25], $0x2710  }
0x23a: {  	[sflag:s25] =	ssyncset.done $0x0  }
0x23b: {  	[sflag:s25] =	ssyncadd.s32 $0xFFFFD8F0  }
0x23c: {  	_ =	swait.ge [sflag:s26], $0x2710  }
0x23d: {  	[sflag:s26] =	ssyncset.done $0x0  }
0x23e: {  	[sflag:s26] =	ssyncadd.s32 $0xFFFFD8F0  }
0x23f: {  	v5 =	vld [tilespmem:s1+$0x30]  }
0x240: {  	v6 =	vld [tilespmem:s1+$0x2740]  }
0x241: {  	v10 =	vld [tilespmem:s1+$0x2710]  }
0x242: {  	v7 =	vld [tilespmem:s1+$0x4E50]  }
0x243: {  	v9 =	vld [tilespmem:s1+$0x10]  }
0x244: {  	v8 =	vld [tilespmem:s1+$0x7560]  }
0x245: {  	v11 =	vld [tilespmem:s1+$0x2720];
	v5 =	vadd.f32 v6, v5  }
0x246: {  	v12 =	vld [tilespmem:s1+$0x20]  }
0x247: {  	v13 =	vld [tilespmem:s1+$0x2730];
	v6 =	vadd.f32 v7, v5  }
0x248: {  	v14 =	vld [tilespmem:s1+$0x0]  }
0x249: {  	v5 =	vld [tilespmem:s1+$0x4E20];
	v7 =	vadd.f32 v8, v6  }
0x24a: {  	v8 =	vld [tilespmem:s1+$0x4E30]  }
0x24b: {  	v6 =	vld [tilespmem:s1+$0x4E40];
	v15 =	vmul.f32 $2.000000030e-01, v7  }
0x24c: {  	v11 =	vadd.f32 v11, v9;
	v7 =	vld [tilespmem:s1+$0x7530]  }
0x24d: {  	v9 =	vld [tilespmem:s1+$0x7540];
	v12 =	vadd.f32 v13, v12;
	v13 =	vadd.f32 v10, v14;
	v15 =	vmin.f32 v15, $1.000000000e+00  }
0x24e: {  	s5 =	simm.s32 $0x40;
	s4 =	simm.s32 $0x0;
	v10 =	vld [tilespmem:s1+$0x7550];
	[tilespmem:s1+$0x9C70] =	vst v15  }
.LBB2_22:
0x24f: {  	v14 =	vld [tilespmem:s5+$0x30];
	v5 =	vadd.f32 v5, v13;
	v8 =	vadd.f32 v8, v11  }
0x250: {  	s4 =	sadd.s32 $0x4, s4;
	v11 =	vld [tilespmem:s5+$0x2740];
	v6 =	vadd.f32 v6, v12  }
0x251: {  	p2 =	slt.u32 s4, $0x26C;
	v13 =	vld [tilespmem:s5+$0x2710];
	v5 =	vadd.f32 v7, v5  }
0x252: {  	v7 =	vld [tilespmem:s5+$0x4E50];
	v8 =	vadd.f32 v9, v8  }
0x253: {  	v9 =	vld [tilespmem:s5+$0x10];
	v5 =	vmul.f32 $2.000000030e-01, v5;
	v6 =	vadd.f32 v10, v6  }
0x254: {  	v10 =	vld [tilespmem:s5+$0x7560];
	v8 =	vmul.f32 $2.000000030e-01, v8  }
0x255: {  	v12 =	vld [tilespmem:s5+$0x2720];
	v11 =	vadd.f32 v11, v14;
	v5 =	vmin.f32 v5, $1.000000000e+00;
	v6 =	vmul.f32 $2.000000030e-01, v6  }
0x256: {  	v14 =	vld [tilespmem:s5+$0x20];
	[tilespmem:s1+$0x9C40] =	vst v5;
	v5 =	vmin.f32 v8, $1.000000000e+00  }
0x257: {  	v15 =	vld [tilespmem:s5+$0x2730];
	v7 =	vadd.f32 v7, v11;
	[tilespmem:s1+$0x9C50] =	vst v5;
	v5 =	vmin.f32 v6, $1.000000000e+00  }
0x258: {  	v16 =	vld [tilespmem:s5+$0x0];
	[tilespmem:s1+$0x9C60] =	vst v5;
	s1 =	smov.u32 s5  }
0x259: {  	v5 =	vld [tilespmem:s5+$0x4E20];
	v7 =	vadd.f32 v10, v7  }
.Ltmp13:
0x25a: {  	v11 =	vadd.f32 v12, v9;
	v8 =	vld [tilespmem:s5+$0x4E30];
	(pc) =	sbr.rel @p2 .LBB2_22-.Ltmp13, $4  }
0x25b: {  	v6 =	vld [tilespmem:s5+$0x4E40];
	v10 =	vmul.f32 $2.000000030e-01, v7  }
0x25c: {  	v7 =	vld [tilespmem:s5+$0x7530];
	v12 =	vadd.f32 v15, v14  }
0x25d: {  	v13 =	vadd.f32 v13, v16;
	v9 =	vld [tilespmem:s5+$0x7540];
	v14 =	vmin.f32 v10, $1.000000000e+00  }
0x25e: {  	s5 =	sadd.s32 $0x40, s5;
	v10 =	vld [tilespmem:s1+$0x7550];
	[tilespmem:s1+$0x9C70] =	vst v14  }
0x25f: {  	v5 =	vadd.f32 v5, v13  }
0x260: {  	v8 =	vadd.f32 v8, v11  }
0x261: {  	v6 =	vadd.f32 v6, v12;
	v5 =	vadd.f32 v7, v5  }
0x262: {  	v7 =	vadd.f32 v9, v8  }
0x263: {  	v5 =	vmul.f32 $2.000000030e-01, v5;
	v6 =	vadd.f32 v10, v6  }
0x264: {  	v7 =	vmul.f32 $2.000000030e-01, v7  }
0x265: {  	v5 =	vmin.f32 v5, $1.000000000e+00;
	v6 =	vmul.f32 $2.000000030e-01, v6  }
0x266: {  	[tilespmem:s1+$0x9C40] =	vst v5;
	v5 =	vmin.f32 v7, $1.000000000e+00  }
0x267: {  	[tilespmem:s1+$0x9C50] =	vst v5;
	v5 =	vmin.f32 v6, $1.000000000e+00  }
0x268: {  	[tilespmem:s1+$0x9C60] =	vst v5  }
0x269: {  	v5 =	vld [tilespmem:$0x2700]  }
0x26a: {  	v6 =	vld [tilespmem:$0x4E10];
	_ =	sdelay $0x1  }
0x26b: {  	v7 =	vld [tilespmem:$0x7520];
	_ =	sdelay $0x1  }
0x26c: {  	v63 =	vld [tilespmem:$0x9C30]  }
0x26d: {  	v5 =	vadd.f32 v6, v5;
	_ =	sdelay $0x1  }
0x26e: {  	v5 =	vadd.f32 v7, v5;
	_ =	sdelay $0x1  }
0x26f: {  	v5 =	vadd.f32 v63, v5;
	_ =	sdelay $0x1  }
0x270: {  	v5 =	vmul.f32 $2.000000030e-01, v5  }
0x271: {  	s4 =	sld [smem:$0x7FC]  }
0x272: {  	v5 =	vmin.f32 v5, $1.000000000e+00  }
0x273: {  	s24 =	simm.s32 $0x0;
	[tilespmem:$0xC340] =	vst v5  }
0x274: {  	[hbm4b:s4+s24] =	stream.linear.scatter [tilespmem:s14], [sflag:$0x6], $0x2710, $0x38;
	[tilespmem:$0x1F540] =	vst v63  }
.Ltmp14:
0x275: {  	_ = 	snop;
	(pc) =	sbr.rel .LBB2_24-.Ltmp14, $4  }
0x276: {  	_ =	swait.ge [sflag:s16], $0x2710  }
0x277: {  	s4 =	sld [smem:$0x7FA]  }
0x278: {  	[sflag:s16] =	ssyncset.done $0x0  }
0x279: {  	[sflag:s16] =	ssyncadd.s32 $0xFFFFD8F0  }
.LBB2_25:
0x27a: {  	_ =	sfence.sel $0x180000  }
0x27b: {  	[bflag:$0x0] =	sbarrier.arrive $0xFFFF  }
0x27c: {  	_ =	strace $0x90000047  }
0x27d: {  	s0 =	stileid.u32;
	[bflag:$0x2] =	sbarrier.arrive $0xFFFF  }
0x27e: {  	p0 =	sne.s32 s0, $0x0;
	s0 =	rddreg [dreg:$0x2]  }
0x27f: {  	s0 =	sadd.s32 @!p0 $0x100000, s0  }
0x280: {  	[sflag:s0] =	ssyncadd.tile.s32 @!p0 $0x1;
	_ =	shalt  }
.Lfunc_end2:
_tile_overlayer_lowered:
.L_overlay_start_2:
0x281: {  	(tag) =	ssettag $0x2  }
0x282: {  	s0 =	rddreg [dreg:$0x0];
	s2 =	stileid.u32  }
0x283: {  	s1 =	rddreg [dreg:$0x1];
	p0 =	sne.s32 s2, $0x0  }
0x284: {  	s3 =	rddreg [dreg:$0x2];
	[bflag:$0x3] =	sbarrier.arrive $0xFFFF;
	s2 =	simm.s32 @!p0 $0x1C06  }
0x285: {  	[timem:s3], [sflag:s2] =	dma.local @!p0 [hbm:s0], s1  }
0x286: {  	s0 =	simm.s32 @!p0 $0x6  }
0x287: {  	_ =	swait.ge @!p0 [sflag:s0], s1  }
0x288: {  	s1 =	ssub.s32 @!p0 $0x0, s1;
	[sflag:s0] =	ssyncset.done @!p0 $0x0  }
0x289: {  	[sflag:s0] =	ssyncadd.s32 @!p0 s1  }
0x28a: {  	[bflag:$0x3] =	sbarrier.arrive $0xFFFF  }
0x28b: {  	_ =	shalt  }

</sc_bundles>
